<compile_context>
chip_gen: v7x
topology: tpu7x:2x2x1
jax: 0.10.2.dev20260603
libtpu: 0.0.44.dev20260713+nightly
codegen_flags: <defaults>
</compile_context>

<pallas_src>
import functools

import jax
import jax.numpy as jnp
from jax import lax
from jax.experimental import pallas as pl
from jax.experimental.pallas import tpu as pltpu
from jax.experimental.pallas import tpu_sc as plsc

N_NODES = 10000
N_EDGES = 320000
D = 128
ED = 16
BN_EPS = 1e-5

NC = 2
NS = 16
L = 16
NW = NC * NS
EPW = N_EDGES // NW
C = 40
NCHUNK = EPW // C
RPT = 624
TAIL0 = N_NODES - NS * RPT


def _ea_body(attr_t_ref, w_ref, b_ref, o_ref):
    o_ref[...] = lax.dot_general(
        attr_t_ref[...], w_ref[...],
        dimension_numbers=(((0,), (0,)), ((), ())),
        preferred_element_type=jnp.float32,
    ) + b_ref[...]


def _edge_linear(attr_t, W_edge, b_edge):
    EB = 6400
    return pl.pallas_call(
        _ea_body,
        grid=(N_EDGES // EB,),
        in_specs=[
            pl.BlockSpec((ED, EB), lambda i: (0, i)),
            pl.BlockSpec((ED, D), lambda i: (0, 0)),
            pl.BlockSpec((1, D), lambda i: (0, 0)),
        ],
        out_specs=pl.BlockSpec((EB, D), lambda i: (i, 0)),
        out_shape=jax.ShapeDtypeStruct((N_EDGES, D), jnp.float32),
    )(attr_t, W_edge, b_edge.reshape(1, D))


def _sc_aggregate(x, src, dst, ea, zrows):
    mesh = plsc.VectorSubcoreMesh(core_axis_name="c", subcore_axis_name="s")
    NGRP = (NCHUNK - 2) // 4

    @functools.partial(
        pl.kernel,
        out_type=jax.ShapeDtypeStruct((NC, N_NODES, D), jnp.float32),
        mesh=mesh,
        scratch_types=[
            [pltpu.VMEM((C,), jnp.int32) for _ in range(4)],
            [pltpu.VMEM((C,), jnp.int32) for _ in range(4)],
            [pltpu.VMEM((C, D), jnp.float32) for _ in range(4)],
            [pltpu.VMEM((C, D), jnp.float32) for _ in range(4)],
            pltpu.VMEM_SHARED((N_NODES, D), jnp.float32),
            [pltpu.SemaphoreType.DMA for _ in range(8)],
        ],
    )
    def k(x_hbm, src_hbm, dst_hbm, ea_hbm, z_hbm, out_hbm,
          sidx, didx, eab, xr, aggr_sh, sems):
        sem_in = sems[0:2]
        sem_g = sems[2:4]
        sem_sc = sems[4:6]
        sem_d = sems[6:8]
        cc = lax.axis_index("c")
        ss = lax.axis_index("s")
        wid = cc * NS + ss
        pltpu.sync_copy(z_hbm.at[pl.ds(0, RPT)], aggr_sh.at[pl.ds(ss * RPT, RPT)])

        @pl.when(ss == 0)
        def _ztail():
            pltpu.sync_copy(z_hbm.at[pl.ds(0, TAIL0)],
                            aggr_sh.at[pl.ds(NS * RPT, TAIL0)])

        plsc.subcore_barrier()

        base_w = wid * EPW

        def in_pairs(i, s2, s4):
            base = pl.multiple_of(base_w + i * C, C)
            return (
                (src_hbm.at[pl.ds(base, C)], sidx[s4], sem_in[s2]),
                (ea_hbm.at[pl.ds(base, C)], eab[s4], sem_in[s2]),
            )

        def issue_in(i, s2, s4):
            for a, b, s in in_pairs(i, s2, s4):
                pltpu.async_copy(a, b, s)

        def wait_in(i, s2, s4):
            for a, b, s in in_pairs(i, s2, s4):
                pltpu.make_async_copy(a, b, s).wait()

        def d_pair(i, s2, s4):
            base = pl.multiple_of(base_w + i * C, C)
            return (dst_hbm.at[pl.ds(base, C)], didx[s4], sem_d[s2])

        def issue_d(i, s2, s4):
            a, b, s = d_pair(i, s2, s4)
            pltpu.async_copy(a, b, s)

        def wait_d(i, s2, s4):
            a, b, s = d_pair(i, s2, s4)
            pltpu.make_async_copy(a, b, s).wait()

        def issue_g(s2, s4):
            pltpu.async_copy(x_hbm.at[sidx[s4]], xr[s4], sem_g[s2])

        def wait_g(s2, s4):
            pltpu.make_async_copy(x_hbm.at[sidx[s4]], xr[s4], sem_g[s2]).wait()

        def issue_sc(s2, s4):
            pltpu.async_copy(xr[s4], aggr_sh.at[didx[s4]], sem_sc[s2], add=True)

        def wait_sc(s2, s4):
            pltpu.make_async_copy(xr[s4], aggr_sh.at[didx[s4]], sem_sc[s2]).wait()

        def valu(s4):
            @pl.loop(0, C // 2)
            def _rows(q):
                for e in range(2):
                    r = 2 * q + e
                    for g in range(D // L):
                        seg = pl.ds(L * g, L)
                        xr[s4][r, seg] = jnp.maximum(
                            xr[s4][r, seg] + eab[s4][r, seg], 0.0)

        issue_in(0, 0, 0)
        issue_in(1, 1, 1)
        issue_d(0, 0, 0)
        issue_d(1, 1, 1)
        wait_in(0, 0, 0)
        issue_g(0, 0)
        issue_in(2, 0, 2)
        wait_in(1, 1, 1)
        issue_g(1, 1)

        @pl.loop(0, NGRP)
        def _grp(jg):
            for b in range(4):
                i = jg * 4 + b
                s2 = b % 2
                if b >= 2:
                    wait_sc((b - 2) % 2, b - 2)
                else:
                    @pl.when(jg > 0)
                    def _wsc():
                        wait_sc((b - 2) % 2, (b - 2) % 4)
                wait_g(s2, b)
                wait_d(i, s2, b)
                issue_d(i + 2, s2, (b + 2) % 4)
                if b == 3:
                    @pl.when(jg < NGRP - 1)
                    def _pf():
                        issue_in(i + 3, (b + 3) % 2, (b + 3) % 4)
                else:
                    issue_in(i + 3, (b + 3) % 2, (b + 3) % 4)
                wait_in(i + 2, s2, (b + 2) % 4)
                issue_g(s2, (b + 2) % 4)
                valu(b)
                issue_sc(s2, b)

        wait_sc(0, 2)
        wait_g(0, 0)
        wait_d(NCHUNK - 2, 0, 0)
        valu(0)
        issue_sc(0, 0)
        wait_sc(1, 3)
        wait_g(1, 1)
        wait_d(NCHUNK - 1, 1, 1)
        valu(1)
        issue_sc(1, 1)
        wait_sc(0, 0)
        wait_sc(1, 1)

        plsc.subcore_barrier()
        pltpu.sync_copy(
            aggr_sh.at[pl.ds(ss * RPT, RPT)],
            out_hbm.at[cc].at[pl.ds(ss * RPT, RPT)],
        )

        @pl.when(ss == 0)
        def _otail():
            pltpu.sync_copy(
                aggr_sh.at[pl.ds(NS * RPT, TAIL0)],
                out_hbm.at[cc].at[pl.ds(NS * RPT, TAIL0)],
            )

    return k(x, src, dst, ea, zrows)


def _mlp_body(x_ref, a_ref, eps_ref, w1_ref, b1_ref, g1_ref, be1_ref,
              w2_ref, b2_ref, g2_ref, be2_ref, o_ref):
    h = (1.0 + eps_ref[0, 0]) * x_ref[...] + a_ref[0] + a_ref[1]
    h = jnp.dot(h, w1_ref[...], preferred_element_type=jnp.float32) + b1_ref[...]
    mean = jnp.mean(h, axis=0, keepdims=True)
    var = jnp.mean((h - mean) ** 2, axis=0, keepdims=True)
    h = (h - mean) / jnp.sqrt(var + BN_EPS) * g1_ref[...] + be1_ref[...]
    h = jnp.maximum(h, 0.0)
    h = jnp.dot(h, w2_ref[...], preferred_element_type=jnp.float32) + b2_ref[...]
    mean = jnp.mean(h, axis=0, keepdims=True)
    var = jnp.mean((h - mean) ** 2, axis=0, keepdims=True)
    h = (h - mean) / jnp.sqrt(var + BN_EPS) * g2_ref[...] + be2_ref[...]
    o_ref[...] = jnp.maximum(h, 0.0)


def _node_mlp(x, aggr2, eps, W1, b1, g1, be1, W2, b2, g2, be2):
    H = 2 * D
    return pl.pallas_call(
        _mlp_body,
        out_shape=jax.ShapeDtypeStruct((N_NODES, D), jnp.float32),
    )(
        x, aggr2, jnp.reshape(eps, (1, 1)),
        W1, b1.reshape(1, H), g1.reshape(1, H), be1.reshape(1, H),
        W2, b2.reshape(1, D), g2.reshape(1, D), be2.reshape(1, D),
    )


def kernel(x, edge_index, edge_attr_processed, W_edge, b_edge, eps,
           W1, b1, g1, be1, W2, b2, g2, be2):
    src = edge_index[0]
    dst = edge_index[1]
    ea = _edge_linear(edge_attr_processed.T, W_edge, b_edge)
    zrows = jnp.zeros((RPT, D), dtype=jnp.float32)
    aggr2 = _sc_aggregate(x, src, dst, ea, zrows)
    return _node_mlp(x, aggr2, eps, W1, b1, g1, be1, W2, b2, g2, be2)

# --- scband reference (transcript-rebuilt; emitter-appended) ---
"""Pipeline reference for scband-ginelayer-light-65008624992405 (READ-ONLY COPY).

The authoritative reference and input builder live on the scoring server;
editing this copy changes nothing except your own understanding.
"""

import jax, jax.numpy as jnp
import numpy as np

N_NODES = 10000
N_EDGES = 320000
NODE_DIM = 128
EDGE_DIM = 16
BN_EPS = 1e-5


def setup_inputs(seed: int = 0) -> dict:
    key = jax.random.key(seed)
    ks = jax.random.split(key, 12)
    x = jax.random.normal(ks[0], (N_NODES, NODE_DIM), dtype=jnp.float32)
    edge_index = jax.random.randint(ks[1], (2, N_EDGES), 0, N_NODES, dtype=jnp.int32)
    edge_attr_processed = jax.random.normal(ks[2], (N_EDGES, EDGE_DIM), dtype=jnp.float32)
    # GINEConv edge lin: edge_dim -> node_dim
    W_edge = jax.random.normal(ks[3], (EDGE_DIM, NODE_DIM), dtype=jnp.float32) * 0.1
    b_edge = jnp.zeros((NODE_DIM,), dtype=jnp.float32)
    # trainable eps (train_eps=True, init 0.0)
    eps = jnp.float32(0.0)
    # MLP: Linear(D, 2D) -> BN(2D) -> ReLU -> Linear(2D, D)
    W1 = jax.random.normal(ks[4], (NODE_DIM, 2 * NODE_DIM), dtype=jnp.float32) * 0.05
    b1 = jnp.zeros((2 * NODE_DIM,), dtype=jnp.float32)
    g1 = jnp.ones((2 * NODE_DIM,), dtype=jnp.float32)
    be1 = jnp.zeros((2 * NODE_DIM,), dtype=jnp.float32)
    W2 = jax.random.normal(ks[5], (2 * NODE_DIM, NODE_DIM), dtype=jnp.float32) * 0.05
    b2 = jnp.zeros((NODE_DIM,), dtype=jnp.float32)
    # outer PyG BatchNorm(node_dim)
    g2 = jnp.ones((NODE_DIM,), dtype=jnp.float32)
    be2 = jnp.zeros((NODE_DIM,), dtype=jnp.float32)
    return {
        'x': x, 'edge_index': edge_index, 'edge_attr_processed': edge_attr_processed,
        'W_edge': W_edge, 'b_edge': b_edge, 'eps': eps,
        'W1': W1, 'b1': b1, 'g1': g1, 'be1': be1,
        'W2': W2, 'b2': b2, 'g2': g2, 'be2': be2,
    }


def _batchnorm(h, gamma, beta):
    mean = jnp.mean(h, axis=0)
    var = jnp.var(h, axis=0)
    return (h - mean) / jnp.sqrt(var + BN_EPS) * gamma + beta


def reference(x, edge_index, edge_attr_processed, W_edge, b_edge, eps,
              W1, b1, g1, be1, W2, b2, g2, be2):
    src = edge_index[0]
    dst = edge_index[1]
    # GINEConv message: relu(x_j + lin(edge_attr))
    ea = edge_attr_processed @ W_edge + b_edge
    msg = jax.nn.relu(jnp.take(x, src, axis=0) + ea)
    # sum aggregation at destination nodes
    aggr = jax.ops.segment_sum(msg, dst, num_segments=x.shape[0])
    h = (1.0 + eps) * x + aggr
    # MLP: Linear -> BN -> ReLU -> Linear
    h = h @ W1 + b1
    h = _batchnorm(h, g1, be1)
    h = jax.nn.relu(h)
    h = h @ W2 + b2
    # outer BatchNorm -> ReLU -> Dropout (identity in eval/deterministic)
    h = _batchnorm(h, g2, be2)
    h = jax.nn.relu(h)
    return h

if __name__ == "__main__":
    import jax
    _d = setup_inputs()
    print(jax.jit(kernel)(*tuple(_d.values())))

</pallas_src>

<mosaic_0001>
#map = affine_map<(d0, d1) -> (0, 0)>
#map1 = affine_map<(d0, d1) -> (0)>
#map2 = affine_map<(d0, d1) -> (0, 0, 0)>
module attributes {stable_mosaic.version = 14 : i64} {
  func.func @k(%arg0: i32, %arg1: i32, %arg2: memref<10000x128xf32, #tpu.memory_space<hbm>>, %arg3: memref<320000xi32, #tpu.memory_space<hbm>>, %arg4: memref<320000xi32, #tpu.memory_space<hbm>>, %arg5: memref<320000x128xf32, #tpu.memory_space<hbm>>, %arg6: memref<624x128xf32, #tpu.memory_space<hbm>>, %arg7: memref<2x10000x128xf32, #tpu.memory_space<hbm>>, %arg8: memref<40xi32, #tpu.memory_space<vmem>>, %arg9: memref<40xi32, #tpu.memory_space<vmem>>, %arg10: memref<40xi32, #tpu.memory_space<vmem>>, %arg11: memref<40xi32, #tpu.memory_space<vmem>>, %arg12: memref<40xi32, #tpu.memory_space<vmem>>, %arg13: memref<40xi32, #tpu.memory_space<vmem>>, %arg14: memref<40xi32, #tpu.memory_space<vmem>>, %arg15: memref<40xi32, #tpu.memory_space<vmem>>, %arg16: memref<40x128xf32, #tpu.memory_space<vmem>>, %arg17: memref<40x128xf32, #tpu.memory_space<vmem>>, %arg18: memref<40x128xf32, #tpu.memory_space<vmem>>, %arg19: memref<40x128xf32, #tpu.memory_space<vmem>>, %arg20: memref<40x128xf32, #tpu.memory_space<vmem>>, %arg21: memref<40x128xf32, #tpu.memory_space<vmem>>, %arg22: memref<40x128xf32, #tpu.memory_space<vmem>>, %arg23: memref<40x128xf32, #tpu.memory_space<vmem>>, %arg24: memref<10000x128xf32, #tpu.memory_space<vmem_shared>>, %arg25: memref<!tpu.dma_semaphore, #tpu.memory_space<semaphore_mem>>, %arg26: memref<!tpu.dma_semaphore, #tpu.memory_space<semaphore_mem>>, %arg27: memref<!tpu.dma_semaphore, #tpu.memory_space<semaphore_mem>>, %arg28: memref<!tpu.dma_semaphore, #tpu.memory_space<semaphore_mem>>, %arg29: memref<!tpu.dma_semaphore, #tpu.memory_space<semaphore_mem>>, %arg30: memref<!tpu.dma_semaphore, #tpu.memory_space<semaphore_mem>>, %arg31: memref<!tpu.dma_semaphore, #tpu.memory_space<semaphore_mem>>, %arg32: memref<!tpu.dma_semaphore, #tpu.memory_space<semaphore_mem>>) attributes {dimension_semantics = [#tpu.dimension_semantics<core_parallel>, #tpu.dimension_semantics<subcore_parallel>], iteration_bounds = array<i64: 2, 16>, scalar_prefetch = 0 : i64, scratch_operands = 25 : i64, tpu.core_type = #tpu.core_type<sc_vector_subcore>, window_params = [{transform_indices = #map}, {transform_indices = #map1}, {transform_indices = #map1}, {transform_indices = #map}, {transform_indices = #map}, {transform_indices = #map2}]} {
    %mul3A = arith.constant 16 : i32
    %mul3A_0 = arith.muli %arg0, %mul3A : i32
    %add3A = arith.addi %mul3A_0, %arg1 : i32
    %mul3A_1 = arith.constant 624 : i32
    %mul3A_2 = arith.muli %arg1, %mul3A_1 : i32
    "tpu.region"() ({
      %run_scoped3A = tpu.sem_alloc : memref<!tpu.dma_semaphore, #tpu.memory_space<semaphore_mem>>
      %dma_start3A_123 = arith.constant 0 : i32
      %dma_start3A_124 = tpu.memref_slice %arg24[%mul3A_2, %dma_start3A_123] : memref<10000x128xf32, #tpu.memory_space<vmem_shared>> -> memref<624x128xf32, #tpu.memory_space<vmem_shared>>
      %dma_start3A_125 = arith.constant 0 : i32
      %dma_start3A_126 = arith.constant 0 : i32
      %dma_start3A_127 = tpu.memref_slice %arg6[%dma_start3A_125, %dma_start3A_126] : memref<624x128xf32, #tpu.memory_space<hbm>> -> memref<624x128xf32, #tpu.memory_space<hbm>>
      tpu.enqueue_dma source(%dma_start3A_127 : memref<624x128xf32, #tpu.memory_space<hbm>>) target(%dma_start3A_124 : memref<624x128xf32, #tpu.memory_space<vmem_shared>>) target_semaphore(%run_scoped3A : memref<!tpu.dma_semaphore, #tpu.memory_space<semaphore_mem>>)
      %dma_wait3A_128 = arith.constant 0 : i32
      %dma_wait3A_129 = tpu.memref_slice %arg24[%mul3A_2, %dma_wait3A_128] : memref<10000x128xf32, #tpu.memory_space<vmem_shared>> -> memref<624x128xf32, #tpu.memory_space<vmem_shared>>
      %dma_wait3A_130 = arith.constant 0 : i32
      %dma_wait3A_131 = arith.constant 0 : i32
      %dma_wait3A_132 = tpu.memref_slice %arg6[%dma_wait3A_130, %dma_wait3A_131] : memref<624x128xf32, #tpu.memory_space<hbm>> -> memref<624x128xf32, #tpu.memory_space<hbm>>
      tpu.wait_dma2 semaphore(%run_scoped3A : memref<!tpu.dma_semaphore, #tpu.memory_space<semaphore_mem>>) src(%dma_wait3A_132 : memref<624x128xf32, #tpu.memory_space<hbm>>) dst(%dma_wait3A_129 : memref<624x128xf32, #tpu.memory_space<vmem_shared>>)
      tpu.yield
    }) : () -> ()
    %eq3A = arith.constant 0 : i32
    %eq3A_3 = arith.cmpi eq, %arg1, %eq3A : i32
    %convert_element_type3A = arith.extui %eq3A_3 : i1 to i32
    %cond3A = arith.constant 0 : i32
    %cond3A_4 = arith.cmpi ne, %convert_element_type3A, %cond3A : i32
    scf.if %cond3A_4 {
      "tpu.region"() ({
        %run_scoped3A = tpu.sem_alloc : memref<!tpu.dma_semaphore, #tpu.memory_space<semaphore_mem>>
        %dma_start3A_123 = arith.constant 9984 : i32
        %dma_start3A_124 = arith.constant 0 : i32
        %dma_start3A_125 = tpu.memref_slice %arg24[%dma_start3A_123, %dma_start3A_124] : memref<10000x128xf32, #tpu.memory_space<vmem_shared>> -> memref<16x128xf32, #tpu.memory_space<vmem_shared>>
        %dma_start3A_126 = arith.constant 0 : i32
        %dma_start3A_127 = arith.constant 0 : i32
        %dma_start3A_128 = tpu.memref_slice %arg6[%dma_start3A_126, %dma_start3A_127] : memref<624x128xf32, #tpu.memory_space<hbm>> -> memref<16x128xf32, #tpu.memory_space<hbm>>
        tpu.enqueue_dma source(%dma_start3A_128 : memref<16x128xf32, #tpu.memory_space<hbm>>) target(%dma_start3A_125 : memref<16x128xf32, #tpu.memory_space<vmem_shared>>) target_semaphore(%run_scoped3A : memref<!tpu.dma_semaphore, #tpu.memory_space<semaphore_mem>>)
        %dma_wait3A_129 = arith.constant 9984 : i32
        %dma_wait3A_130 = arith.constant 0 : i32
        %dma_wait3A_131 = tpu.memref_slice %arg24[%dma_wait3A_129, %dma_wait3A_130] : memref<10000x128xf32, #tpu.memory_space<vmem_shared>> -> memref<16x128xf32, #tpu.memory_space<vmem_shared>>
        %dma_wait3A_132 = arith.constant 0 : i32
        %dma_wait3A_133 = arith.constant 0 : i32
        %dma_wait3A_134 = tpu.memref_slice %arg6[%dma_wait3A_132, %dma_wait3A_133] : memref<624x128xf32, #tpu.memory_space<hbm>> -> memref<16x128xf32, #tpu.memory_space<hbm>>
        tpu.wait_dma2 semaphore(%run_scoped3A : memref<!tpu.dma_semaphore, #tpu.memory_space<semaphore_mem>>) src(%dma_wait3A_134 : memref<16x128xf32, #tpu.memory_space<hbm>>) dst(%dma_wait3A_131 : memref<16x128xf32, #tpu.memory_space<vmem_shared>>)
        tpu.yield
      }) : () -> ()
    } else {
    }
    %barrier3A = arith.constant 0 : index
    tpu.barrier barrier_id(%barrier3A)
    %mul3A_5 = arith.constant 10000 : i32
    %mul3A_6 = arith.muli %add3A, %mul3A_5 : i32
    %add3A_7 = arith.constant 0 : i32
    %add3A_8 = arith.addi %mul3A_6, %add3A_7 : i32
    %multiple_of3A = tpu.assume_multiple %add3A_8, 40 : i32
    %dma_start3A = tpu.memref_slice %arg3[%multiple_of3A] : memref<320000xi32, #tpu.memory_space<hbm>> -> memref<40xi32, #tpu.memory_space<hbm>>
    %dma_start3A_9 = tpu.memref_slice %arg3[%multiple_of3A] : memref<320000xi32, #tpu.memory_space<hbm>> -> memref<40xi32, #tpu.memory_space<hbm>>
    tpu.enqueue_dma source(%dma_start3A_9 : memref<40xi32, #tpu.memory_space<hbm>>) target(%arg8 : memref<40xi32, #tpu.memory_space<vmem>>) target_semaphore(%arg25 : memref<!tpu.dma_semaphore, #tpu.memory_space<semaphore_mem>>)
    %dma_start3A_10 = arith.constant 0 : i32
    %dma_start3A_11 = tpu.memref_slice %arg5[%multiple_of3A, %dma_start3A_10] : memref<320000x128xf32, #tpu.memory_space<hbm>> -> memref<40x128xf32, #tpu.memory_space<hbm>>
    %dma_start3A_12 = arith.constant 0 : i32
    %dma_start3A_13 = tpu.memref_slice %arg5[%multiple_of3A, %dma_start3A_12] : memref<320000x128xf32, #tpu.memory_space<hbm>> -> memref<40x128xf32, #tpu.memory_space<hbm>>
    tpu.enqueue_dma source(%dma_start3A_13 : memref<40x128xf32, #tpu.memory_space<hbm>>) target(%arg16 : memref<40x128xf32, #tpu.memory_space<vmem>>) target_semaphore(%arg25 : memref<!tpu.dma_semaphore, #tpu.memory_space<semaphore_mem>>)
    %add3A_14 = arith.constant 40 : i32
    %add3A_15 = arith.addi %mul3A_6, %add3A_14 : i32
    %multiple_of3A_16 = tpu.assume_multiple %add3A_15, 40 : i32
    %dma_start3A_17 = tpu.memref_slice %arg3[%multiple_of3A_16] : memref<320000xi32, #tpu.memory_space<hbm>> -> memref<40xi32, #tpu.memory_space<hbm>>
    %dma_start3A_18 = tpu.memref_slice %arg3[%multiple_of3A_16] : memref<320000xi32, #tpu.memory_space<hbm>> -> memref<40xi32, #tpu.memory_space<hbm>>
    tpu.enqueue_dma source(%dma_start3A_18 : memref<40xi32, #tpu.memory_space<hbm>>) target(%arg9 : memref<40xi32, #tpu.memory_space<vmem>>) target_semaphore(%arg26 : memref<!tpu.dma_semaphore, #tpu.memory_space<semaphore_mem>>)
    %dma_start3A_19 = arith.constant 0 : i32
    %dma_start3A_20 = tpu.memref_slice %arg5[%multiple_of3A_16, %dma_start3A_19] : memref<320000x128xf32, #tpu.memory_space<hbm>> -> memref<40x128xf32, #tpu.memory_space<hbm>>
    %dma_start3A_21 = arith.constant 0 : i32
    %dma_start3A_22 = tpu.memref_slice %arg5[%multiple_of3A_16, %dma_start3A_21] : memref<320000x128xf32, #tpu.memory_space<hbm>> -> memref<40x128xf32, #tpu.memory_space<hbm>>
    tpu.enqueue_dma source(%dma_start3A_22 : memref<40x128xf32, #tpu.memory_space<hbm>>) target(%arg17 : memref<40x128xf32, #tpu.memory_space<vmem>>) target_semaphore(%arg26 : memref<!tpu.dma_semaphore, #tpu.memory_space<semaphore_mem>>)
    %add3A_23 = arith.constant 0 : i32
    %add3A_24 = arith.addi %mul3A_6, %add3A_23 : i32
    %multiple_of3A_25 = tpu.assume_multiple %add3A_24, 40 : i32
    %dma_start3A_26 = tpu.memref_slice %arg4[%multiple_of3A_25] : memref<320000xi32, #tpu.memory_space<hbm>> -> memref<40xi32, #tpu.memory_space<hbm>>
    %dma_start3A_27 = tpu.memref_slice %arg4[%multiple_of3A_25] : memref<320000xi32, #tpu.memory_space<hbm>> -> memref<40xi32, #tpu.memory_space<hbm>>
    tpu.enqueue_dma source(%dma_start3A_27 : memref<40xi32, #tpu.memory_space<hbm>>) target(%arg12 : memref<40xi32, #tpu.memory_space<vmem>>) target_semaphore(%arg31 : memref<!tpu.dma_semaphore, #tpu.memory_space<semaphore_mem>>)
    %add3A_28 = arith.constant 40 : i32
    %add3A_29 = arith.addi %mul3A_6, %add3A_28 : i32
    %multiple_of3A_30 = tpu.assume_multiple %add3A_29, 40 : i32
    %dma_start3A_31 = tpu.memref_slice %arg4[%multiple_of3A_30] : memref<320000xi32, #tpu.memory_space<hbm>> -> memref<40xi32, #tpu.memory_space<hbm>>
    %dma_start3A_32 = tpu.memref_slice %arg4[%multiple_of3A_30] : memref<320000xi32, #tpu.memory_space<hbm>> -> memref<40xi32, #tpu.memory_space<hbm>>
    tpu.enqueue_dma source(%dma_start3A_32 : memref<40xi32, #tpu.memory_space<hbm>>) target(%arg13 : memref<40xi32, #tpu.memory_space<vmem>>) target_semaphore(%arg32 : memref<!tpu.dma_semaphore, #tpu.memory_space<semaphore_mem>>)
    %add3A_33 = arith.constant 0 : i32
    %add3A_34 = arith.addi %mul3A_6, %add3A_33 : i32
    %multiple_of3A_35 = tpu.assume_multiple %add3A_34, 40 : i32
    %dma_wait3A = tpu.memref_slice %arg3[%multiple_of3A_35] : memref<320000xi32, #tpu.memory_space<hbm>> -> memref<40xi32, #tpu.memory_space<hbm>>
    %dma_wait3A_36 = tpu.memref_slice %arg3[%multiple_of3A_35] : memref<320000xi32, #tpu.memory_space<hbm>> -> memref<40xi32, #tpu.memory_space<hbm>>
    tpu.wait_dma2 semaphore(%arg25 : memref<!tpu.dma_semaphore, #tpu.memory_space<semaphore_mem>>) src(%dma_wait3A_36 : memref<40xi32, #tpu.memory_space<hbm>>) dst(%arg8 : memref<40xi32, #tpu.memory_space<vmem>>)
    %dma_wait3A_37 = arith.constant 0 : i32
    %dma_wait3A_38 = tpu.memref_slice %arg5[%multiple_of3A_35, %dma_wait3A_37] : memref<320000x128xf32, #tpu.memory_space<hbm>> -> memref<40x128xf32, #tpu.memory_space<hbm>>
    %dma_wait3A_39 = arith.constant 0 : i32
    %dma_wait3A_40 = tpu.memref_slice %arg5[%multiple_of3A_35, %dma_wait3A_39] : memref<320000x128xf32, #tpu.memory_space<hbm>> -> memref<40x128xf32, #tpu.memory_space<hbm>>
    tpu.wait_dma2 semaphore(%arg25 : memref<!tpu.dma_semaphore, #tpu.memory_space<semaphore_mem>>) src(%dma_wait3A_40 : memref<40x128xf32, #tpu.memory_space<hbm>>) dst(%arg16 : memref<40x128xf32, #tpu.memory_space<vmem>>)
    %dma_start3A_41 = arith.constant 0 : i32
    %dma_start3A_42 = arith.constant 0 : i32
    %dma_start3A_43 = tpu.memref_slice %arg2[%dma_start3A_41, %dma_start3A_42] : memref<10000x128xf32, #tpu.memory_space<hbm>> -> memref<10000x128xf32, #tpu.memory_space<hbm>>
    tpu.enqueue_indirect_dma source(%dma_start3A_43 : memref<10000x128xf32, #tpu.memory_space<hbm>>) target(%arg20 : memref<40x128xf32, #tpu.memory_space<vmem>>) offsets(%arg8 : memref<40xi32, #tpu.memory_space<vmem>>) semaphore(%arg27 : memref<!tpu.dma_semaphore, #tpu.memory_space<semaphore_mem>>)
    %add3A_44 = arith.constant 80 : i32
    %add3A_45 = arith.addi %mul3A_6, %add3A_44 : i32
    %multiple_of3A_46 = tpu.assume_multiple %add3A_45, 40 : i32
    %dma_start3A_47 = tpu.memref_slice %arg3[%multiple_of3A_46] : memref<320000xi32, #tpu.memory_space<hbm>> -> memref<40xi32, #tpu.memory_space<hbm>>
    %dma_start3A_48 = tpu.memref_slice %arg3[%multiple_of3A_46] : memref<320000xi32, #tpu.memory_space<hbm>> -> memref<40xi32, #tpu.memory_space<hbm>>
    tpu.enqueue_dma source(%dma_start3A_48 : memref<40xi32, #tpu.memory_space<hbm>>) target(%arg10 : memref<40xi32, #tpu.memory_space<vmem>>) target_semaphore(%arg25 : memref<!tpu.dma_semaphore, #tpu.memory_space<semaphore_mem>>)
    %dma_start3A_49 = arith.constant 0 : i32
    %dma_start3A_50 = tpu.memref_slice %arg5[%multiple_of3A_46, %dma_start3A_49] : memref<320000x128xf32, #tpu.memory_space<hbm>> -> memref<40x128xf32, #tpu.memory_space<hbm>>
    %dma_start3A_51 = arith.constant 0 : i32
    %dma_start3A_52 = tpu.memref_slice %arg5[%multiple_of3A_46, %dma_start3A_51] : memref<320000x128xf32, #tpu.memory_space<hbm>> -> memref<40x128xf32, #tpu.memory_space<hbm>>
    tpu.enqueue_dma source(%dma_start3A_52 : memref<40x128xf32, #tpu.memory_space<hbm>>) target(%arg18 : memref<40x128xf32, #tpu.memory_space<vmem>>) target_semaphore(%arg25 : memref<!tpu.dma_semaphore, #tpu.memory_space<semaphore_mem>>)
    %add3A_53 = arith.constant 40 : i32
    %add3A_54 = arith.addi %mul3A_6, %add3A_53 : i32
    %multiple_of3A_55 = tpu.assume_multiple %add3A_54, 40 : i32
    %dma_wait3A_56 = tpu.memref_slice %arg3[%multiple_of3A_55] : memref<320000xi32, #tpu.memory_space<hbm>> -> memref<40xi32, #tpu.memory_space<hbm>>
    %dma_wait3A_57 = tpu.memref_slice %arg3[%multiple_of3A_55] : memref<320000xi32, #tpu.memory_space<hbm>> -> memref<40xi32, #tpu.memory_space<hbm>>
    tpu.wait_dma2 semaphore(%arg26 : memref<!tpu.dma_semaphore, #tpu.memory_space<semaphore_mem>>) src(%dma_wait3A_57 : memref<40xi32, #tpu.memory_space<hbm>>) dst(%arg9 : memref<40xi32, #tpu.memory_space<vmem>>)
    %dma_wait3A_58 = arith.constant 0 : i32
    %dma_wait3A_59 = tpu.memref_slice %arg5[%multiple_of3A_55, %dma_wait3A_58] : memref<320000x128xf32, #tpu.memory_space<hbm>> -> memref<40x128xf32, #tpu.memory_space<hbm>>
    %dma_wait3A_60 = arith.constant 0 : i32
    %dma_wait3A_61 = tpu.memref_slice %arg5[%multiple_of3A_55, %dma_wait3A_60] : memref<320000x128xf32, #tpu.memory_space<hbm>> -> memref<40x128xf32, #tpu.memory_space<hbm>>
    tpu.wait_dma2 semaphore(%arg26 : memref<!tpu.dma_semaphore, #tpu.memory_space<semaphore_mem>>) src(%dma_wait3A_61 : memref<40x128xf32, #tpu.memory_space<hbm>>) dst(%arg17 : memref<40x128xf32, #tpu.memory_space<vmem>>)
    %dma_start3A_62 = arith.constant 0 : i32
    %dma_start3A_63 = arith.constant 0 : i32
    %dma_start3A_64 = tpu.memref_slice %arg2[%dma_start3A_62, %dma_start3A_63] : memref<10000x128xf32, #tpu.memory_space<hbm>> -> memref<10000x128xf32, #tpu.memory_space<hbm>>
    tpu.enqueue_indirect_dma source(%dma_start3A_64 : memref<10000x128xf32, #tpu.memory_space<hbm>>) target(%arg21 : memref<40x128xf32, #tpu.memory_space<vmem>>) offsets(%arg9 : memref<40xi32, #tpu.memory_space<vmem>>) semaphore(%arg28 : memref<!tpu.dma_semaphore, #tpu.memory_space<semaphore_mem>>)
    %scan3A = arith.constant 0 : i32
    %scan3A_65 = arith.constant 62 : i32
    %scan3A_66 = arith.addi %scan3A, %scan3A_65 : i32
    %scan3A_67 = arith.constant 1 : i32
    scf.for %scan3A_123 = %scan3A to %scan3A_66 step %scan3A_67  : i32 {
      %mul3A_124 = arith.constant 1 : i32
      %mul3A_125 = arith.muli %scan3A_123, %mul3A_124 : i32
      %add3A_126 = arith.constant 0 : i32
      %add3A_127 = arith.addi %add3A_126, %mul3A_125 : i32
      %mul3A_128 = arith.constant 4 : i32
      %mul3A_129 = arith.muli %add3A_127, %mul3A_128 : i32
      %add3A_130 = arith.constant 0 : i32
      %add3A_131 = arith.addi %mul3A_129, %add3A_130 : i32
      %gt3A = arith.constant 0 : i32
      %gt3A_132 = arith.cmpi sgt, %add3A_127, %gt3A : i32
      %convert_element_type3A_133 = arith.extui %gt3A_132 : i1 to i32
      %cond3A_134 = arith.constant 0 : i32
      %cond3A_135 = arith.cmpi ne, %convert_element_type3A_133, %cond3A_134 : i32
      scf.if %cond3A_135 {
        %dma_wait3A_359 = arith.constant 0 : i32
        %dma_wait3A_360 = arith.constant 0 : i32
        %dma_wait3A_361 = tpu.memref_slice %arg24[%dma_wait3A_359, %dma_wait3A_360] : memref<10000x128xf32, #tpu.memory_space<vmem_shared>> -> memref<10000x128xf32, #tpu.memory_space<vmem_shared>>
        tpu.wait_indirect_dma semaphore(%arg29 : memref<!tpu.dma_semaphore, #tpu.memory_space<semaphore_mem>>) src(%arg22 : memref<40x128xf32, #tpu.memory_space<vmem>>) dst(%dma_wait3A_361 : memref<10000x128xf32, #tpu.memory_space<vmem_shared>>)
      } else {
      }
      %dma_wait3A_136 = arith.constant 0 : i32
      %dma_wait3A_137 = arith.constant 0 : i32
      %dma_wait3A_138 = tpu.memref_slice %arg2[%dma_wait3A_136, %dma_wait3A_137] : memref<10000x128xf32, #tpu.memory_space<hbm>> -> memref<10000x128xf32, #tpu.memory_space<hbm>>
      tpu.wait_indirect_dma semaphore(%arg27 : memref<!tpu.dma_semaphore, #tpu.memory_space<semaphore_mem>>) src(%dma_wait3A_138 : memref<10000x128xf32, #tpu.memory_space<hbm>>) dst(%arg20 : memref<40x128xf32, #tpu.memory_space<vmem>>)
      %mul3A_139 = arith.constant 40 : i32
      %mul3A_140 = arith.muli %add3A_131, %mul3A_139 : i32
      %add3A_141 = arith.addi %mul3A_6, %mul3A_140 : i32
      %multiple_of3A_142 = tpu.assume_multiple %add3A_141, 40 : i32
      %dma_wait3A_143 = tpu.memref_slice %arg4[%multiple_of3A_142] : memref<320000xi32, #tpu.memory_space<hbm>> -> memref<40xi32, #tpu.memory_space<hbm>>
      %dma_wait3A_144 = tpu.memref_slice %arg4[%multiple_of3A_142] : memref<320000xi32, #tpu.memory_space<hbm>> -> memref<40xi32, #tpu.memory_space<hbm>>
      tpu.wait_dma2 semaphore(%arg31 : memref<!tpu.dma_semaphore, #tpu.memory_space<semaphore_mem>>) src(%dma_wait3A_144 : memref<40xi32, #tpu.memory_space<hbm>>) dst(%arg12 : memref<40xi32, #tpu.memory_space<vmem>>)
      %add3A_145 = arith.constant 2 : i32
      %add3A_146 = arith.addi %add3A_131, %add3A_145 : i32
      %mul3A_147 = arith.constant 40 : i32
      %mul3A_148 = arith.muli %add3A_146, %mul3A_147 : i32
      %add3A_149 = arith.addi %mul3A_6, %mul3A_148 : i32
      %multiple_of3A_150 = tpu.assume_multiple %add3A_149, 40 : i32
      %dma_start3A_151 = tpu.memref_slice %arg4[%multiple_of3A_150] : memref<320000xi32, #tpu.memory_space<hbm>> -> memref<40xi32, #tpu.memory_space<hbm>>
      %dma_start3A_152 = tpu.memref_slice %arg4[%multiple_of3A_150] : memref<320000xi32, #tpu.memory_space<hbm>> -> memref<40xi32, #tpu.memory_space<hbm>>
      tpu.enqueue_dma source(%dma_start3A_152 : memref<40xi32, #tpu.memory_space<hbm>>) target(%arg14 : memref<40xi32, #tpu.memory_space<vmem>>) target_semaphore(%arg31 : memref<!tpu.dma_semaphore, #tpu.memory_space<semaphore_mem>>)
      %add3A_153 = arith.constant 3 : i32
      %add3A_154 = arith.addi %add3A_131, %add3A_153 : i32
      %mul3A_155 = arith.constant 40 : i32
      %mul3A_156 = arith.muli %add3A_154, %mul3A_155 : i32
      %add3A_157 = arith.addi %mul3A_6, %mul3A_156 : i32
      %multiple_of3A_158 = tpu.assume_multiple %add3A_157, 40 : i32
      %dma_start3A_159 = tpu.memref_slice %arg3[%multiple_of3A_158] : memref<320000xi32, #tpu.memory_space<hbm>> -> memref<40xi32, #tpu.memory_space<hbm>>
      %dma_start3A_160 = tpu.memref_slice %arg3[%multiple_of3A_158] : memref<320000xi32, #tpu.memory_space<hbm>> -> memref<40xi32, #tpu.memory_space<hbm>>
      tpu.enqueue_dma source(%dma_start3A_160 : memref<40xi32, #tpu.memory_space<hbm>>) target(%arg11 : memref<40xi32, #tpu.memory_space<vmem>>) target_semaphore(%arg26 : memref<!tpu.dma_semaphore, #tpu.memory_space<semaphore_mem>>)
      %dma_start3A_161 = arith.constant 0 : i32
      %dma_start3A_162 = tpu.memref_slice %arg5[%multiple_of3A_158, %dma_start3A_161] : memref<320000x128xf32, #tpu.memory_space<hbm>> -> memref<40x128xf32, #tpu.memory_space<hbm>>
      %dma_start3A_163 = arith.constant 0 : i32
      %dma_start3A_164 = tpu.memref_slice %arg5[%multiple_of3A_158, %dma_start3A_163] : memref<320000x128xf32, #tpu.memory_space<hbm>> -> memref<40x128xf32, #tpu.memory_space<hbm>>
      tpu.enqueue_dma source(%dma_start3A_164 : memref<40x128xf32, #tpu.memory_space<hbm>>) target(%arg19 : memref<40x128xf32, #tpu.memory_space<vmem>>) target_semaphore(%arg26 : memref<!tpu.dma_semaphore, #tpu.memory_space<semaphore_mem>>)
      %add3A_165 = arith.constant 2 : i32
      %add3A_166 = arith.addi %add3A_131, %add3A_165 : i32
      %mul3A_167 = arith.constant 40 : i32
      %mul3A_168 = arith.muli %add3A_166, %mul3A_167 : i32
      %add3A_169 = arith.addi %mul3A_6, %mul3A_168 : i32
      %multiple_of3A_170 = tpu.assume_multiple %add3A_169, 40 : i32
      %dma_wait3A_171 = tpu.memref_slice %arg3[%multiple_of3A_170] : memref<320000xi32, #tpu.memory_space<hbm>> -> memref<40xi32, #tpu.memory_space<hbm>>
      %dma_wait3A_172 = tpu.memref_slice %arg3[%multiple_of3A_170] : memref<320000xi32, #tpu.memory_space<hbm>> -> memref<40xi32, #tpu.memory_space<hbm>>
      tpu.wait_dma2 semaphore(%arg25 : memref<!tpu.dma_semaphore, #tpu.memory_space<semaphore_mem>>) src(%dma_wait3A_172 : memref<40xi32, #tpu.memory_space<hbm>>) dst(%arg10 : memref<40xi32, #tpu.memory_space<vmem>>)
      %dma_wait3A_173 = arith.constant 0 : i32
      %dma_wait3A_174 = tpu.memref_slice %arg5[%multiple_of3A_170, %dma_wait3A_173] : memref<320000x128xf32, #tpu.memory_space<hbm>> -> memref<40x128xf32, #tpu.memory_space<hbm>>
      %dma_wait3A_175 = arith.constant 0 : i32
      %dma_wait3A_176 = tpu.memref_slice %arg5[%multiple_of3A_170, %dma_wait3A_175] : memref<320000x128xf32, #tpu.memory_space<hbm>> -> memref<40x128xf32, #tpu.memory_space<hbm>>
      tpu.wait_dma2 semaphore(%arg25 : memref<!tpu.dma_semaphore, #tpu.memory_space<semaphore_mem>>) src(%dma_wait3A_176 : memref<40x128xf32, #tpu.memory_space<hbm>>) dst(%arg18 : memref<40x128xf32, #tpu.memory_space<vmem>>)
      %dma_start3A_177 = arith.constant 0 : i32
      %dma_start3A_178 = arith.constant 0 : i32
      %dma_start3A_179 = tpu.memref_slice %arg2[%dma_start3A_177, %dma_start3A_178] : memref<10000x128xf32, #tpu.memory_space<hbm>> -> memref<10000x128xf32, #tpu.memory_space<hbm>>
      tpu.enqueue_indirect_dma source(%dma_start3A_179 : memref<10000x128xf32, #tpu.memory_space<hbm>>) target(%arg22 : memref<40x128xf32, #tpu.memory_space<vmem>>) offsets(%arg10 : memref<40xi32, #tpu.memory_space<vmem>>) semaphore(%arg27 : memref<!tpu.dma_semaphore, #tpu.memory_space<semaphore_mem>>)
      %scan3A_180 = arith.constant 0 : i32
      %scan3A_181 = arith.constant 20 : i32
      %scan3A_182 = arith.addi %scan3A_180, %scan3A_181 : i32
      %scan3A_183 = arith.constant 1 : i32
      scf.for %scan3A_359 = %scan3A_180 to %scan3A_182 step %scan3A_183  : i32 {
        %mul3A_360 = arith.constant 1 : i32
        %mul3A_361 = arith.muli %scan3A_359, %mul3A_360 : i32
        %add3A_362 = arith.constant 0 : i32
        %add3A_363 = arith.addi %add3A_362, %mul3A_361 : i32
        %mul3A_364 = arith.constant 2 : i32
        %mul3A_365 = arith.muli %mul3A_364, %add3A_363 : i32
        %add3A_366 = arith.constant 0 : i32
        %add3A_367 = arith.addi %mul3A_365, %add3A_366 : i32
        %get3A = arith.index_cast %add3A_367 : i32 to index
        %get3A_368 = arith.constant 0 : index
        %get3A_369 = tpu.vector_load %arg20[%get3A, %get3A_368] {strides = array<i32>} : memref<40x128xf32, #tpu.memory_space<vmem>>, vector<1x16xf32>,
        %get3A_370 = vector.shape_cast %get3A_369 : vector<1x16xf32> to vector<16xf32>
        %get3A_371 = arith.index_cast %add3A_367 : i32 to index
        %get3A_372 = arith.constant 0 : index
        %get3A_373 = tpu.vector_load %arg16[%get3A_371, %get3A_372] {strides = array<i32>} : memref<40x128xf32, #tpu.memory_space<vmem>>, vector<1x16xf32>,
        %get3A_374 = vector.shape_cast %get3A_373 : vector<1x16xf32> to vector<16xf32>
        %add3A_375 = arith.addf %get3A_370, %get3A_374 : vector<16xf32>
        %max3A = arith.constant 0.000000e+00 : f32
        %max3A_376 = vector.broadcast %max3A : f32 to vector<16xf32>
        %max3A_377 = arith.maximumf %add3A_375, %max3A_376 : vector<16xf32>
        %swap3A = arith.index_cast %add3A_367 : i32 to index
        %swap3A_378 = arith.constant 0 : index
        %swap3A_379 = tpu.vector_load %arg20[%swap3A, %swap3A_378] {strides = array<i32>} : memref<40x128xf32, #tpu.memory_space<vmem>>, vector<1x16xf32>,
        %swap3A_380 = vector.shape_cast %swap3A_379 : vector<1x16xf32> to vector<16xf32>
        %swap3A_381 = vector.shape_cast %max3A_377 : vector<16xf32> to vector<1x16xf32>
        tpu.vector_store %arg20[%swap3A, %swap3A_378], %swap3A_381 {strides = array<i32>} : memref<40x128xf32, #tpu.memory_space<vmem>>, vector<1x16xf32>,
        %get3A_382 = arith.index_cast %add3A_367 : i32 to index
        %get3A_383 = arith.constant 16 : index
        %get3A_384 = tpu.vector_load %arg20[%get3A_382, %get3A_383] {strides = array<i32>} : memref<40x128xf32, #tpu.memory_space<vmem>>, vector<1x16xf32>,
        %get3A_385 = vector.shape_cast %get3A_384 : vector<1x16xf32> to vector<16xf32>
        %get3A_386 = arith.index_cast %add3A_367 : i32 to index
        %get3A_387 = arith.constant 16 : index
        %get3A_388 = tpu.vector_load %arg16[%get3A_386, %get3A_387] {strides = array<i32>} : memref<40x128xf32, #tpu.memory_space<vmem>>, vector<1x16xf32>,
        %get3A_389 = vector.shape_cast %get3A_388 : vector<1x16xf32> to vector<16xf32>
        %add3A_390 = arith.addf %get3A_385, %get3A_389 : vector<16xf32>
        %max3A_391 = arith.constant 0.000000e+00 : f32
        %max3A_392 = vector.broadcast %max3A_391 : f32 to vector<16xf32>
        %max3A_393 = arith.maximumf %add3A_390, %max3A_392 : vector<16xf32>
        %swap3A_394 = arith.index_cast %add3A_367 : i32 to index
        %swap3A_395 = arith.constant 16 : index
        %swap3A_396 = tpu.vector_load %arg20[%swap3A_394, %swap3A_395] {strides = array<i32>} : memref<40x128xf32, #tpu.memory_space<vmem>>, vector<1x16xf32>,
        %swap3A_397 = vector.shape_cast %swap3A_396 : vector<1x16xf32> to vector<16xf32>
        %swap3A_398 = vector.shape_cast %max3A_393 : vector<16xf32> to vector<1x16xf32>
        tpu.vector_store %arg20[%swap3A_394, %swap3A_395], %swap3A_398 {strides = array<i32>} : memref<40x128xf32, #tpu.memory_space<vmem>>, vector<1x16xf32>,
        %get3A_399 = arith.index_cast %add3A_367 : i32 to index
        %get3A_400 = arith.constant 32 : index
        %get3A_401 = tpu.vector_load %arg20[%get3A_399, %get3A_400] {strides = array<i32>} : memref<40x128xf32, #tpu.memory_space<vmem>>, vector<1x16xf32>,
        %get3A_402 = vector.shape_cast %get3A_401 : vector<1x16xf32> to vector<16xf32>
        %get3A_403 = arith.index_cast %add3A_367 : i32 to index
        %get3A_404 = arith.constant 32 : index
        %get3A_405 = tpu.vector_load %arg16[%get3A_403, %get3A_404] {strides = array<i32>} : memref<40x128xf32, #tpu.memory_space<vmem>>, vector<1x16xf32>,
        %get3A_406 = vector.shape_cast %get3A_405 : vector<1x16xf32> to vector<16xf32>
        %add3A_407 = arith.addf %get3A_402, %get3A_406 : vector<16xf32>
        %max3A_408 = arith.constant 0.000000e+00 : f32
        %max3A_409 = vector.broadcast %max3A_408 : f32 to vector<16xf32>
        %max3A_410 = arith.maximumf %add3A_407, %max3A_409 : vector<16xf32>
        %swap3A_411 = arith.index_cast %add3A_367 : i32 to index
        %swap3A_412 = arith.constant 32 : index
        %swap3A_413 = tpu.vector_load %arg20[%swap3A_411, %swap3A_412] {strides = array<i32>} : memref<40x128xf32, #tpu.memory_space<vmem>>, vector<1x16xf32>,
        %swap3A_414 = vector.shape_cast %swap3A_413 : vector<1x16xf32> to vector<16xf32>
        %swap3A_415 = vector.shape_cast %max3A_410 : vector<16xf32> to vector<1x16xf32>
        tpu.vector_store %arg20[%swap3A_411, %swap3A_412], %swap3A_415 {strides = array<i32>} : memref<40x128xf32, #tpu.memory_space<vmem>>, vector<1x16xf32>,
        %get3A_416 = arith.index_cast %add3A_367 : i32 to index
        %get3A_417 = arith.constant 48 : index
        %get3A_418 = tpu.vector_load %arg20[%get3A_416, %get3A_417] {strides = array<i32>} : memref<40x128xf32, #tpu.memory_space<vmem>>, vector<1x16xf32>,
        %get3A_419 = vector.shape_cast %get3A_418 : vector<1x16xf32> to vector<16xf32>
        %get3A_420 = arith.index_cast %add3A_367 : i32 to index
        %get3A_421 = arith.constant 48 : index
        %get3A_422 = tpu.vector_load %arg16[%get3A_420, %get3A_421] {strides = array<i32>} : memref<40x128xf32, #tpu.memory_space<vmem>>, vector<1x16xf32>,
        %get3A_423 = vector.shape_cast %get3A_422 : vector<1x16xf32> to vector<16xf32>
        %add3A_424 = arith.addf %get3A_419, %get3A_423 : vector<16xf32>
        %max3A_425 = arith.constant 0.000000e+00 : f32
        %max3A_426 = vector.broadcast %max3A_425 : f32 to vector<16xf32>
        %max3A_427 = arith.maximumf %add3A_424, %max3A_426 : vector<16xf32>
        %swap3A_428 = arith.index_cast %add3A_367 : i32 to index
        %swap3A_429 = arith.constant 48 : index
        %swap3A_430 = tpu.vector_load %arg20[%swap3A_428, %swap3A_429] {strides = array<i32>} : memref<40x128xf32, #tpu.memory_space<vmem>>, vector<1x16xf32>,
        %swap3A_431 = vector.shape_cast %swap3A_430 : vector<1x16xf32> to vector<16xf32>
        %swap3A_432 = vector.shape_cast %max3A_427 : vector<16xf32> to vector<1x16xf32>
        tpu.vector_store %arg20[%swap3A_428, %swap3A_429], %swap3A_432 {strides = array<i32>} : memref<40x128xf32, #tpu.memory_space<vmem>>, vector<1x16xf32>,
        %get3A_433 = arith.index_cast %add3A_367 : i32 to index
        %get3A_434 = arith.constant 64 : index
        %get3A_435 = tpu.vector_load %arg20[%get3A_433, %get3A_434] {strides = array<i32>} : memref<40x128xf32, #tpu.memory_space<vmem>>, vector<1x16xf32>,
        %get3A_436 = vector.shape_cast %get3A_435 : vector<1x16xf32> to vector<16xf32>
        %get3A_437 = arith.index_cast %add3A_367 : i32 to index
        %get3A_438 = arith.constant 64 : index
        %get3A_439 = tpu.vector_load %arg16[%get3A_437, %get3A_438] {strides = array<i32>} : memref<40x128xf32, #tpu.memory_space<vmem>>, vector<1x16xf32>,
        %get3A_440 = vector.shape_cast %get3A_439 : vector<1x16xf32> to vector<16xf32>
        %add3A_441 = arith.addf %get3A_436, %get3A_440 : vector<16xf32>
        %max3A_442 = arith.constant 0.000000e+00 : f32
        %max3A_443 = vector.broadcast %max3A_442 : f32 to vector<16xf32>
        %max3A_444 = arith.maximumf %add3A_441, %max3A_443 : vector<16xf32>
        %swap3A_445 = arith.index_cast %add3A_367 : i32 to index
        %swap3A_446 = arith.constant 64 : index
        %swap3A_447 = tpu.vector_load %arg20[%swap3A_445, %swap3A_446] {strides = array<i32>} : memref<40x128xf32, #tpu.memory_space<vmem>>, vector<1x16xf32>,
        %swap3A_448 = vector.shape_cast %swap3A_447 : vector<1x16xf32> to vector<16xf32>
        %swap3A_449 = vector.shape_cast %max3A_444 : vector<16xf32> to vector<1x16xf32>
        tpu.vector_store %arg20[%swap3A_445, %swap3A_446], %swap3A_449 {strides = array<i32>} : memref<40x128xf32, #tpu.memory_space<vmem>>, vector<1x16xf32>,
        %get3A_450 = arith.index_cast %add3A_367 : i32 to index
        %get3A_451 = arith.constant 80 : index
        %get3A_452 = tpu.vector_load %arg20[%get3A_450, %get3A_451] {strides = array<i32>} : memref<40x128xf32, #tpu.memory_space<vmem>>, vector<1x16xf32>,
        %get3A_453 = vector.shape_cast %get3A_452 : vector<1x16xf32> to vector<16xf32>
        %get3A_454 = arith.index_cast %add3A_367 : i32 to index
        %get3A_455 = arith.constant 80 : index
        %get3A_456 = tpu.vector_load %arg16[%get3A_454, %get3A_455] {strides = array<i32>} : memref<40x128xf32, #tpu.memory_space<vmem>>, vector<1x16xf32>,
        %get3A_457 = vector.shape_cast %get3A_456 : vector<1x16xf32> to vector<16xf32>
        %add3A_458 = arith.addf %get3A_453, %get3A_457 : vector<16xf32>
        %max3A_459 = arith.constant 0.000000e+00 : f32
        %max3A_460 = vector.broadcast %max3A_459 : f32 to vector<16xf32>
        %max3A_461 = arith.maximumf %add3A_458, %max3A_460 : vector<16xf32>
        %swap3A_462 = arith.index_cast %add3A_367 : i32 to index
        %swap3A_463 = arith.constant 80 : index
        %swap3A_464 = tpu.vector_load %arg20[%swap3A_462, %swap3A_463] {strides = array<i32>} : memref<40x128xf32, #tpu.memory_space<vmem>>, vector<1x16xf32>,
        %swap3A_465 = vector.shape_cast %swap3A_464 : vector<1x16xf32> to vector<16xf32>
        %swap3A_466 = vector.shape_cast %max3A_461 : vector<16xf32> to vector<1x16xf32>
        tpu.vector_store %arg20[%swap3A_462, %swap3A_463], %swap3A_466 {strides = array<i32>} : memref<40x128xf32, #tpu.memory_space<vmem>>, vector<1x16xf32>,
        %get3A_467 = arith.index_cast %add3A_367 : i32 to index
        %get3A_468 = arith.constant 96 : index
        %get3A_469 = tpu.vector_load %arg20[%get3A_467, %get3A_468] {strides = array<i32>} : memref<40x128xf32, #tpu.memory_space<vmem>>, vector<1x16xf32>,
        %get3A_470 = vector.shape_cast %get3A_469 : vector<1x16xf32> to vector<16xf32>
        %get3A_471 = arith.index_cast %add3A_367 : i32 to index
        %get3A_472 = arith.constant 96 : index
        %get3A_473 = tpu.vector_load %arg16[%get3A_471, %get3A_472] {strides = array<i32>} : memref<40x128xf32, #tpu.memory_space<vmem>>, vector<1x16xf32>,
        %get3A_474 = vector.shape_cast %get3A_473 : vector<1x16xf32> to vector<16xf32>
        %add3A_475 = arith.addf %get3A_470, %get3A_474 : vector<16xf32>
        %max3A_476 = arith.constant 0.000000e+00 : f32
        %max3A_477 = vector.broadcast %max3A_476 : f32 to vector<16xf32>
        %max3A_478 = arith.maximumf %add3A_475, %max3A_477 : vector<16xf32>
        %swap3A_479 = arith.index_cast %add3A_367 : i32 to index
        %swap3A_480 = arith.constant 96 : index
        %swap3A_481 = tpu.vector_load %arg20[%swap3A_479, %swap3A_480] {strides = array<i32>} : memref<40x128xf32, #tpu.memory_space<vmem>>, vector<1x16xf32>,
        %swap3A_482 = vector.shape_cast %swap3A_481 : vector<1x16xf32> to vector<16xf32>
        %swap3A_483 = vector.shape_cast %max3A_478 : vector<16xf32> to vector<1x16xf32>
        tpu.vector_store %arg20[%swap3A_479, %swap3A_480], %swap3A_483 {strides = array<i32>} : memref<40x128xf32, #tpu.memory_space<vmem>>, vector<1x16xf32>,
        %get3A_484 = arith.index_cast %add3A_367 : i32 to index
        %get3A_485 = arith.constant 112 : index
        %get3A_486 = tpu.vector_load %arg20[%get3A_484, %get3A_485] {strides = array<i32>} : memref<40x128xf32, #tpu.memory_space<vmem>>, vector<1x16xf32>,
        %get3A_487 = vector.shape_cast %get3A_486 : vector<1x16xf32> to vector<16xf32>
        %get3A_488 = arith.index_cast %add3A_367 : i32 to index
        %get3A_489 = arith.constant 112 : index
        %get3A_490 = tpu.vector_load %arg16[%get3A_488, %get3A_489] {strides = array<i32>} : memref<40x128xf32, #tpu.memory_space<vmem>>, vector<1x16xf32>,
        %get3A_491 = vector.shape_cast %get3A_490 : vector<1x16xf32> to vector<16xf32>
        %add3A_492 = arith.addf %get3A_487, %get3A_491 : vector<16xf32>
        %max3A_493 = arith.constant 0.000000e+00 : f32
        %max3A_494 = vector.broadcast %max3A_493 : f32 to vector<16xf32>
        %max3A_495 = arith.maximumf %add3A_492, %max3A_494 : vector<16xf32>
        %swap3A_496 = arith.index_cast %add3A_367 : i32 to index
        %swap3A_497 = arith.constant 112 : index
        %swap3A_498 = tpu.vector_load %arg20[%swap3A_496, %swap3A_497] {strides = array<i32>} : memref<40x128xf32, #tpu.memory_space<vmem>>, vector<1x16xf32>,
        %swap3A_499 = vector.shape_cast %swap3A_498 : vector<1x16xf32> to vector<16xf32>
        %swap3A_500 = vector.shape_cast %max3A_495 : vector<16xf32> to vector<1x16xf32>
        tpu.vector_store %arg20[%swap3A_496, %swap3A_497], %swap3A_500 {strides = array<i32>} : memref<40x128xf32, #tpu.memory_space<vmem>>, vector<1x16xf32>,
        %mul3A_501 = arith.constant 2 : i32
        %mul3A_502 = arith.muli %mul3A_501, %add3A_363 : i32
        %add3A_503 = arith.constant 1 : i32
        %add3A_504 = arith.addi %mul3A_502, %add3A_503 : i32
        %get3A_505 = arith.index_cast %add3A_504 : i32 to index
        %get3A_506 = arith.constant 0 : index
        %get3A_507 = tpu.vector_load %arg20[%get3A_505, %get3A_506] {strides = array<i32>} : memref<40x128xf32, #tpu.memory_space<vmem>>, vector<1x16xf32>,
        %get3A_508 = vector.shape_cast %get3A_507 : vector<1x16xf32> to vector<16xf32>
        %get3A_509 = arith.index_cast %add3A_504 : i32 to index
        %get3A_510 = arith.constant 0 : index
        %get3A_511 = tpu.vector_load %arg16[%get3A_509, %get3A_510] {strides = array<i32>} : memref<40x128xf32, #tpu.memory_space<vmem>>, vector<1x16xf32>,
        %get3A_512 = vector.shape_cast %get3A_511 : vector<1x16xf32> to vector<16xf32>
        %add3A_513 = arith.addf %get3A_508, %get3A_512 : vector<16xf32>
        %max3A_514 = arith.constant 0.000000e+00 : f32
        %max3A_515 = vector.broadcast %max3A_514 : f32 to vector<16xf32>
        %max3A_516 = arith.maximumf %add3A_513, %max3A_515 : vector<16xf32>
        %swap3A_517 = arith.index_cast %add3A_504 : i32 to index
        %swap3A_518 = arith.constant 0 : index
        %swap3A_519 = tpu.vector_load %arg20[%swap3A_517, %swap3A_518] {strides = array<i32>} : memref<40x128xf32, #tpu.memory_space<vmem>>, vector<1x16xf32>,
        %swap3A_520 = vector.shape_cast %swap3A_519 : vector<1x16xf32> to vector<16xf32>
        %swap3A_521 = vector.shape_cast %max3A_516 : vector<16xf32> to vector<1x16xf32>
        tpu.vector_store %arg20[%swap3A_517, %swap3A_518], %swap3A_521 {strides = array<i32>} : memref<40x128xf32, #tpu.memory_space<vmem>>, vector<1x16xf32>,
        %get3A_522 = arith.index_cast %add3A_504 : i32 to index
        %get3A_523 = arith.constant 16 : index
        %get3A_524 = tpu.vector_load %arg20[%get3A_522, %get3A_523] {strides = array<i32>} : memref<40x128xf32, #tpu.memory_space<vmem>>, vector<1x16xf32>,
        %get3A_525 = vector.shape_cast %get3A_524 : vector<1x16xf32> to vector<16xf32>
        %get3A_526 = arith.index_cast %add3A_504 : i32 to index
        %get3A_527 = arith.constant 16 : index
        %get3A_528 = tpu.vector_load %arg16[%get3A_526, %get3A_527] {strides = array<i32>} : memref<40x128xf32, #tpu.memory_space<vmem>>, vector<1x16xf32>,
        %get3A_529 = vector.shape_cast %get3A_528 : vector<1x16xf32> to vector<16xf32>
        %add3A_530 = arith.addf %get3A_525, %get3A_529 : vector<16xf32>
        %max3A_531 = arith.constant 0.000000e+00 : f32
        %max3A_532 = vector.broadcast %max3A_531 : f32 to vector<16xf32>
        %max3A_533 = arith.maximumf %add3A_530, %max3A_532 : vector<16xf32>
        %swap3A_534 = arith.index_cast %add3A_504 : i32 to index
        %swap3A_535 = arith.constant 16 : index
        %swap3A_536 = tpu.vector_load %arg20[%swap3A_534, %swap3A_535] {strides = array<i32>} : memref<40x128xf32, #tpu.memory_space<vmem>>, vector<1x16xf32>,
        %swap3A_537 = vector.shape_cast %swap3A_536 : vector<1x16xf32> to vector<16xf32>
        %swap3A_538 = vector.shape_cast %max3A_533 : vector<16xf32> to vector<1x16xf32>
        tpu.vector_store %arg20[%swap3A_534, %swap3A_535], %swap3A_538 {strides = array<i32>} : memref<40x128xf32, #tpu.memory_space<vmem>>, vector<1x16xf32>,
        %get3A_539 = arith.index_cast %add3A_504 : i32 to index
        %get3A_540 = arith.constant 32 : index
        %get3A_541 = tpu.vector_load %arg20[%get3A_539, %get3A_540] {strides = array<i32>} : memref<40x128xf32, #tpu.memory_space<vmem>>, vector<1x16xf32>,
        %get3A_542 = vector.shape_cast %get3A_541 : vector<1x16xf32> to vector<16xf32>
        %get3A_543 = arith.index_cast %add3A_504 : i32 to index
        %get3A_544 = arith.constant 32 : index
        %get3A_545 = tpu.vector_load %arg16[%get3A_543, %get3A_544] {strides = array<i32>} : memref<40x128xf32, #tpu.memory_space<vmem>>, vector<1x16xf32>,
        %get3A_546 = vector.shape_cast %get3A_545 : vector<1x16xf32> to vector<16xf32>
        %add3A_547 = arith.addf %get3A_542, %get3A_546 : vector<16xf32>
        %max3A_548 = arith.constant 0.000000e+00 : f32
        %max3A_549 = vector.broadcast %max3A_548 : f32 to vector<16xf32>
        %max3A_550 = arith.maximumf %add3A_547, %max3A_549 : vector<16xf32>
        %swap3A_551 = arith.index_cast %add3A_504 : i32 to index
        %swap3A_552 = arith.constant 32 : index
        %swap3A_553 = tpu.vector_load %arg20[%swap3A_551, %swap3A_552] {strides = array<i32>} : memref<40x128xf32, #tpu.memory_space<vmem>>, vector<1x16xf32>,
        %swap3A_554 = vector.shape_cast %swap3A_553 : vector<1x16xf32> to vector<16xf32>
        %swap3A_555 = vector.shape_cast %max3A_550 : vector<16xf32> to vector<1x16xf32>
        tpu.vector_store %arg20[%swap3A_551, %swap3A_552], %swap3A_555 {strides = array<i32>} : memref<40x128xf32, #tpu.memory_space<vmem>>, vector<1x16xf32>,
        %get3A_556 = arith.index_cast %add3A_504 : i32 to index
        %get3A_557 = arith.constant 48 : index
        %get3A_558 = tpu.vector_load %arg20[%get3A_556, %get3A_557] {strides = array<i32>} : memref<40x128xf32, #tpu.memory_space<vmem>>, vector<1x16xf32>,
        %get3A_559 = vector.shape_cast %get3A_558 : vector<1x16xf32> to vector<16xf32>
        %get3A_560 = arith.index_cast %add3A_504 : i32 to index
        %get3A_561 = arith.constant 48 : index
        %get3A_562 = tpu.vector_load %arg16[%get3A_560, %get3A_561] {strides = array<i32>} : memref<40x128xf32, #tpu.memory_space<vmem>>, vector<1x16xf32>,
        %get3A_563 = vector.shape_cast %get3A_562 : vector<1x16xf32> to vector<16xf32>
        %add3A_564 = arith.addf %get3A_559, %get3A_563 : vector<16xf32>
        %max3A_565 = arith.constant 0.000000e+00 : f32
        %max3A_566 = vector.broadcast %max3A_565 : f32 to vector<16xf32>
        %max3A_567 = arith.maximumf %add3A_564, %max3A_566 : vector<16xf32>
        %swap3A_568 = arith.index_cast %add3A_504 : i32 to index
        %swap3A_569 = arith.constant 48 : index
        %swap3A_570 = tpu.vector_load %arg20[%swap3A_568, %swap3A_569] {strides = array<i32>} : memref<40x128xf32, #tpu.memory_space<vmem>>, vector<1x16xf32>,
        %swap3A_571 = vector.shape_cast %swap3A_570 : vector<1x16xf32> to vector<16xf32>
        %swap3A_572 = vector.shape_cast %max3A_567 : vector<16xf32> to vector<1x16xf32>
        tpu.vector_store %arg20[%swap3A_568, %swap3A_569], %swap3A_572 {strides = array<i32>} : memref<40x128xf32, #tpu.memory_space<vmem>>, vector<1x16xf32>,
        %get3A_573 = arith.index_cast %add3A_504 : i32 to index
        %get3A_574 = arith.constant 64 : index
        %get3A_575 = tpu.vector_load %arg20[%get3A_573, %get3A_574] {strides = array<i32>} : memref<40x128xf32, #tpu.memory_space<vmem>>, vector<1x16xf32>,
        %get3A_576 = vector.shape_cast %get3A_575 : vector<1x16xf32> to vector<16xf32>
        %get3A_577 = arith.index_cast %add3A_504 : i32 to index
        %get3A_578 = arith.constant 64 : index
        %get3A_579 = tpu.vector_load %arg16[%get3A_577, %get3A_578] {strides = array<i32>} : memref<40x128xf32, #tpu.memory_space<vmem>>, vector<1x16xf32>,
        %get3A_580 = vector.shape_cast %get3A_579 : vector<1x16xf32> to vector<16xf32>
        %add3A_581 = arith.addf %get3A_576, %get3A_580 : vector<16xf32>
        %max3A_582 = arith.constant 0.000000e+00 : f32
        %max3A_583 = vector.broadcast %max3A_582 : f32 to vector<16xf32>
        %max3A_584 = arith.maximumf %add3A_581, %max3A_583 : vector<16xf32>
        %swap3A_585 = arith.index_cast %add3A_504 : i32 to index
        %swap3A_586 = arith.constant 64 : index
        %swap3A_587 = tpu.vector_load %arg20[%swap3A_585, %swap3A_586] {strides = array<i32>} : memref<40x128xf32, #tpu.memory_space<vmem>>, vector<1x16xf32>,
        %swap3A_588 = vector.shape_cast %swap3A_587 : vector<1x16xf32> to vector<16xf32>
        %swap3A_589 = vector.shape_cast %max3A_584 : vector<16xf32> to vector<1x16xf32>
        tpu.vector_store %arg20[%swap3A_585, %swap3A_586], %swap3A_589 {strides = array<i32>} : memref<40x128xf32, #tpu.memory_space<vmem>>, vector<1x16xf32>,
        %get3A_590 = arith.index_cast %add3A_504 : i32 to index
        %get3A_591 = arith.constant 80 : index
        %get3A_592 = tpu.vector_load %arg20[%get3A_590, %get3A_591] {strides = array<i32>} : memref<40x128xf32, #tpu.memory_space<vmem>>, vector<1x16xf32>,
        %get3A_593 = vector.shape_cast %get3A_592 : vector<1x16xf32> to vector<16xf32>
        %get3A_594 = arith.index_cast %add3A_504 : i32 to index
        %get3A_595 = arith.constant 80 : index
        %get3A_596 = tpu.vector_load %arg16[%get3A_594, %get3A_595] {strides = array<i32>} : memref<40x128xf32, #tpu.memory_space<vmem>>, vector<1x16xf32>,
        %get3A_597 = vector.shape_cast %get3A_596 : vector<1x16xf32> to vector<16xf32>
        %add3A_598 = arith.addf %get3A_593, %get3A_597 : vector<16xf32>
        %max3A_599 = arith.constant 0.000000e+00 : f32
        %max3A_600 = vector.broadcast %max3A_599 : f32 to vector<16xf32>
        %max3A_601 = arith.maximumf %add3A_598, %max3A_600 : vector<16xf32>
        %swap3A_602 = arith.index_cast %add3A_504 : i32 to index
        %swap3A_603 = arith.constant 80 : index
        %swap3A_604 = tpu.vector_load %arg20[%swap3A_602, %swap3A_603] {strides = array<i32>} : memref<40x128xf32, #tpu.memory_space<vmem>>, vector<1x16xf32>,
        %swap3A_605 = vector.shape_cast %swap3A_604 : vector<1x16xf32> to vector<16xf32>
        %swap3A_606 = vector.shape_cast %max3A_601 : vector<16xf32> to vector<1x16xf32>
        tpu.vector_store %arg20[%swap3A_602, %swap3A_603], %swap3A_606 {strides = array<i32>} : memref<40x128xf32, #tpu.memory_space<vmem>>, vector<1x16xf32>,
        %get3A_607 = arith.index_cast %add3A_504 : i32 to index
        %get3A_608 = arith.constant 96 : index
        %get3A_609 = tpu.vector_load %arg20[%get3A_607, %get3A_608] {strides = array<i32>} : memref<40x128xf32, #tpu.memory_space<vmem>>, vector<1x16xf32>,
        %get3A_610 = vector.shape_cast %get3A_609 : vector<1x16xf32> to vector<16xf32>
        %get3A_611 = arith.index_cast %add3A_504 : i32 to index
        %get3A_612 = arith.constant 96 : index
        %get3A_613 = tpu.vector_load %arg16[%get3A_611, %get3A_612] {strides = array<i32>} : memref<40x128xf32, #tpu.memory_space<vmem>>, vector<1x16xf32>,
        %get3A_614 = vector.shape_cast %get3A_613 : vector<1x16xf32> to vector<16xf32>
        %add3A_615 = arith.addf %get3A_610, %get3A_614 : vector<16xf32>
        %max3A_616 = arith.constant 0.000000e+00 : f32
        %max3A_617 = vector.broadcast %max3A_616 : f32 to vector<16xf32>
        %max3A_618 = arith.maximumf %add3A_615, %max3A_617 : vector<16xf32>
        %swap3A_619 = arith.index_cast %add3A_504 : i32 to index
        %swap3A_620 = arith.constant 96 : index
        %swap3A_621 = tpu.vector_load %arg20[%swap3A_619, %swap3A_620] {strides = array<i32>} : memref<40x128xf32, #tpu.memory_space<vmem>>, vector<1x16xf32>,
        %swap3A_622 = vector.shape_cast %swap3A_621 : vector<1x16xf32> to vector<16xf32>
        %swap3A_623 = vector.shape_cast %max3A_618 : vector<16xf32> to vector<1x16xf32>
        tpu.vector_store %arg20[%swap3A_619, %swap3A_620], %swap3A_623 {strides = array<i32>} : memref<40x128xf32, #tpu.memory_space<vmem>>, vector<1x16xf32>,
        %get3A_624 = arith.index_cast %add3A_504 : i32 to index
        %get3A_625 = arith.constant 112 : index
        %get3A_626 = tpu.vector_load %arg20[%get3A_624, %get3A_625] {strides = array<i32>} : memref<40x128xf32, #tpu.memory_space<vmem>>, vector<1x16xf32>,
        %get3A_627 = vector.shape_cast %get3A_626 : vector<1x16xf32> to vector<16xf32>
        %get3A_628 = arith.index_cast %add3A_504 : i32 to index
        %get3A_629 = arith.constant 112 : index
        %get3A_630 = tpu.vector_load %arg16[%get3A_628, %get3A_629] {strides = array<i32>} : memref<40x128xf32, #tpu.memory_space<vmem>>, vector<1x16xf32>,
        %get3A_631 = vector.shape_cast %get3A_630 : vector<1x16xf32> to vector<16xf32>
        %add3A_632 = arith.addf %get3A_627, %get3A_631 : vector<16xf32>
        %max3A_633 = arith.constant 0.000000e+00 : f32
        %max3A_634 = vector.broadcast %max3A_633 : f32 to vector<16xf32>
        %max3A_635 = arith.maximumf %add3A_632, %max3A_634 : vector<16xf32>
        %swap3A_636 = arith.index_cast %add3A_504 : i32 to index
        %swap3A_637 = arith.constant 112 : index
        %swap3A_638 = tpu.vector_load %arg20[%swap3A_636, %swap3A_637] {strides = array<i32>} : memref<40x128xf32, #tpu.memory_space<vmem>>, vector<1x16xf32>,
        %swap3A_639 = vector.shape_cast %swap3A_638 : vector<1x16xf32> to vector<16xf32>
        %swap3A_640 = vector.shape_cast %max3A_635 : vector<16xf32> to vector<1x16xf32>
        tpu.vector_store %arg20[%swap3A_636, %swap3A_637], %swap3A_640 {strides = array<i32>} : memref<40x128xf32, #tpu.memory_space<vmem>>, vector<1x16xf32>,
      }
      %scan3A_184 = arith.constant 20 : i32
      %dma_start3A_185 = arith.constant 0 : i32
      %dma_start3A_186 = arith.constant 0 : i32
      %dma_start3A_187 = tpu.memref_slice %arg24[%dma_start3A_185, %dma_start3A_186] : memref<10000x128xf32, #tpu.memory_space<vmem_shared>> -> memref<10000x128xf32, #tpu.memory_space<vmem_shared>>
      tpu.enqueue_indirect_dma source(%arg20 : memref<40x128xf32, #tpu.memory_space<vmem>>) target(%dma_start3A_187 : memref<10000x128xf32, #tpu.memory_space<vmem_shared>>) offsets(%arg12 : memref<40xi32, #tpu.memory_space<vmem>>) semaphore(%arg29 : memref<!tpu.dma_semaphore, #tpu.memory_space<semaphore_mem>>) {add = true}
      %mul3A_188 = arith.constant 4 : i32
      %mul3A_189 = arith.muli %add3A_127, %mul3A_188 : i32
      %add3A_190 = arith.constant 1 : i32
      %add3A_191 = arith.addi %mul3A_189, %add3A_190 : i32
      %gt3A_192 = arith.constant 0 : i32
      %gt3A_193 = arith.cmpi sgt, %add3A_127, %gt3A_192 : i32
      %convert_element_type3A_194 = arith.extui %gt3A_193 : i1 to i32
      %cond3A_195 = arith.constant 0 : i32
      %cond3A_196 = arith.cmpi ne, %convert_element_type3A_194, %cond3A_195 : i32
      scf.if %cond3A_196 {
        %dma_wait3A_359 = arith.constant 0 : i32
        %dma_wait3A_360 = arith.constant 0 : i32
        %dma_wait3A_361 = tpu.memref_slice %arg24[%dma_wait3A_359, %dma_wait3A_360] : memref<10000x128xf32, #tpu.memory_space<vmem_shared>> -> memref<10000x128xf32, #tpu.memory_space<vmem_shared>>
        tpu.wait_indirect_dma semaphore(%arg30 : memref<!tpu.dma_semaphore, #tpu.memory_space<semaphore_mem>>) src(%arg23 : memref<40x128xf32, #tpu.memory_space<vmem>>) dst(%dma_wait3A_361 : memref<10000x128xf32, #tpu.memory_space<vmem_shared>>)
      } else {
      }
      %dma_wait3A_197 = arith.constant 0 : i32
      %dma_wait3A_198 = arith.constant 0 : i32
      %dma_wait3A_199 = tpu.memref_slice %arg2[%dma_wait3A_197, %dma_wait3A_198] : memref<10000x128xf32, #tpu.memory_space<hbm>> -> memref<10000x128xf32, #tpu.memory_space<hbm>>
      tpu.wait_indirect_dma semaphore(%arg28 : memref<!tpu.dma_semaphore, #tpu.memory_space<semaphore_mem>>) src(%dma_wait3A_199 : memref<10000x128xf32, #tpu.memory_space<hbm>>) dst(%arg21 : memref<40x128xf32, #tpu.memory_space<vmem>>)
      %mul3A_200 = arith.constant 40 : i32
      %mul3A_201 = arith.muli %add3A_191, %mul3A_200 : i32
      %add3A_202 = arith.addi %mul3A_6, %mul3A_201 : i32
      %multiple_of3A_203 = tpu.assume_multiple %add3A_202, 40 : i32
      %dma_wait3A_204 = tpu.memref_slice %arg4[%multiple_of3A_203] : memref<320000xi32, #tpu.memory_space<hbm>> -> memref<40xi32, #tpu.memory_space<hbm>>
      %dma_wait3A_205 = tpu.memref_slice %arg4[%multiple_of3A_203] : memref<320000xi32, #tpu.memory_space<hbm>> -> memref<40xi32, #tpu.memory_space<hbm>>
      tpu.wait_dma2 semaphore(%arg32 : memref<!tpu.dma_semaphore, #tpu.memory_space<semaphore_mem>>) src(%dma_wait3A_205 : memref<40xi32, #tpu.memory_space<hbm>>) dst(%arg13 : memref<40xi32, #tpu.memory_space<vmem>>)
      %add3A_206 = arith.constant 2 : i32
      %add3A_207 = arith.addi %add3A_191, %add3A_206 : i32
      %mul3A_208 = arith.constant 40 : i32
      %mul3A_209 = arith.muli %add3A_207, %mul3A_208 : i32
      %add3A_210 = arith.addi %mul3A_6, %mul3A_209 : i32
      %multiple_of3A_211 = tpu.assume_multiple %add3A_210, 40 : i32
      %dma_start3A_212 = tpu.memref_slice %arg4[%multiple_of3A_211] : memref<320000xi32, #tpu.memory_space<hbm>> -> memref<40xi32, #tpu.memory_space<hbm>>
      %dma_start3A_213 = tpu.memref_slice %arg4[%multiple_of3A_211] : memref<320000xi32, #tpu.memory_space<hbm>> -> memref<40xi32, #tpu.memory_space<hbm>>
      tpu.enqueue_dma source(%dma_start3A_213 : memref<40xi32, #tpu.memory_space<hbm>>) target(%arg15 : memref<40xi32, #tpu.memory_space<vmem>>) target_semaphore(%arg32 : memref<!tpu.dma_semaphore, #tpu.memory_space<semaphore_mem>>)
      %add3A_214 = arith.constant 3 : i32
      %add3A_215 = arith.addi %add3A_191, %add3A_214 : i32
      %mul3A_216 = arith.constant 40 : i32
      %mul3A_217 = arith.muli %add3A_215, %mul3A_216 : i32
      %add3A_218 = arith.addi %mul3A_6, %mul3A_217 : i32
      %multiple_of3A_219 = tpu.assume_multiple %add3A_218, 40 : i32
      %dma_start3A_220 = tpu.memref_slice %arg3[%multiple_of3A_219] : memref<320000xi32, #tpu.memory_space<hbm>> -> memref<40xi32, #tpu.memory_space<hbm>>
      %dma_start3A_221 = tpu.memref_slice %arg3[%multiple_of3A_219] : memref<320000xi32, #tpu.memory_space<hbm>> -> memref<40xi32, #tpu.memory_space<hbm>>
      tpu.enqueue_dma source(%dma_start3A_221 : memref<40xi32, #tpu.memory_space<hbm>>) target(%arg8 : memref<40xi32, #tpu.memory_space<vmem>>) target_semaphore(%arg25 : memref<!tpu.dma_semaphore, #tpu.memory_space<semaphore_mem>>)
      %dma_start3A_222 = arith.constant 0 : i32
      %dma_start3A_223 = tpu.memref_slice %arg5[%multiple_of3A_219, %dma_start3A_222] : memref<320000x128xf32, #tpu.memory_space<hbm>> -> memref<40x128xf32, #tpu.memory_space<hbm>>
      %dma_start3A_224 = arith.constant 0 : i32
      %dma_start3A_225 = tpu.memref_slice %arg5[%multiple_of3A_219, %dma_start3A_224] : memref<320000x128xf32, #tpu.memory_space<hbm>> -> memref<40x128xf32, #tpu.memory_space<hbm>>
      tpu.enqueue_dma source(%dma_start3A_225 : memref<40x128xf32, #tpu.memory_space<hbm>>) target(%arg16 : memref<40x128xf32, #tpu.memory_space<vmem>>) target_semaphore(%arg25 : memref<!tpu.dma_semaphore, #tpu.memory_space<semaphore_mem>>)
      %add3A_226 = arith.constant 2 : i32
      %add3A_227 = arith.addi %add3A_191, %add3A_226 : i32
      %mul3A_228 = arith.constant 40 : i32
      %mul3A_229 = arith.muli %add3A_227, %mul3A_228 : i32
      %add3A_230 = arith.addi %mul3A_6, %mul3A_229 : i32
      %multiple_of3A_231 = tpu.assume_multiple %add3A_230, 40 : i32
      %dma_wait3A_232 = tpu.memref_slice %arg3[%multiple_of3A_231] : memref<320000xi32, #tpu.memory_space<hbm>> -> memref<40xi32, #tpu.memory_space<hbm>>
      %dma_wait3A_233 = tpu.memref_slice %arg3[%multiple_of3A_231] : memref<320000xi32, #tpu.memory_space<hbm>> -> memref<40xi32, #tpu.memory_space<hbm>>
      tpu.wait_dma2 semaphore(%arg26 : memref<!tpu.dma_semaphore, #tpu.memory_space<semaphore_mem>>) src(%dma_wait3A_233 : memref<40xi32, #tpu.memory_space<hbm>>) dst(%arg11 : memref<40xi32, #tpu.memory_space<vmem>>)
      %dma_wait3A_234 = arith.constant 0 : i32
      %dma_wait3A_235 = tpu.memref_slice %arg5[%multiple_of3A_231, %dma_wait3A_234] : memref<320000x128xf32, #tpu.memory_space<hbm>> -> memref<40x128xf32, #tpu.memory_space<hbm>>
      %dma_wait3A_236 = arith.constant 0 : i32
      %dma_wait3A_237 = tpu.memref_slice %arg5[%multiple_of3A_231, %dma_wait3A_236] : memref<320000x128xf32, #tpu.memory_space<hbm>> -> memref<40x128xf32, #tpu.memory_space<hbm>>
      tpu.wait_dma2 semaphore(%arg26 : memref<!tpu.dma_semaphore, #tpu.memory_space<semaphore_mem>>) src(%dma_wait3A_237 : memref<40x128xf32, #tpu.memory_space<hbm>>) dst(%arg19 : memref<40x128xf32, #tpu.memory_space<vmem>>)
      %dma_start3A_238 = arith.constant 0 : i32
      %dma_start3A_239 = arith.constant 0 : i32
      %dma_start3A_240 = tpu.memref_slice %arg2[%dma_start3A_238, %dma_start3A_239] : memref<10000x128xf32, #tpu.memory_space<hbm>> -> memref<10000x128xf32, #tpu.memory_space<hbm>>
      tpu.enqueue_indirect_dma source(%dma_start3A_240 : memref<10000x128xf32, #tpu.memory_space<hbm>>) target(%arg23 : memref<40x128xf32, #tpu.memory_space<vmem>>) offsets(%arg11 : memref<40xi32, #tpu.memory_space<vmem>>) semaphore(%arg28 : memref<!tpu.dma_semaphore, #tpu.memory_space<semaphore_mem>>)
      %scan3A_241 = arith.constant 0 : i32
      %scan3A_242 = arith.constant 20 : i32
      %scan3A_243 = arith.addi %scan3A_241, %scan3A_242 : i32
      %scan3A_244 = arith.constant 1 : i32
      scf.for %scan3A_359 = %scan3A_241 to %scan3A_243 step %scan3A_244  : i32 {
        %mul3A_360 = arith.constant 1 : i32
        %mul3A_361 = arith.muli %scan3A_359, %mul3A_360 : i32
        %add3A_362 = arith.constant 0 : i32
        %add3A_363 = arith.addi %add3A_362, %mul3A_361 : i32
        %mul3A_364 = arith.constant 2 : i32
        %mul3A_365 = arith.muli %mul3A_364, %add3A_363 : i32
        %add3A_366 = arith.constant 0 : i32
        %add3A_367 = arith.addi %mul3A_365, %add3A_366 : i32
        %get3A = arith.index_cast %add3A_367 : i32 to index
        %get3A_368 = arith.constant 0 : index
        %get3A_369 = tpu.vector_load %arg21[%get3A, %get3A_368] {strides = array<i32>} : memref<40x128xf32, #tpu.memory_space<vmem>>, vector<1x16xf32>,
        %get3A_370 = vector.shape_cast %get3A_369 : vector<1x16xf32> to vector<16xf32>
        %get3A_371 = arith.index_cast %add3A_367 : i32 to index
        %get3A_372 = arith.constant 0 : index
        %get3A_373 = tpu.vector_load %arg17[%get3A_371, %get3A_372] {strides = array<i32>} : memref<40x128xf32, #tpu.memory_space<vmem>>, vector<1x16xf32>,
        %get3A_374 = vector.shape_cast %get3A_373 : vector<1x16xf32> to vector<16xf32>
        %add3A_375 = arith.addf %get3A_370, %get3A_374 : vector<16xf32>
        %max3A = arith.constant 0.000000e+00 : f32
        %max3A_376 = vector.broadcast %max3A : f32 to vector<16xf32>
        %max3A_377 = arith.maximumf %add3A_375, %max3A_376 : vector<16xf32>
        %swap3A = arith.index_cast %add3A_367 : i32 to index
        %swap3A_378 = arith.constant 0 : index
        %swap3A_379 = tpu.vector_load %arg21[%swap3A, %swap3A_378] {strides = array<i32>} : memref<40x128xf32, #tpu.memory_space<vmem>>, vector<1x16xf32>,
        %swap3A_380 = vector.shape_cast %swap3A_379 : vector<1x16xf32> to vector<16xf32>
        %swap3A_381 = vector.shape_cast %max3A_377 : vector<16xf32> to vector<1x16xf32>
        tpu.vector_store %arg21[%swap3A, %swap3A_378], %swap3A_381 {strides = array<i32>} : memref<40x128xf32, #tpu.memory_space<vmem>>, vector<1x16xf32>,
        %get3A_382 = arith.index_cast %add3A_367 : i32 to index
        %get3A_383 = arith.constant 16 : index
        %get3A_384 = tpu.vector_load %arg21[%get3A_382, %get3A_383] {strides = array<i32>} : memref<40x128xf32, #tpu.memory_space<vmem>>, vector<1x16xf32>,
        %get3A_385 = vector.shape_cast %get3A_384 : vector<1x16xf32> to vector<16xf32>
        %get3A_386 = arith.index_cast %add3A_367 : i32 to index
        %get3A_387 = arith.constant 16 : index
        %get3A_388 = tpu.vector_load %arg17[%get3A_386, %get3A_387] {strides = array<i32>} : memref<40x128xf32, #tpu.memory_space<vmem>>, vector<1x16xf32>,
        %get3A_389 = vector.shape_cast %get3A_388 : vector<1x16xf32> to vector<16xf32>
        %add3A_390 = arith.addf %get3A_385, %get3A_389 : vector<16xf32>
        %max3A_391 = arith.constant 0.000000e+00 : f32
        %max3A_392 = vector.broadcast %max3A_391 : f32 to vector<16xf32>
        %max3A_393 = arith.maximumf %add3A_390, %max3A_392 : vector<16xf32>
        %swap3A_394 = arith.index_cast %add3A_367 : i32 to index
        %swap3A_395 = arith.constant 16 : index
        %swap3A_396 = tpu.vector_load %arg21[%swap3A_394, %swap3A_395] {strides = array<i32>} : memref<40x128xf32, #tpu.memory_space<vmem>>, vector<1x16xf32>,
        %swap3A_397 = vector.shape_cast %swap3A_396 : vector<1x16xf32> to vector<16xf32>
        %swap3A_398 = vector.shape_cast %max3A_393 : vector<16xf32> to vector<1x16xf32>
        tpu.vector_store %arg21[%swap3A_394, %swap3A_395], %swap3A_398 {strides = array<i32>} : memref<40x128xf32, #tpu.memory_space<vmem>>, vector<1x16xf32>,
        %get3A_399 = arith.index_cast %add3A_367 : i32 to index
        %get3A_400 = arith.constant 32 : index
        %get3A_401 = tpu.vector_load %arg21[%get3A_399, %get3A_400] {strides = array<i32>} : memref<40x128xf32, #tpu.memory_space<vmem>>, vector<1x16xf32>,
        %get3A_402 = vector.shape_cast %get3A_401 : vector<1x16xf32> to vector<16xf32>
        %get3A_403 = arith.index_cast %add3A_367 : i32 to index
        %get3A_404 = arith.constant 32 : index
        %get3A_405 = tpu.vector_load %arg17[%get3A_403, %get3A_404] {strides = array<i32>} : memref<40x128xf32, #tpu.memory_space<vmem>>, vector<1x16xf32>,
        %get3A_406 = vector.shape_cast %get3A_405 : vector<1x16xf32> to vector<16xf32>
        %add3A_407 = arith.addf %get3A_402, %get3A_406 : vector<16xf32>
        %max3A_408 = arith.constant 0.000000e+00 : f32
        %max3A_409 = vector.broadcast %max3A_408 : f32 to vector<16xf32>
        %max3A_410 = arith.maximumf %add3A_407, %max3A_409 : vector<16xf32>
        %swap3A_411 = arith.index_cast %add3A_367 : i32 to index
        %swap3A_412 = arith.constant 32 : index
        %swap3A_413 = tpu.vector_load %arg21[%swap3A_411, %swap3A_412] {strides = array<i32>} : memref<40x128xf32, #tpu.memory_space<vmem>>, vector<1x16xf32>,
        %swap3A_414 = vector.shape_cast %swap3A_413 : vector<1x16xf32> to vector<16xf32>
        %swap3A_415 = vector.shape_cast %max3A_410 : vector<16xf32> to vector<1x16xf32>
        tpu.vector_store %arg21[%swap3A_411, %swap3A_412], %swap3A_415 {strides = array<i32>} : memref<40x128xf32, #tpu.memory_space<vmem>>, vector<1x16xf32>,
        %get3A_416 = arith.index_cast %add3A_367 : i32 to index
        %get3A_417 = arith.constant 48 : index
        %get3A_418 = tpu.vector_load %arg21[%get3A_416, %get3A_417] {strides = array<i32>} : memref<40x128xf32, #tpu.memory_space<vmem>>, vector<1x16xf32>,
        %get3A_419 = vector.shape_cast %get3A_418 : vector<1x16xf32> to vector<16xf32>
        %get3A_420 = arith.index_cast %add3A_367 : i32 to index
        %get3A_421 = arith.constant 48 : index
        %get3A_422 = tpu.vector_load %arg17[%get3A_420, %get3A_421] {strides = array<i32>} : memref<40x128xf32, #tpu.memory_space<vmem>>, vector<1x16xf32>,
        %get3A_423 = vector.shape_cast %get3A_422 : vector<1x16xf32> to vector<16xf32>
        %add3A_424 = arith.addf %get3A_419, %get3A_423 : vector<16xf32>
        %max3A_425 = arith.constant 0.000000e+00 : f32
        %max3A_426 = vector.broadcast %max3A_425 : f32 to vector<16xf32>
        %max3A_427 = arith.maximumf %add3A_424, %max3A_426 : vector<16xf32>
        %swap3A_428 = arith.index_cast %add3A_367 : i32 to index
        %swap3A_429 = arith.constant 48 : index
        %swap3A_430 = tpu.vector_load %arg21[%swap3A_428, %swap3A_429] {strides = array<i32>} : memref<40x128xf32, #tpu.memory_space<vmem>>, vector<1x16xf32>,
        %swap3A_431 = vector.shape_cast %swap3A_430 : vector<1x16xf32> to vector<16xf32>
        %swap3A_432 = vector.shape_cast %max3A_427 : vector<16xf32> to vector<1x16xf32>
        tpu.vector_store %arg21[%swap3A_428, %swap3A_429], %swap3A_432 {strides = array<i32>} : memref<40x128xf32, #tpu.memory_space<vmem>>, vector<1x16xf32>,
        %get3A_433 = arith.index_cast %add3A_367 : i32 to index
        %get3A_434 = arith.constant 64 : index
        %get3A_435 = tpu.vector_load %arg21[%get3A_433, %get3A_434] {strides = array<i32>} : memref<40x128xf32, #tpu.memory_space<vmem>>, vector<1x16xf32>,
        %get3A_436 = vector.shape_cast %get3A_435 : vector<1x16xf32> to vector<16xf32>
        %get3A_437 = arith.index_cast %add3A_367 : i32 to index
        %get3A_438 = arith.constant 64 : index
        %get3A_439 = tpu.vector_load %arg17[%get3A_437, %get3A_438] {strides = array<i32>} : memref<40x128xf32, #tpu.memory_space<vmem>>, vector<1x16xf32>,
        %get3A_440 = vector.shape_cast %get3A_439 : vector<1x16xf32> to vector<16xf32>
        %add3A_441 = arith.addf %get3A_436, %get3A_440 : vector<16xf32>
        %max3A_442 = arith.constant 0.000000e+00 : f32
        %max3A_443 = vector.broadcast %max3A_442 : f32 to vector<16xf32>
        %max3A_444 = arith.maximumf %add3A_441, %max3A_443 : vector<16xf32>
        %swap3A_445 = arith.index_cast %add3A_367 : i32 to index
        %swap3A_446 = arith.constant 64 : index
        %swap3A_447 = tpu.vector_load %arg21[%swap3A_445, %swap3A_446] {strides = array<i32>} : memref<40x128xf32, #tpu.memory_space<vmem>>, vector<1x16xf32>,
        %swap3A_448 = vector.shape_cast %swap3A_447 : vector<1x16xf32> to vector<16xf32>
        %swap3A_449 = vector.shape_cast %max3A_444 : vector<16xf32> to vector<1x16xf32>
        tpu.vector_store %arg21[%swap3A_445, %swap3A_446], %swap3A_449 {strides = array<i32>} : memref<40x128xf32, #tpu.memory_space<vmem>>, vector<1x16xf32>,
        %get3A_450 = arith.index_cast %add3A_367 : i32 to index
        %get3A_451 = arith.constant 80 : index
        %get3A_452 = tpu.vector_load %arg21[%get3A_450, %get3A_451] {strides = array<i32>} : memref<40x128xf32, #tpu.memory_space<vmem>>, vector<1x16xf32>,
        %get3A_453 = vector.shape_cast %get3A_452 : vector<1x16xf32> to vector<16xf32>
        %get3A_454 = arith.index_cast %add3A_367 : i32 to index
        %get3A_455 = arith.constant 80 : index
        %get3A_456 = tpu.vector_load %arg17[%get3A_454, %get3A_455] {strides = array<i32>} : memref<40x128xf32, #tpu.memory_space<vmem>>, vector<1x16xf32>,
        %get3A_457 = vector.shape_cast %get3A_456 : vector<1x16xf32> to vector<16xf32>
        %add3A_458 = arith.addf %get3A_453, %get3A_457 : vector<16xf32>
        %max3A_459 = arith.constant 0.000000e+00 : f32
        %max3A_460 = vector.broadcast %max3A_459 : f32 to vector<16xf32>
        %max3A_461 = arith.maximumf %add3A_458, %max3A_460 : vector<16xf32>
        %swap3A_462 = arith.index_cast %add3A_367 : i32 to index
        %swap3A_463 = arith.constant 80 : index
        %swap3A_464 = tpu.vector_load %arg21[%swap3A_462, %swap3A_463] {strides = array<i32>} : memref<40x128xf32, #tpu.memory_space<vmem>>, vector<1x16xf32>,
        %swap3A_465 = vector.shape_cast %swap3A_464 : vector<1x16xf32> to vector<16xf32>
        %swap3A_466 = vector.shape_cast %max3A_461 : vector<16xf32> to vector<1x16xf32>
        tpu.vector_store %arg21[%swap3A_462, %swap3A_463], %swap3A_466 {strides = array<i32>} : memref<40x128xf32, #tpu.memory_space<vmem>>, vector<1x16xf32>,
        %get3A_467 = arith.index_cast %add3A_367 : i32 to index
        %get3A_468 = arith.constant 96 : index
        %get3A_469 = tpu.vector_load %arg21[%get3A_467, %get3A_468] {strides = array<i32>} : memref<40x128xf32, #tpu.memory_space<vmem>>, vector<1x16xf32>,
        %get3A_470 = vector.shape_cast %get3A_469 : vector<1x16xf32> to vector<16xf32>
        %get3A_471 = arith.index_cast %add3A_367 : i32 to index
        %get3A_472 = arith.constant 96 : index
        %get3A_473 = tpu.vector_load %arg17[%get3A_471, %get3A_472] {strides = array<i32>} : memref<40x128xf32, #tpu.memory_space<vmem>>, vector<1x16xf32>,
        %get3A_474 = vector.shape_cast %get3A_473 : vector<1x16xf32> to vector<16xf32>
        %add3A_475 = arith.addf %get3A_470, %get3A_474 : vector<16xf32>
        %max3A_476 = arith.constant 0.000000e+00 : f32
        %max3A_477 = vector.broadcast %max3A_476 : f32 to vector<16xf32>
        %max3A_478 = arith.maximumf %add3A_475, %max3A_477 : vector<16xf32>
        %swap3A_479 = arith.index_cast %add3A_367 : i32 to index
        %swap3A_480 = arith.constant 96 : index
        %swap3A_481 = tpu.vector_load %arg21[%swap3A_479, %swap3A_480] {strides = array<i32>} : memref<40x128xf32, #tpu.memory_space<vmem>>, vector<1x16xf32>,
        %swap3A_482 = vector.shape_cast %swap3A_481 : vector<1x16xf32> to vector<16xf32>
        %swap3A_483 = vector.shape_cast %max3A_478 : vector<16xf32> to vector<1x16xf32>
        tpu.vector_store %arg21[%swap3A_479, %swap3A_480], %swap3A_483 {strides = array<i32>} : memref<40x128xf32, #tpu.memory_space<vmem>>, vector<1x16xf32>,
        %get3A_484 = arith.index_cast %add3A_367 : i32 to index
        %get3A_485 = arith.constant 112 : index
        %get3A_486 = tpu.vector_load %arg21[%get3A_484, %get3A_485] {strides = array<i32>} : memref<40x128xf32, #tpu.memory_space<vmem>>, vector<1x16xf32>,
        %get3A_487 = vector.shape_cast %get3A_486 : vector<1x16xf32> to vector<16xf32>
        %get3A_488 = arith.index_cast %add3A_367 : i32 to index
        %get3A_489 = arith.constant 112 : index
        %get3A_490 = tpu.vector_load %arg17[%get3A_488, %get3A_489] {strides = array<i32>} : memref<40x128xf32, #tpu.memory_space<vmem>>, vector<1x16xf32>,
        %get3A_491 = vector.shape_cast %get3A_490 : vector<1x16xf32> to vector<16xf32>
        %add3A_492 = arith.addf %get3A_487, %get3A_491 : vector<16xf32>
        %max3A_493 = arith.constant 0.000000e+00 : f32
        %max3A_494 = vector.broadcast %max3A_493 : f32 to vector<16xf32>
        %max3A_495 = arith.maximumf %add3A_492, %max3A_494 : vector<16xf32>
        %swap3A_496 = arith.index_cast %add3A_367 : i32 to index
        %swap3A_497 = arith.constant 112 : index
        %swap3A_498 = tpu.vector_load %arg21[%swap3A_496, %swap3A_497] {strides = array<i32>} : memref<40x128xf32, #tpu.memory_space<vmem>>, vector<1x16xf32>,
        %swap3A_499 = vector.shape_cast %swap3A_498 : vector<1x16xf32> to vector<16xf32>
        %swap3A_500 = vector.shape_cast %max3A_495 : vector<16xf32> to vector<1x16xf32>
        tpu.vector_store %arg21[%swap3A_496, %swap3A_497], %swap3A_500 {strides = array<i32>} : memref<40x128xf32, #tpu.memory_space<vmem>>, vector<1x16xf32>,
        %mul3A_501 = arith.constant 2 : i32
        %mul3A_502 = arith.muli %mul3A_501, %add3A_363 : i32
        %add3A_503 = arith.constant 1 : i32
        %add3A_504 = arith.addi %mul3A_502, %add3A_503 : i32
        %get3A_505 = arith.index_cast %add3A_504 : i32 to index
        %get3A_506 = arith.constant 0 : index
        %get3A_507 = tpu.vector_load %arg21[%get3A_505, %get3A_506] {strides = array<i32>} : memref<40x128xf32, #tpu.memory_space<vmem>>, vector<1x16xf32>,
        %get3A_508 = vector.shape_cast %get3A_507 : vector<1x16xf32> to vector<16xf32>
        %get3A_509 = arith.index_cast %add3A_504 : i32 to index
        %get3A_510 = arith.constant 0 : index
        %get3A_511 = tpu.vector_load %arg17[%get3A_509, %get3A_510] {strides = array<i32>} : memref<40x128xf32, #tpu.memory_space<vmem>>, vector<1x16xf32>,
        %get3A_512 = vector.shape_cast %get3A_511 : vector<1x16xf32> to vector<16xf32>
        %add3A_513 = arith.addf %get3A_508, %get3A_512 : vector<16xf32>
        %max3A_514 = arith.constant 0.000000e+00 : f32
        %max3A_515 = vector.broadcast %max3A_514 : f32 to vector<16xf32>
        %max3A_516 = arith.maximumf %add3A_513, %max3A_515 : vector<16xf32>
        %swap3A_517 = arith.index_cast %add3A_504 : i32 to index
        %swap3A_518 = arith.constant 0 : index
        %swap3A_519 = tpu.vector_load %arg21[%swap3A_517, %swap3A_518] {strides = array<i32>} : memref<40x128xf32, #tpu.memory_space<vmem>>, vector<1x16xf32>,
        %swap3A_520 = vector.shape_cast %swap3A_519 : vector<1x16xf32> to vector<16xf32>
        %swap3A_521 = vector.shape_cast %max3A_516 : vector<16xf32> to vector<1x16xf32>
        tpu.vector_store %arg21[%swap3A_517, %swap3A_518], %swap3A_521 {strides = array<i32>} : memref<40x128xf32, #tpu.memory_space<vmem>>, vector<1x16xf32>,
        %get3A_522 = arith.index_cast %add3A_504 : i32 to index
        %get3A_523 = arith.constant 16 : index
        %get3A_524 = tpu.vector_load %arg21[%get3A_522, %get3A_523] {strides = array<i32>} : memref<40x128xf32, #tpu.memory_space<vmem>>, vector<1x16xf32>,
        %get3A_525 = vector.shape_cast %get3A_524 : vector<1x16xf32> to vector<16xf32>
        %get3A_526 = arith.index_cast %add3A_504 : i32 to index
        %get3A_527 = arith.constant 16 : index
        %get3A_528 = tpu.vector_load %arg17[%get3A_526, %get3A_527] {strides = array<i32>} : memref<40x128xf32, #tpu.memory_space<vmem>>, vector<1x16xf32>,
        %get3A_529 = vector.shape_cast %get3A_528 : vector<1x16xf32> to vector<16xf32>
        %add3A_530 = arith.addf %get3A_525, %get3A_529 : vector<16xf32>
        %max3A_531 = arith.constant 0.000000e+00 : f32
        %max3A_532 = vector.broadcast %max3A_531 : f32 to vector<16xf32>
        %max3A_533 = arith.maximumf %add3A_530, %max3A_532 : vector<16xf32>
        %swap3A_534 = arith.index_cast %add3A_504 : i32 to index
        %swap3A_535 = arith.constant 16 : index
        %swap3A_536 = tpu.vector_load %arg21[%swap3A_534, %swap3A_535] {strides = array<i32>} : memref<40x128xf32, #tpu.memory_space<vmem>>, vector<1x16xf32>,
        %swap3A_537 = vector.shape_cast %swap3A_536 : vector<1x16xf32> to vector<16xf32>
        %swap3A_538 = vector.shape_cast %max3A_533 : vector<16xf32> to vector<1x16xf32>
        tpu.vector_store %arg21[%swap3A_534, %swap3A_535], %swap3A_538 {strides = array<i32>} : memref<40x128xf32, #tpu.memory_space<vmem>>, vector<1x16xf32>,
        %get3A_539 = arith.index_cast %add3A_504 : i32 to index
        %get3A_540 = arith.constant 32 : index
        %get3A_541 = tpu.vector_load %arg21[%get3A_539, %get3A_540] {strides = array<i32>} : memref<40x128xf32, #tpu.memory_space<vmem>>, vector<1x16xf32>,
        %get3A_542 = vector.shape_cast %get3A_541 : vector<1x16xf32> to vector<16xf32>
        %get3A_543 = arith.index_cast %add3A_504 : i32 to index
        %get3A_544 = arith.constant 32 : index
        %get3A_545 = tpu.vector_load %arg17[%get3A_543, %get3A_544] {strides = array<i32>} : memref<40x128xf32, #tpu.memory_space<vmem>>, vector<1x16xf32>,
        %get3A_546 = vector.shape_cast %get3A_545 : vector<1x16xf32> to vector<16xf32>
        %add3A_547 = arith.addf %get3A_542, %get3A_546 : vector<16xf32>
        %max3A_548 = arith.constant 0.000000e+00 : f32
        %max3A_549 = vector.broadcast %max3A_548 : f32 to vector<16xf32>
        %max3A_550 = arith.maximumf %add3A_547, %max3A_549 : vector<16xf32>
        %swap3A_551 = arith.index_cast %add3A_504 : i32 to index
        %swap3A_552 = arith.constant 32 : index
        %swap3A_553 = tpu.vector_load %arg21[%swap3A_551, %swap3A_552] {strides = array<i32>} : memref<40x128xf32, #tpu.memory_space<vmem>>, vector<1x16xf32>,
        %swap3A_554 = vector.shape_cast %swap3A_553 : vector<1x16xf32> to vector<16xf32>
        %swap3A_555 = vector.shape_cast %max3A_550 : vector<16xf32> to vector<1x16xf32>
        tpu.vector_store %arg21[%swap3A_551, %swap3A_552], %swap3A_555 {strides = array<i32>} : memref<40x128xf32, #tpu.memory_space<vmem>>, vector<1x16xf32>,
        %get3A_556 = arith.index_cast %add3A_504 : i32 to index
        %get3A_557 = arith.constant 48 : index
        %get3A_558 = tpu.vector_load %arg21[%get3A_556, %get3A_557] {strides = array<i32>} : memref<40x128xf32, #tpu.memory_space<vmem>>, vector<1x16xf32>,
        %get3A_559 = vector.shape_cast %get3A_558 : vector<1x16xf32> to vector<16xf32>
        %get3A_560 = arith.index_cast %add3A_504 : i32 to index
        %get3A_561 = arith.constant 48 : index
        %get3A_562 = tpu.vector_load %arg17[%get3A_560, %get3A_561] {strides = array<i32>} : memref<40x128xf32, #tpu.memory_space<vmem>>, vector<1x16xf32>,
        %get3A_563 = vector.shape_cast %get3A_562 : vector<1x16xf32> to vector<16xf32>
        %add3A_564 = arith.addf %get3A_559, %get3A_563 : vector<16xf32>
        %max3A_565 = arith.constant 0.000000e+00 : f32
        %max3A_566 = vector.broadcast %max3A_565 : f32 to vector<16xf32>
        %max3A_567 = arith.maximumf %add3A_564, %max3A_566 : vector<16xf32>
        %swap3A_568 = arith.index_cast %add3A_504 : i32 to index
        %swap3A_569 = arith.constant 48 : index
        %swap3A_570 = tpu.vector_load %arg21[%swap3A_568, %swap3A_569] {strides = array<i32>} : memref<40x128xf32, #tpu.memory_space<vmem>>, vector<1x16xf32>,
        %swap3A_571 = vector.shape_cast %swap3A_570 : vector<1x16xf32> to vector<16xf32>
        %swap3A_572 = vector.shape_cast %max3A_567 : vector<16xf32> to vector<1x16xf32>
        tpu.vector_store %arg21[%swap3A_568, %swap3A_569], %swap3A_572 {strides = array<i32>} : memref<40x128xf32, #tpu.memory_space<vmem>>, vector<1x16xf32>,
        %get3A_573 = arith.index_cast %add3A_504 : i32 to index
        %get3A_574 = arith.constant 64 : index
        %get3A_575 = tpu.vector_load %arg21[%get3A_573, %get3A_574] {strides = array<i32>} : memref<40x128xf32, #tpu.memory_space<vmem>>, vector<1x16xf32>,
        %get3A_576 = vector.shape_cast %get3A_575 : vector<1x16xf32> to vector<16xf32>
        %get3A_577 = arith.index_cast %add3A_504 : i32 to index
        %get3A_578 = arith.constant 64 : index
        %get3A_579 = tpu.vector_load %arg17[%get3A_577, %get3A_578] {strides = array<i32>} : memref<40x128xf32, #tpu.memory_space<vmem>>, vector<1x16xf32>,
        %get3A_580 = vector.shape_cast %get3A_579 : vector<1x16xf32> to vector<16xf32>
        %add3A_581 = arith.addf %get3A_576, %get3A_580 : vector<16xf32>
        %max3A_582 = arith.constant 0.000000e+00 : f32
        %max3A_583 = vector.broadcast %max3A_582 : f32 to vector<16xf32>
        %max3A_584 = arith.maximumf %add3A_581, %max3A_583 : vector<16xf32>
        %swap3A_585 = arith.index_cast %add3A_504 : i32 to index
        %swap3A_586 = arith.constant 64 : index
        %swap3A_587 = tpu.vector_load %arg21[%swap3A_585, %swap3A_586] {strides = array<i32>} : memref<40x128xf32, #tpu.memory_space<vmem>>, vector<1x16xf32>,
        %swap3A_588 = vector.shape_cast %swap3A_587 : vector<1x16xf32> to vector<16xf32>
        %swap3A_589 = vector.shape_cast %max3A_584 : vector<16xf32> to vector<1x16xf32>
        tpu.vector_store %arg21[%swap3A_585, %swap3A_586], %swap3A_589 {strides = array<i32>} : memref<40x128xf32, #tpu.memory_space<vmem>>, vector<1x16xf32>,
        %get3A_590 = arith.index_cast %add3A_504 : i32 to index
        %get3A_591 = arith.constant 80 : index
        %get3A_592 = tpu.vector_load %arg21[%get3A_590, %get3A_591] {strides = array<i32>} : memref<40x128xf32, #tpu.memory_space<vmem>>, vector<1x16xf32>,
        %get3A_593 = vector.shape_cast %get3A_592 : vector<1x16xf32> to vector<16xf32>
        %get3A_594 = arith.index_cast %add3A_504 : i32 to index
        %get3A_595 = arith.constant 80 : index
        %get3A_596 = tpu.vector_load %arg17[%get3A_594, %get3A_595] {strides = array<i32>} : memref<40x128xf32, #tpu.memory_space<vmem>>, vector<1x16xf32>,
        %get3A_597 = vector.shape_cast %get3A_596 : vector<1x16xf32> to vector<16xf32>
        %add3A_598 = arith.addf %get3A_593, %get3A_597 : vector<16xf32>
        %max3A_599 = arith.constant 0.000000e+00 : f32
        %max3A_600 = vector.broadcast %max3A_599 : f32 to vector<16xf32>
        %max3A_601 = arith.maximumf %add3A_598, %max3A_600 : vector<16xf32>
        %swap3A_602 = arith.index_cast %add3A_504 : i32 to index
        %swap3A_603 = arith.constant 80 : index
        %swap3A_604 = tpu.vector_load %arg21[%swap3A_602, %swap3A_603] {strides = array<i32>} : memref<40x128xf32, #tpu.memory_space<vmem>>, vector<1x16xf32>,
        %swap3A_605 = vector.shape_cast %swap3A_604 : vector<1x16xf32> to vector<16xf32>
        %swap3A_606 = vector.shape_cast %max3A_601 : vector<16xf32> to vector<1x16xf32>
        tpu.vector_store %arg21[%swap3A_602, %swap3A_603], %swap3A_606 {strides = array<i32>} : memref<40x128xf32, #tpu.memory_space<vmem>>, vector<1x16xf32>,
        %get3A_607 = arith.index_cast %add3A_504 : i32 to index
        %get3A_608 = arith.constant 96 : index
        %get3A_609 = tpu.vector_load %arg21[%get3A_607, %get3A_608] {strides = array<i32>} : memref<40x128xf32, #tpu.memory_space<vmem>>, vector<1x16xf32>,
        %get3A_610 = vector.shape_cast %get3A_609 : vector<1x16xf32> to vector<16xf32>
        %get3A_611 = arith.index_cast %add3A_504 : i32 to index
        %get3A_612 = arith.constant 96 : index
        %get3A_613 = tpu.vector_load %arg17[%get3A_611, %get3A_612] {strides = array<i32>} : memref<40x128xf32, #tpu.memory_space<vmem>>, vector<1x16xf32>,
        %get3A_614 = vector.shape_cast %get3A_613 : vector<1x16xf32> to vector<16xf32>
        %add3A_615 = arith.addf %get3A_610, %get3A_614 : vector<16xf32>
        %max3A_616 = arith.constant 0.000000e+00 : f32
        %max3A_617 = vector.broadcast %max3A_616 : f32 to vector<16xf32>
        %max3A_618 = arith.maximumf %add3A_615, %max3A_617 : vector<16xf32>
        %swap3A_619 = arith.index_cast %add3A_504 : i32 to index
        %swap3A_620 = arith.constant 96 : index
        %swap3A_621 = tpu.vector_load %arg21[%swap3A_619, %swap3A_620] {strides = array<i32>} : memref<40x128xf32, #tpu.memory_space<vmem>>, vector<1x16xf32>,
        %swap3A_622 = vector.shape_cast %swap3A_621 : vector<1x16xf32> to vector<16xf32>
        %swap3A_623 = vector.shape_cast %max3A_618 : vector<16xf32> to vector<1x16xf32>
        tpu.vector_store %arg21[%swap3A_619, %swap3A_620], %swap3A_623 {strides = array<i32>} : memref<40x128xf32, #tpu.memory_space<vmem>>, vector<1x16xf32>,
        %get3A_624 = arith.index_cast %add3A_504 : i32 to index
        %get3A_625 = arith.constant 112 : index
        %get3A_626 = tpu.vector_load %arg21[%get3A_624, %get3A_625] {strides = array<i32>} : memref<40x128xf32, #tpu.memory_space<vmem>>, vector<1x16xf32>,
        %get3A_627 = vector.shape_cast %get3A_626 : vector<1x16xf32> to vector<16xf32>
        %get3A_628 = arith.index_cast %add3A_504 : i32 to index
        %get3A_629 = arith.constant 112 : index
        %get3A_630 = tpu.vector_load %arg17[%get3A_628, %get3A_629] {strides = array<i32>} : memref<40x128xf32, #tpu.memory_space<vmem>>, vector<1x16xf32>,
        %get3A_631 = vector.shape_cast %get3A_630 : vector<1x16xf32> to vector<16xf32>
        %add3A_632 = arith.addf %get3A_627, %get3A_631 : vector<16xf32>
        %max3A_633 = arith.constant 0.000000e+00 : f32
        %max3A_634 = vector.broadcast %max3A_633 : f32 to vector<16xf32>
        %max3A_635 = arith.maximumf %add3A_632, %max3A_634 : vector<16xf32>
        %swap3A_636 = arith.index_cast %add3A_504 : i32 to index
        %swap3A_637 = arith.constant 112 : index
        %swap3A_638 = tpu.vector_load %arg21[%swap3A_636, %swap3A_637] {strides = array<i32>} : memref<40x128xf32, #tpu.memory_space<vmem>>, vector<1x16xf32>,
        %swap3A_639 = vector.shape_cast %swap3A_638 : vector<1x16xf32> to vector<16xf32>
        %swap3A_640 = vector.shape_cast %max3A_635 : vector<16xf32> to vector<1x16xf32>
        tpu.vector_store %arg21[%swap3A_636, %swap3A_637], %swap3A_640 {strides = array<i32>} : memref<40x128xf32, #tpu.memory_space<vmem>>, vector<1x16xf32>,
      }
      %scan3A_245 = arith.constant 20 : i32
      %dma_start3A_246 = arith.constant 0 : i32
      %dma_start3A_247 = arith.constant 0 : i32
      %dma_start3A_248 = tpu.memref_slice %arg24[%dma_start3A_246, %dma_start3A_247] : memref<10000x128xf32, #tpu.memory_space<vmem_shared>> -> memref<10000x128xf32, #tpu.memory_space<vmem_shared>>
      tpu.enqueue_indirect_dma source(%arg21 : memref<40x128xf32, #tpu.memory_space<vmem>>) target(%dma_start3A_248 : memref<10000x128xf32, #tpu.memory_space<vmem_shared>>) offsets(%arg13 : memref<40xi32, #tpu.memory_space<vmem>>) semaphore(%arg30 : memref<!tpu.dma_semaphore, #tpu.memory_space<semaphore_mem>>) {add = true}
      %mul3A_249 = arith.constant 4 : i32
      %mul3A_250 = arith.muli %add3A_127, %mul3A_249 : i32
      %add3A_251 = arith.constant 2 : i32
      %add3A_252 = arith.addi %mul3A_250, %add3A_251 : i32
      %dma_wait3A_253 = arith.constant 0 : i32
      %dma_wait3A_254 = arith.constant 0 : i32
      %dma_wait3A_255 = tpu.memref_slice %arg24[%dma_wait3A_253, %dma_wait3A_254] : memref<10000x128xf32, #tpu.memory_space<vmem_shared>> -> memref<10000x128xf32, #tpu.memory_space<vmem_shared>>
      tpu.wait_indirect_dma semaphore(%arg29 : memref<!tpu.dma_semaphore, #tpu.memory_space<semaphore_mem>>) src(%arg20 : memref<40x128xf32, #tpu.memory_space<vmem>>) dst(%dma_wait3A_255 : memref<10000x128xf32, #tpu.memory_space<vmem_shared>>)
      %dma_wait3A_256 = arith.constant 0 : i32
      %dma_wait3A_257 = arith.constant 0 : i32
      %dma_wait3A_258 = tpu.memref_slice %arg2[%dma_wait3A_256, %dma_wait3A_257] : memref<10000x128xf32, #tpu.memory_space<hbm>> -> memref<10000x128xf32, #tpu.memory_space<hbm>>
      tpu.wait_indirect_dma semaphore(%arg27 : memref<!tpu.dma_semaphore, #tpu.memory_space<semaphore_mem>>) src(%dma_wait3A_258 : memref<10000x128xf32, #tpu.memory_space<hbm>>) dst(%arg22 : memref<40x128xf32, #tpu.memory_space<vmem>>)
      %mul3A_259 = arith.constant 40 : i32
      %mul3A_260 = arith.muli %add3A_252, %mul3A_259 : i32
      %add3A_261 = arith.addi %mul3A_6, %mul3A_260 : i32
      %multiple_of3A_262 = tpu.assume_multiple %add3A_261, 40 : i32
      %dma_wait3A_263 = tpu.memref_slice %arg4[%multiple_of3A_262] : memref<320000xi32, #tpu.memory_space<hbm>> -> memref<40xi32, #tpu.memory_space<hbm>>
      %dma_wait3A_264 = tpu.memref_slice %arg4[%multiple_of3A_262] : memref<320000xi32, #tpu.memory_space<hbm>> -> memref<40xi32, #tpu.memory_space<hbm>>
      tpu.wait_dma2 semaphore(%arg31 : memref<!tpu.dma_semaphore, #tpu.memory_space<semaphore_mem>>) src(%dma_wait3A_264 : memref<40xi32, #tpu.memory_space<hbm>>) dst(%arg14 : memref<40xi32, #tpu.memory_space<vmem>>)
      %add3A_265 = arith.constant 2 : i32
      %add3A_266 = arith.addi %add3A_252, %add3A_265 : i32
      %mul3A_267 = arith.constant 40 : i32
      %mul3A_268 = arith.muli %add3A_266, %mul3A_267 : i32
      %add3A_269 = arith.addi %mul3A_6, %mul3A_268 : i32
      %multiple_of3A_270 = tpu.assume_multiple %add3A_269, 40 : i32
      %dma_start3A_271 = tpu.memref_slice %arg4[%multiple_of3A_270] : memref<320000xi32, #tpu.memory_space<hbm>> -> memref<40xi32, #tpu.memory_space<hbm>>
      %dma_start3A_272 = tpu.memref_slice %arg4[%multiple_of3A_270] : memref<320000xi32, #tpu.memory_space<hbm>> -> memref<40xi32, #tpu.memory_space<hbm>>
      tpu.enqueue_dma source(%dma_start3A_272 : memref<40xi32, #tpu.memory_space<hbm>>) target(%arg12 : memref<40xi32, #tpu.memory_space<vmem>>) target_semaphore(%arg31 : memref<!tpu.dma_semaphore, #tpu.memory_space<semaphore_mem>>)
      %add3A_273 = arith.constant 3 : i32
      %add3A_274 = arith.addi %add3A_252, %add3A_273 : i32
      %mul3A_275 = arith.constant 40 : i32
      %mul3A_276 = arith.muli %add3A_274, %mul3A_275 : i32
      %add3A_277 = arith.addi %mul3A_6, %mul3A_276 : i32
      %multiple_of3A_278 = tpu.assume_multiple %add3A_277, 40 : i32
      %dma_start3A_279 = tpu.memref_slice %arg3[%multiple_of3A_278] : memref<320000xi32, #tpu.memory_space<hbm>> -> memref<40xi32, #tpu.memory_space<hbm>>
      %dma_start3A_280 = tpu.memref_slice %arg3[%multiple_of3A_278] : memref<320000xi32, #tpu.memory_space<hbm>> -> memref<40xi32, #tpu.memory_space<hbm>>
      tpu.enqueue_dma source(%dma_start3A_280 : memref<40xi32, #tpu.memory_space<hbm>>) target(%arg9 : memref<40xi32, #tpu.memory_space<vmem>>) target_semaphore(%arg26 : memref<!tpu.dma_semaphore, #tpu.memory_space<semaphore_mem>>)
      %dma_start3A_281 = arith.constant 0 : i32
      %dma_start3A_282 = tpu.memref_slice %arg5[%multiple_of3A_278, %dma_start3A_281] : memref<320000x128xf32, #tpu.memory_space<hbm>> -> memref<40x128xf32, #tpu.memory_space<hbm>>
      %dma_start3A_283 = arith.constant 0 : i32
      %dma_start3A_284 = tpu.memref_slice %arg5[%multiple_of3A_278, %dma_start3A_283] : memref<320000x128xf32, #tpu.memory_space<hbm>> -> memref<40x128xf32, #tpu.memory_space<hbm>>
      tpu.enqueue_dma source(%dma_start3A_284 : memref<40x128xf32, #tpu.memory_space<hbm>>) target(%arg17 : memref<40x128xf32, #tpu.memory_space<vmem>>) target_semaphore(%arg26 : memref<!tpu.dma_semaphore, #tpu.memory_space<semaphore_mem>>)
      %add3A_285 = arith.constant 2 : i32
      %add3A_286 = arith.addi %add3A_252, %add3A_285 : i32
      %mul3A_287 = arith.constant 40 : i32
      %mul3A_288 = arith.muli %add3A_286, %mul3A_287 : i32
      %add3A_289 = arith.addi %mul3A_6, %mul3A_288 : i32
      %multiple_of3A_290 = tpu.assume_multiple %add3A_289, 40 : i32
      %dma_wait3A_291 = tpu.memref_slice %arg3[%multiple_of3A_290] : memref<320000xi32, #tpu.memory_space<hbm>> -> memref<40xi32, #tpu.memory_space<hbm>>
      %dma_wait3A_292 = tpu.memref_slice %arg3[%multiple_of3A_290] : memref<320000xi32, #tpu.memory_space<hbm>> -> memref<40xi32, #tpu.memory_space<hbm>>
      tpu.wait_dma2 semaphore(%arg25 : memref<!tpu.dma_semaphore, #tpu.memory_space<semaphore_mem>>) src(%dma_wait3A_292 : memref<40xi32, #tpu.memory_space<hbm>>) dst(%arg8 : memref<40xi32, #tpu.memory_space<vmem>>)
      %dma_wait3A_293 = arith.constant 0 : i32
      %dma_wait3A_294 = tpu.memref_slice %arg5[%multiple_of3A_290, %dma_wait3A_293] : memref<320000x128xf32, #tpu.memory_space<hbm>> -> memref<40x128xf32, #tpu.memory_space<hbm>>
      %dma_wait3A_295 = arith.constant 0 : i32
      %dma_wait3A_296 = tpu.memref_slice %arg5[%multiple_of3A_290, %dma_wait3A_295] : memref<320000x128xf32, #tpu.memory_space<hbm>> -> memref<40x128xf32, #tpu.memory_space<hbm>>
      tpu.wait_dma2 semaphore(%arg25 : memref<!tpu.dma_semaphore, #tpu.memory_space<semaphore_mem>>) src(%dma_wait3A_296 : memref<40x128xf32, #tpu.memory_space<hbm>>) dst(%arg16 : memref<40x128xf32, #tpu.memory_space<vmem>>)
      %dma_start3A_297 = arith.constant 0 : i32
      %dma_start3A_298 = arith.constant 0 : i32
      %dma_start3A_299 = tpu.memref_slice %arg2[%dma_start3A_297, %dma_start3A_298] : memref<10000x128xf32, #tpu.memory_space<hbm>> -> memref<10000x128xf32, #tpu.memory_space<hbm>>
      tpu.enqueue_indirect_dma source(%dma_start3A_299 : memref<10000x128xf32, #tpu.memory_space<hbm>>) target(%arg20 : memref<40x128xf32, #tpu.memory_space<vmem>>) offsets(%arg8 : memref<40xi32, #tpu.memory_space<vmem>>) semaphore(%arg27 : memref<!tpu.dma_semaphore, #tpu.memory_space<semaphore_mem>>)
      %scan3A_300 = arith.constant 0 : i32
      %scan3A_301 = arith.constant 20 : i32
      %scan3A_302 = arith.addi %scan3A_300, %scan3A_301 : i32
      %scan3A_303 = arith.constant 1 : i32
      scf.for %scan3A_359 = %scan3A_300 to %scan3A_302 step %scan3A_303  : i32 {
        %mul3A_360 = arith.constant 1 : i32
        %mul3A_361 = arith.muli %scan3A_359, %mul3A_360 : i32
        %add3A_362 = arith.constant 0 : i32
        %add3A_363 = arith.addi %add3A_362, %mul3A_361 : i32
        %mul3A_364 = arith.constant 2 : i32
        %mul3A_365 = arith.muli %mul3A_364, %add3A_363 : i32
        %add3A_366 = arith.constant 0 : i32
        %add3A_367 = arith.addi %mul3A_365, %add3A_366 : i32
        %get3A = arith.index_cast %add3A_367 : i32 to index
        %get3A_368 = arith.constant 0 : index
        %get3A_369 = tpu.vector_load %arg22[%get3A, %get3A_368] {strides = array<i32>} : memref<40x128xf32, #tpu.memory_space<vmem>>, vector<1x16xf32>,
        %get3A_370 = vector.shape_cast %get3A_369 : vector<1x16xf32> to vector<16xf32>
        %get3A_371 = arith.index_cast %add3A_367 : i32 to index
        %get3A_372 = arith.constant 0 : index
        %get3A_373 = tpu.vector_load %arg18[%get3A_371, %get3A_372] {strides = array<i32>} : memref<40x128xf32, #tpu.memory_space<vmem>>, vector<1x16xf32>,
        %get3A_374 = vector.shape_cast %get3A_373 : vector<1x16xf32> to vector<16xf32>
        %add3A_375 = arith.addf %get3A_370, %get3A_374 : vector<16xf32>
        %max3A = arith.constant 0.000000e+00 : f32
        %max3A_376 = vector.broadcast %max3A : f32 to vector<16xf32>
        %max3A_377 = arith.maximumf %add3A_375, %max3A_376 : vector<16xf32>
        %swap3A = arith.index_cast %add3A_367 : i32 to index
        %swap3A_378 = arith.constant 0 : index
        %swap3A_379 = tpu.vector_load %arg22[%swap3A, %swap3A_378] {strides = array<i32>} : memref<40x128xf32, #tpu.memory_space<vmem>>, vector<1x16xf32>,
        %swap3A_380 = vector.shape_cast %swap3A_379 : vector<1x16xf32> to vector<16xf32>
        %swap3A_381 = vector.shape_cast %max3A_377 : vector<16xf32> to vector<1x16xf32>
        tpu.vector_store %arg22[%swap3A, %swap3A_378], %swap3A_381 {strides = array<i32>} : memref<40x128xf32, #tpu.memory_space<vmem>>, vector<1x16xf32>,
        %get3A_382 = arith.index_cast %add3A_367 : i32 to index
        %get3A_383 = arith.constant 16 : index
        %get3A_384 = tpu.vector_load %arg22[%get3A_382, %get3A_383] {strides = array<i32>} : memref<40x128xf32, #tpu.memory_space<vmem>>, vector<1x16xf32>,
        %get3A_385 = vector.shape_cast %get3A_384 : vector<1x16xf32> to vector<16xf32>
        %get3A_386 = arith.index_cast %add3A_367 : i32 to index
        %get3A_387 = arith.constant 16 : index
        %get3A_388 = tpu.vector_load %arg18[%get3A_386, %get3A_387] {strides = array<i32>} : memref<40x128xf32, #tpu.memory_space<vmem>>, vector<1x16xf32>,
        %get3A_389 = vector.shape_cast %get3A_388 : vector<1x16xf32> to vector<16xf32>
        %add3A_390 = arith.addf %get3A_385, %get3A_389 : vector<16xf32>
        %max3A_391 = arith.constant 0.000000e+00 : f32
        %max3A_392 = vector.broadcast %max3A_391 : f32 to vector<16xf32>
        %max3A_393 = arith.maximumf %add3A_390, %max3A_392 : vector<16xf32>
        %swap3A_394 = arith.index_cast %add3A_367 : i32 to index
        %swap3A_395 = arith.constant 16 : index
        %swap3A_396 = tpu.vector_load %arg22[%swap3A_394, %swap3A_395] {strides = array<i32>} : memref<40x128xf32, #tpu.memory_space<vmem>>, vector<1x16xf32>,
        %swap3A_397 = vector.shape_cast %swap3A_396 : vector<1x16xf32> to vector<16xf32>
        %swap3A_398 = vector.shape_cast %max3A_393 : vector<16xf32> to vector<1x16xf32>
        tpu.vector_store %arg22[%swap3A_394, %swap3A_395], %swap3A_398 {strides = array<i32>} : memref<40x128xf32, #tpu.memory_space<vmem>>, vector<1x16xf32>,
        %get3A_399 = arith.index_cast %add3A_367 : i32 to index
        %get3A_400 = arith.constant 32 : index
        %get3A_401 = tpu.vector_load %arg22[%get3A_399, %get3A_400] {strides = array<i32>} : memref<40x128xf32, #tpu.memory_space<vmem>>, vector<1x16xf32>,
        %get3A_402 = vector.shape_cast %get3A_401 : vector<1x16xf32> to vector<16xf32>
        %get3A_403 = arith.index_cast %add3A_367 : i32 to index
        %get3A_404 = arith.constant 32 : index
        %get3A_405 = tpu.vector_load %arg18[%get3A_403, %get3A_404] {strides = array<i32>} : memref<40x128xf32, #tpu.memory_space<vmem>>, vector<1x16xf32>,
        %get3A_406 = vector.shape_cast %get3A_405 : vector<1x16xf32> to vector<16xf32>
        %add3A_407 = arith.addf %get3A_402, %get3A_406 : vector<16xf32>
        %max3A_408 = arith.constant 0.000000e+00 : f32
        %max3A_409 = vector.broadcast %max3A_408 : f32 to vector<16xf32>
        %max3A_410 = arith.maximumf %add3A_407, %max3A_409 : vector<16xf32>
        %swap3A_411 = arith.index_cast %add3A_367 : i32 to index
        %swap3A_412 = arith.constant 32 : index
        %swap3A_413 = tpu.vector_load %arg22[%swap3A_411, %swap3A_412] {strides = array<i32>} : memref<40x128xf32, #tpu.memory_space<vmem>>, vector<1x16xf32>,
        %swap3A_414 = vector.shape_cast %swap3A_413 : vector<1x16xf32> to vector<16xf32>
        %swap3A_415 = vector.shape_cast %max3A_410 : vector<16xf32> to vector<1x16xf32>
        tpu.vector_store %arg22[%swap3A_411, %swap3A_412], %swap3A_415 {strides = array<i32>} : memref<40x128xf32, #tpu.memory_space<vmem>>, vector<1x16xf32>,
        %get3A_416 = arith.index_cast %add3A_367 : i32 to index
        %get3A_417 = arith.constant 48 : index
        %get3A_418 = tpu.vector_load %arg22[%get3A_416, %get3A_417] {strides = array<i32>} : memref<40x128xf32, #tpu.memory_space<vmem>>, vector<1x16xf32>,
        %get3A_419 = vector.shape_cast %get3A_418 : vector<1x16xf32> to vector<16xf32>
        %get3A_420 = arith.index_cast %add3A_367 : i32 to index
        %get3A_421 = arith.constant 48 : index
        %get3A_422 = tpu.vector_load %arg18[%get3A_420, %get3A_421] {strides = array<i32>} : memref<40x128xf32, #tpu.memory_space<vmem>>, vector<1x16xf32>,
        %get3A_423 = vector.shape_cast %get3A_422 : vector<1x16xf32> to vector<16xf32>
        %add3A_424 = arith.addf %get3A_419, %get3A_423 : vector<16xf32>
        %max3A_425 = arith.constant 0.000000e+00 : f32
        %max3A_426 = vector.broadcast %max3A_425 : f32 to vector<16xf32>
        %max3A_427 = arith.maximumf %add3A_424, %max3A_426 : vector<16xf32>
        %swap3A_428 = arith.index_cast %add3A_367 : i32 to index
        %swap3A_429 = arith.constant 48 : index
        %swap3A_430 = tpu.vector_load %arg22[%swap3A_428, %swap3A_429] {strides = array<i32>} : memref<40x128xf32, #tpu.memory_space<vmem>>, vector<1x16xf32>,
        %swap3A_431 = vector.shape_cast %swap3A_430 : vector<1x16xf32> to vector<16xf32>
        %swap3A_432 = vector.shape_cast %max3A_427 : vector<16xf32> to vector<1x16xf32>
        tpu.vector_store %arg22[%swap3A_428, %swap3A_429], %swap3A_432 {strides = array<i32>} : memref<40x128xf32, #tpu.memory_space<vmem>>, vector<1x16xf32>,
        %get3A_433 = arith.index_cast %add3A_367 : i32 to index
        %get3A_434 = arith.constant 64 : index
        %get3A_435 = tpu.vector_load %arg22[%get3A_433, %get3A_434] {strides = array<i32>} : memref<40x128xf32, #tpu.memory_space<vmem>>, vector<1x16xf32>,
        %get3A_436 = vector.shape_cast %get3A_435 : vector<1x16xf32> to vector<16xf32>
        %get3A_437 = arith.index_cast %add3A_367 : i32 to index
        %get3A_438 = arith.constant 64 : index
        %get3A_439 = tpu.vector_load %arg18[%get3A_437, %get3A_438] {strides = array<i32>} : memref<40x128xf32, #tpu.memory_space<vmem>>, vector<1x16xf32>,
        %get3A_440 = vector.shape_cast %get3A_439 : vector<1x16xf32> to vector<16xf32>
        %add3A_441 = arith.addf %get3A_436, %get3A_440 : vector<16xf32>
        %max3A_442 = arith.constant 0.000000e+00 : f32
        %max3A_443 = vector.broadcast %max3A_442 : f32 to vector<16xf32>
        %max3A_444 = arith.maximumf %add3A_441, %max3A_443 : vector<16xf32>
        %swap3A_445 = arith.index_cast %add3A_367 : i32 to index
        %swap3A_446 = arith.constant 64 : index
        %swap3A_447 = tpu.vector_load %arg22[%swap3A_445, %swap3A_446] {strides = array<i32>} : memref<40x128xf32, #tpu.memory_space<vmem>>, vector<1x16xf32>,
        %swap3A_448 = vector.shape_cast %swap3A_447 : vector<1x16xf32> to vector<16xf32>
        %swap3A_449 = vector.shape_cast %max3A_444 : vector<16xf32> to vector<1x16xf32>
        tpu.vector_store %arg22[%swap3A_445, %swap3A_446], %swap3A_449 {strides = array<i32>} : memref<40x128xf32, #tpu.memory_space<vmem>>, vector<1x16xf32>,
        %get3A_450 = arith.index_cast %add3A_367 : i32 to index
        %get3A_451 = arith.constant 80 : index
        %get3A_452 = tpu.vector_load %arg22[%get3A_450, %get3A_451] {strides = array<i32>} : memref<40x128xf32, #tpu.memory_space<vmem>>, vector<1x16xf32>,
        %get3A_453 = vector.shape_cast %get3A_452 : vector<1x16xf32> to vector<16xf32>
        %get3A_454 = arith.index_cast %add3A_367 : i32 to index
        %get3A_455 = arith.constant 80 : index
        %get3A_456 = tpu.vector_load %arg18[%get3A_454, %get3A_455] {strides = array<i32>} : memref<40x128xf32, #tpu.memory_space<vmem>>, vector<1x16xf32>,
        %get3A_457 = vector.shape_cast %get3A_456 : vector<1x16xf32> to vector<16xf32>
        %add3A_458 = arith.addf %get3A_453, %get3A_457 : vector<16xf32>
        %max3A_459 = arith.constant 0.000000e+00 : f32
        %max3A_460 = vector.broadcast %max3A_459 : f32 to vector<16xf32>
        %max3A_461 = arith.maximumf %add3A_458, %max3A_460 : vector<16xf32>
        %swap3A_462 = arith.index_cast %add3A_367 : i32 to index
        %swap3A_463 = arith.constant 80 : index
        %swap3A_464 = tpu.vector_load %arg22[%swap3A_462, %swap3A_463] {strides = array<i32>} : memref<40x128xf32, #tpu.memory_space<vmem>>, vector<1x16xf32>,
        %swap3A_465 = vector.shape_cast %swap3A_464 : vector<1x16xf32> to vector<16xf32>
        %swap3A_466 = vector.shape_cast %max3A_461 : vector<16xf32> to vector<1x16xf32>
        tpu.vector_store %arg22[%swap3A_462, %swap3A_463], %swap3A_466 {strides = array<i32>} : memref<40x128xf32, #tpu.memory_space<vmem>>, vector<1x16xf32>,
        %get3A_467 = arith.index_cast %add3A_367 : i32 to index
        %get3A_468 = arith.constant 96 : index
        %get3A_469 = tpu.vector_load %arg22[%get3A_467, %get3A_468] {strides = array<i32>} : memref<40x128xf32, #tpu.memory_space<vmem>>, vector<1x16xf32>,
        %get3A_470 = vector.shape_cast %get3A_469 : vector<1x16xf32> to vector<16xf32>
        %get3A_471 = arith.index_cast %add3A_367 : i32 to index
        %get3A_472 = arith.constant 96 : index
        %get3A_473 = tpu.vector_load %arg18[%get3A_471, %get3A_472] {strides = array<i32>} : memref<40x128xf32, #tpu.memory_space<vmem>>, vector<1x16xf32>,
        %get3A_474 = vector.shape_cast %get3A_473 : vector<1x16xf32> to vector<16xf32>
        %add3A_475 = arith.addf %get3A_470, %get3A_474 : vector<16xf32>
        %max3A_476 = arith.constant 0.000000e+00 : f32
        %max3A_477 = vector.broadcast %max3A_476 : f32 to vector<16xf32>
        %max3A_478 = arith.maximumf %add3A_475, %max3A_477 : vector<16xf32>
        %swap3A_479 = arith.index_cast %add3A_367 : i32 to index
        %swap3A_480 = arith.constant 96 : index
        %swap3A_481 = tpu.vector_load %arg22[%swap3A_479, %swap3A_480] {strides = array<i32>} : memref<40x128xf32, #tpu.memory_space<vmem>>, vector<1x16xf32>,
        %swap3A_482 = vector.shape_cast %swap3A_481 : vector<1x16xf32> to vector<16xf32>
        %swap3A_483 = vector.shape_cast %max3A_478 : vector<16xf32> to vector<1x16xf32>
        tpu.vector_store %arg22[%swap3A_479, %swap3A_480], %swap3A_483 {strides = array<i32>} : memref<40x128xf32, #tpu.memory_space<vmem>>, vector<1x16xf32>,
        %get3A_484 = arith.index_cast %add3A_367 : i32 to index
        %get3A_485 = arith.constant 112 : index
        %get3A_486 = tpu.vector_load %arg22[%get3A_484, %get3A_485] {strides = array<i32>} : memref<40x128xf32, #tpu.memory_space<vmem>>, vector<1x16xf32>,
        %get3A_487 = vector.shape_cast %get3A_486 : vector<1x16xf32> to vector<16xf32>
        %get3A_488 = arith.index_cast %add3A_367 : i32 to index
        %get3A_489 = arith.constant 112 : index
        %get3A_490 = tpu.vector_load %arg18[%get3A_488, %get3A_489] {strides = array<i32>} : memref<40x128xf32, #tpu.memory_space<vmem>>, vector<1x16xf32>,
        %get3A_491 = vector.shape_cast %get3A_490 : vector<1x16xf32> to vector<16xf32>
        %add3A_492 = arith.addf %get3A_487, %get3A_491 : vector<16xf32>
        %max3A_493 = arith.constant 0.000000e+00 : f32
        %max3A_494 = vector.broadcast %max3A_493 : f32 to vector<16xf32>
        %max3A_495 = arith.maximumf %add3A_492, %max3A_494 : vector<16xf32>
        %swap3A_496 = arith.index_cast %add3A_367 : i32 to index
        %swap3A_497 = arith.constant 112 : index
        %swap3A_498 = tpu.vector_load %arg22[%swap3A_496, %swap3A_497] {strides = array<i32>} : memref<40x128xf32, #tpu.memory_space<vmem>>, vector<1x16xf32>,
        %swap3A_499 = vector.shape_cast %swap3A_498 : vector<1x16xf32> to vector<16xf32>
        %swap3A_500 = vector.shape_cast %max3A_495 : vector<16xf32> to vector<1x16xf32>
        tpu.vector_store %arg22[%swap3A_496, %swap3A_497], %swap3A_500 {strides = array<i32>} : memref<40x128xf32, #tpu.memory_space<vmem>>, vector<1x16xf32>,
        %mul3A_501 = arith.constant 2 : i32
        %mul3A_502 = arith.muli %mul3A_501, %add3A_363 : i32
        %add3A_503 = arith.constant 1 : i32
        %add3A_504 = arith.addi %mul3A_502, %add3A_503 : i32
        %get3A_505 = arith.index_cast %add3A_504 : i32 to index
        %get3A_506 = arith.constant 0 : index
        %get3A_507 = tpu.vector_load %arg22[%get3A_505, %get3A_506] {strides = array<i32>} : memref<40x128xf32, #tpu.memory_space<vmem>>, vector<1x16xf32>,
        %get3A_508 = vector.shape_cast %get3A_507 : vector<1x16xf32> to vector<16xf32>
        %get3A_509 = arith.index_cast %add3A_504 : i32 to index
        %get3A_510 = arith.constant 0 : index
        %get3A_511 = tpu.vector_load %arg18[%get3A_509, %get3A_510] {strides = array<i32>} : memref<40x128xf32, #tpu.memory_space<vmem>>, vector<1x16xf32>,
        %get3A_512 = vector.shape_cast %get3A_511 : vector<1x16xf32> to vector<16xf32>
        %add3A_513 = arith.addf %get3A_508, %get3A_512 : vector<16xf32>
        %max3A_514 = arith.constant 0.000000e+00 : f32
        %max3A_515 = vector.broadcast %max3A_514 : f32 to vector<16xf32>
        %max3A_516 = arith.maximumf %add3A_513, %max3A_515 : vector<16xf32>
        %swap3A_517 = arith.index_cast %add3A_504 : i32 to index
        %swap3A_518 = arith.constant 0 : index
        %swap3A_519 = tpu.vector_load %arg22[%swap3A_517, %swap3A_518] {strides = array<i32>} : memref<40x128xf32, #tpu.memory_space<vmem>>, vector<1x16xf32>,
        %swap3A_520 = vector.shape_cast %swap3A_519 : vector<1x16xf32> to vector<16xf32>
        %swap3A_521 = vector.shape_cast %max3A_516 : vector<16xf32> to vector<1x16xf32>
        tpu.vector_store %arg22[%swap3A_517, %swap3A_518], %swap3A_521 {strides = array<i32>} : memref<40x128xf32, #tpu.memory_space<vmem>>, vector<1x16xf32>,
        %get3A_522 = arith.index_cast %add3A_504 : i32 to index
        %get3A_523 = arith.constant 16 : index
        %get3A_524 = tpu.vector_load %arg22[%get3A_522, %get3A_523] {strides = array<i32>} : memref<40x128xf32, #tpu.memory_space<vmem>>, vector<1x16xf32>,
        %get3A_525 = vector.shape_cast %get3A_524 : vector<1x16xf32> to vector<16xf32>
        %get3A_526 = arith.index_cast %add3A_504 : i32 to index
        %get3A_527 = arith.constant 16 : index
        %get3A_528 = tpu.vector_load %arg18[%get3A_526, %get3A_527] {strides = array<i32>} : memref<40x128xf32, #tpu.memory_space<vmem>>, vector<1x16xf32>,
        %get3A_529 = vector.shape_cast %get3A_528 : vector<1x16xf32> to vector<16xf32>
        %add3A_530 = arith.addf %get3A_525, %get3A_529 : vector<16xf32>
        %max3A_531 = arith.constant 0.000000e+00 : f32
        %max3A_532 = vector.broadcast %max3A_531 : f32 to vector<16xf32>
        %max3A_533 = arith.maximumf %add3A_530, %max3A_532 : vector<16xf32>
        %swap3A_534 = arith.index_cast %add3A_504 : i32 to index
        %swap3A_535 = arith.constant 16 : index
        %swap3A_536 = tpu.vector_load %arg22[%swap3A_534, %swap3A_535] {strides = array<i32>} : memref<40x128xf32, #tpu.memory_space<vmem>>, vector<1x16xf32>,
        %swap3A_537 = vector.shape_cast %swap3A_536 : vector<1x16xf32> to vector<16xf32>
        %swap3A_538 = vector.shape_cast %max3A_533 : vector<16xf32> to vector<1x16xf32>
        tpu.vector_store %arg22[%swap3A_534, %swap3A_535], %swap3A_538 {strides = array<i32>} : memref<40x128xf32, #tpu.memory_space<vmem>>, vector<1x16xf32>,
        %get3A_539 = arith.index_cast %add3A_504 : i32 to index
        %get3A_540 = arith.constant 32 : index
        %get3A_541 = tpu.vector_load %arg22[%get3A_539, %get3A_540] {strides = array<i32>} : memref<40x128xf32, #tpu.memory_space<vmem>>, vector<1x16xf32>,
        %get3A_542 = vector.shape_cast %get3A_541 : vector<1x16xf32> to vector<16xf32>
        %get3A_543 = arith.index_cast %add3A_504 : i32 to index
        %get3A_544 = arith.constant 32 : index
        %get3A_545 = tpu.vector_load %arg18[%get3A_543, %get3A_544] {strides = array<i32>} : memref<40x128xf32, #tpu.memory_space<vmem>>, vector<1x16xf32>,
        %get3A_546 = vector.shape_cast %get3A_545 : vector<1x16xf32> to vector<16xf32>
        %add3A_547 = arith.addf %get3A_542, %get3A_546 : vector<16xf32>
        %max3A_548 = arith.constant 0.000000e+00 : f32
        %max3A_549 = vector.broadcast %max3A_548 : f32 to vector<16xf32>
        %max3A_550 = arith.maximumf %add3A_547, %max3A_549 : vector<16xf32>
        %swap3A_551 = arith.index_cast %add3A_504 : i32 to index
        %swap3A_552 = arith.constant 32 : index
        %swap3A_553 = tpu.vector_load %arg22[%swap3A_551, %swap3A_552] {strides = array<i32>} : memref<40x128xf32, #tpu.memory_space<vmem>>, vector<1x16xf32>,
        %swap3A_554 = vector.shape_cast %swap3A_553 : vector<1x16xf32> to vector<16xf32>
        %swap3A_555 = vector.shape_cast %max3A_550 : vector<16xf32> to vector<1x16xf32>
        tpu.vector_store %arg22[%swap3A_551, %swap3A_552], %swap3A_555 {strides = array<i32>} : memref<40x128xf32, #tpu.memory_space<vmem>>, vector<1x16xf32>,
        %get3A_556 = arith.index_cast %add3A_504 : i32 to index
        %get3A_557 = arith.constant 48 : index
        %get3A_558 = tpu.vector_load %arg22[%get3A_556, %get3A_557] {strides = array<i32>} : memref<40x128xf32, #tpu.memory_space<vmem>>, vector<1x16xf32>,
        %get3A_559 = vector.shape_cast %get3A_558 : vector<1x16xf32> to vector<16xf32>
        %get3A_560 = arith.index_cast %add3A_504 : i32 to index
        %get3A_561 = arith.constant 48 : index
        %get3A_562 = tpu.vector_load %arg18[%get3A_560, %get3A_561] {strides = array<i32>} : memref<40x128xf32, #tpu.memory_space<vmem>>, vector<1x16xf32>,
        %get3A_563 = vector.shape_cast %get3A_562 : vector<1x16xf32> to vector<16xf32>
        %add3A_564 = arith.addf %get3A_559, %get3A_563 : vector<16xf32>
        %max3A_565 = arith.constant 0.000000e+00 : f32
        %max3A_566 = vector.broadcast %max3A_565 : f32 to vector<16xf32>
        %max3A_567 = arith.maximumf %add3A_564, %max3A_566 : vector<16xf32>
        %swap3A_568 = arith.index_cast %add3A_504 : i32 to index
        %swap3A_569 = arith.constant 48 : index
        %swap3A_570 = tpu.vector_load %arg22[%swap3A_568, %swap3A_569] {strides = array<i32>} : memref<40x128xf32, #tpu.memory_space<vmem>>, vector<1x16xf32>,
        %swap3A_571 = vector.shape_cast %swap3A_570 : vector<1x16xf32> to vector<16xf32>
        %swap3A_572 = vector.shape_cast %max3A_567 : vector<16xf32> to vector<1x16xf32>
        tpu.vector_store %arg22[%swap3A_568, %swap3A_569], %swap3A_572 {strides = array<i32>} : memref<40x128xf32, #tpu.memory_space<vmem>>, vector<1x16xf32>,
        %get3A_573 = arith.index_cast %add3A_504 : i32 to index
        %get3A_574 = arith.constant 64 : index
        %get3A_575 = tpu.vector_load %arg22[%get3A_573, %get3A_574] {strides = array<i32>} : memref<40x128xf32, #tpu.memory_space<vmem>>, vector<1x16xf32>,
        %get3A_576 = vector.shape_cast %get3A_575 : vector<1x16xf32> to vector<16xf32>
        %get3A_577 = arith.index_cast %add3A_504 : i32 to index
        %get3A_578 = arith.constant 64 : index
        %get3A_579 = tpu.vector_load %arg18[%get3A_577, %get3A_578] {strides = array<i32>} : memref<40x128xf32, #tpu.memory_space<vmem>>, vector<1x16xf32>,
        %get3A_580 = vector.shape_cast %get3A_579 : vector<1x16xf32> to vector<16xf32>
        %add3A_581 = arith.addf %get3A_576, %get3A_580 : vector<16xf32>
        %max3A_582 = arith.constant 0.000000e+00 : f32
        %max3A_583 = vector.broadcast %max3A_582 : f32 to vector<16xf32>
        %max3A_584 = arith.maximumf %add3A_581, %max3A_583 : vector<16xf32>
        %swap3A_585 = arith.index_cast %add3A_504 : i32 to index
        %swap3A_586 = arith.constant 64 : index
        %swap3A_587 = tpu.vector_load %arg22[%swap3A_585, %swap3A_586] {strides = array<i32>} : memref<40x128xf32, #tpu.memory_space<vmem>>, vector<1x16xf32>,
        %swap3A_588 = vector.shape_cast %swap3A_587 : vector<1x16xf32> to vector<16xf32>
        %swap3A_589 = vector.shape_cast %max3A_584 : vector<16xf32> to vector<1x16xf32>
        tpu.vector_store %arg22[%swap3A_585, %swap3A_586], %swap3A_589 {strides = array<i32>} : memref<40x128xf32, #tpu.memory_space<vmem>>, vector<1x16xf32>,
        %get3A_590 = arith.index_cast %add3A_504 : i32 to index
        %get3A_591 = arith.constant 80 : index
        %get3A_592 = tpu.vector_load %arg22[%get3A_590, %get3A_591] {strides = array<i32>} : memref<40x128xf32, #tpu.memory_space<vmem>>, vector<1x16xf32>,
        %get3A_593 = vector.shape_cast %get3A_592 : vector<1x16xf32> to vector<16xf32>
        %get3A_594 = arith.index_cast %add3A_504 : i32 to index
        %get3A_595 = arith.constant 80 : index
        %get3A_596 = tpu.vector_load %arg18[%get3A_594, %get3A_595] {strides = array<i32>} : memref<40x128xf32, #tpu.memory_space<vmem>>, vector<1x16xf32>,
        %get3A_597 = vector.shape_cast %get3A_596 : vector<1x16xf32> to vector<16xf32>
        %add3A_598 = arith.addf %get3A_593, %get3A_597 : vector<16xf32>
        %max3A_599 = arith.constant 0.000000e+00 : f32
        %max3A_600 = vector.broadcast %max3A_599 : f32 to vector<16xf32>
        %max3A_601 = arith.maximumf %add3A_598, %max3A_600 : vector<16xf32>
        %swap3A_602 = arith.index_cast %add3A_504 : i32 to index
        %swap3A_603 = arith.constant 80 : index
        %swap3A_604 = tpu.vector_load %arg22[%swap3A_602, %swap3A_603] {strides = array<i32>} : memref<40x128xf32, #tpu.memory_space<vmem>>, vector<1x16xf32>,
        %swap3A_605 = vector.shape_cast %swap3A_604 : vector<1x16xf32> to vector<16xf32>
        %swap3A_606 = vector.shape_cast %max3A_601 : vector<16xf32> to vector<1x16xf32>
        tpu.vector_store %arg22[%swap3A_602, %swap3A_603], %swap3A_606 {strides = array<i32>} : memref<40x128xf32, #tpu.memory_space<vmem>>, vector<1x16xf32>,
        %get3A_607 = arith.index_cast %add3A_504 : i32 to index
        %get3A_608 = arith.constant 96 : index
        %get3A_609 = tpu.vector_load %arg22[%get3A_607, %get3A_608] {strides = array<i32>} : memref<40x128xf32, #tpu.memory_space<vmem>>, vector<1x16xf32>,
        %get3A_610 = vector.shape_cast %get3A_609 : vector<1x16xf32> to vector<16xf32>
        %get3A_611 = arith.index_cast %add3A_504 : i32 to index
        %get3A_612 = arith.constant 96 : index
        %get3A_613 = tpu.vector_load %arg18[%get3A_611, %get3A_612] {strides = array<i32>} : memref<40x128xf32, #tpu.memory_space<vmem>>, vector<1x16xf32>,
        %get3A_614 = vector.shape_cast %get3A_613 : vector<1x16xf32> to vector<16xf32>
        %add3A_615 = arith.addf %get3A_610, %get3A_614 : vector<16xf32>
        %max3A_616 = arith.constant 0.000000e+00 : f32
        %max3A_617 = vector.broadcast %max3A_616 : f32 to vector<16xf32>
        %max3A_618 = arith.maximumf %add3A_615, %max3A_617 : vector<16xf32>
        %swap3A_619 = arith.index_cast %add3A_504 : i32 to index
        %swap3A_620 = arith.constant 96 : index
        %swap3A_621 = tpu.vector_load %arg22[%swap3A_619, %swap3A_620] {strides = array<i32>} : memref<40x128xf32, #tpu.memory_space<vmem>>, vector<1x16xf32>,
        %swap3A_622 = vector.shape_cast %swap3A_621 : vector<1x16xf32> to vector<16xf32>
        %swap3A_623 = vector.shape_cast %max3A_618 : vector<16xf32> to vector<1x16xf32>
        tpu.vector_store %arg22[%swap3A_619, %swap3A_620], %swap3A_623 {strides = array<i32>} : memref<40x128xf32, #tpu.memory_space<vmem>>, vector<1x16xf32>,
        %get3A_624 = arith.index_cast %add3A_504 : i32 to index
        %get3A_625 = arith.constant 112 : index
        %get3A_626 = tpu.vector_load %arg22[%get3A_624, %get3A_625] {strides = array<i32>} : memref<40x128xf32, #tpu.memory_space<vmem>>, vector<1x16xf32>,
        %get3A_627 = vector.shape_cast %get3A_626 : vector<1x16xf32> to vector<16xf32>
        %get3A_628 = arith.index_cast %add3A_504 : i32 to index
        %get3A_629 = arith.constant 112 : index
        %get3A_630 = tpu.vector_load %arg18[%get3A_628, %get3A_629] {strides = array<i32>} : memref<40x128xf32, #tpu.memory_space<vmem>>, vector<1x16xf32>,
        %get3A_631 = vector.shape_cast %get3A_630 : vector<1x16xf32> to vector<16xf32>
        %add3A_632 = arith.addf %get3A_627, %get3A_631 : vector<16xf32>
        %max3A_633 = arith.constant 0.000000e+00 : f32
        %max3A_634 = vector.broadcast %max3A_633 : f32 to vector<16xf32>
        %max3A_635 = arith.maximumf %add3A_632, %max3A_634 : vector<16xf32>
        %swap3A_636 = arith.index_cast %add3A_504 : i32 to index
        %swap3A_637 = arith.constant 112 : index
        %swap3A_638 = tpu.vector_load %arg22[%swap3A_636, %swap3A_637] {strides = array<i32>} : memref<40x128xf32, #tpu.memory_space<vmem>>, vector<1x16xf32>,
        %swap3A_639 = vector.shape_cast %swap3A_638 : vector<1x16xf32> to vector<16xf32>
        %swap3A_640 = vector.shape_cast %max3A_635 : vector<16xf32> to vector<1x16xf32>
        tpu.vector_store %arg22[%swap3A_636, %swap3A_637], %swap3A_640 {strides = array<i32>} : memref<40x128xf32, #tpu.memory_space<vmem>>, vector<1x16xf32>,
      }
      %scan3A_304 = arith.constant 20 : i32
      %dma_start3A_305 = arith.constant 0 : i32
      %dma_start3A_306 = arith.constant 0 : i32
      %dma_start3A_307 = tpu.memref_slice %arg24[%dma_start3A_305, %dma_start3A_306] : memref<10000x128xf32, #tpu.memory_space<vmem_shared>> -> memref<10000x128xf32, #tpu.memory_space<vmem_shared>>
      tpu.enqueue_indirect_dma source(%arg22 : memref<40x128xf32, #tpu.memory_space<vmem>>) target(%dma_start3A_307 : memref<10000x128xf32, #tpu.memory_space<vmem_shared>>) offsets(%arg14 : memref<40xi32, #tpu.memory_space<vmem>>) semaphore(%arg29 : memref<!tpu.dma_semaphore, #tpu.memory_space<semaphore_mem>>) {add = true}
      %mul3A_308 = arith.constant 4 : i32
      %mul3A_309 = arith.muli %add3A_127, %mul3A_308 : i32
      %add3A_310 = arith.constant 3 : i32
      %add3A_311 = arith.addi %mul3A_309, %add3A_310 : i32
      %dma_wait3A_312 = arith.constant 0 : i32
      %dma_wait3A_313 = arith.constant 0 : i32
      %dma_wait3A_314 = tpu.memref_slice %arg24[%dma_wait3A_312, %dma_wait3A_313] : memref<10000x128xf32, #tpu.memory_space<vmem_shared>> -> memref<10000x128xf32, #tpu.memory_space<vmem_shared>>
      tpu.wait_indirect_dma semaphore(%arg30 : memref<!tpu.dma_semaphore, #tpu.memory_space<semaphore_mem>>) src(%arg21 : memref<40x128xf32, #tpu.memory_space<vmem>>) dst(%dma_wait3A_314 : memref<10000x128xf32, #tpu.memory_space<vmem_shared>>)
      %dma_wait3A_315 = arith.constant 0 : i32
      %dma_wait3A_316 = arith.constant 0 : i32
      %dma_wait3A_317 = tpu.memref_slice %arg2[%dma_wait3A_315, %dma_wait3A_316] : memref<10000x128xf32, #tpu.memory_space<hbm>> -> memref<10000x128xf32, #tpu.memory_space<hbm>>
      tpu.wait_indirect_dma semaphore(%arg28 : memref<!tpu.dma_semaphore, #tpu.memory_space<semaphore_mem>>) src(%dma_wait3A_317 : memref<10000x128xf32, #tpu.memory_space<hbm>>) dst(%arg23 : memref<40x128xf32, #tpu.memory_space<vmem>>)
      %mul3A_318 = arith.constant 40 : i32
      %mul3A_319 = arith.muli %add3A_311, %mul3A_318 : i32
      %add3A_320 = arith.addi %mul3A_6, %mul3A_319 : i32
      %multiple_of3A_321 = tpu.assume_multiple %add3A_320, 40 : i32
      %dma_wait3A_322 = tpu.memref_slice %arg4[%multiple_of3A_321] : memref<320000xi32, #tpu.memory_space<hbm>> -> memref<40xi32, #tpu.memory_space<hbm>>
      %dma_wait3A_323 = tpu.memref_slice %arg4[%multiple_of3A_321] : memref<320000xi32, #tpu.memory_space<hbm>> -> memref<40xi32, #tpu.memory_space<hbm>>
      tpu.wait_dma2 semaphore(%arg32 : memref<!tpu.dma_semaphore, #tpu.memory_space<semaphore_mem>>) src(%dma_wait3A_323 : memref<40xi32, #tpu.memory_space<hbm>>) dst(%arg15 : memref<40xi32, #tpu.memory_space<vmem>>)
      %add3A_324 = arith.constant 2 : i32
      %add3A_325 = arith.addi %add3A_311, %add3A_324 : i32
      %mul3A_326 = arith.constant 40 : i32
      %mul3A_327 = arith.muli %add3A_325, %mul3A_326 : i32
      %add3A_328 = arith.addi %mul3A_6, %mul3A_327 : i32
      %multiple_of3A_329 = tpu.assume_multiple %add3A_328, 40 : i32
      %dma_start3A_330 = tpu.memref_slice %arg4[%multiple_of3A_329] : memref<320000xi32, #tpu.memory_space<hbm>> -> memref<40xi32, #tpu.memory_space<hbm>>
      %dma_start3A_331 = tpu.memref_slice %arg4[%multiple_of3A_329] : memref<320000xi32, #tpu.memory_space<hbm>> -> memref<40xi32, #tpu.memory_space<hbm>>
      tpu.enqueue_dma source(%dma_start3A_331 : memref<40xi32, #tpu.memory_space<hbm>>) target(%arg13 : memref<40xi32, #tpu.memory_space<vmem>>) target_semaphore(%arg32 : memref<!tpu.dma_semaphore, #tpu.memory_space<semaphore_mem>>)
      %lt3A = arith.constant 61 : i32
      %lt3A_332 = arith.cmpi slt, %add3A_127, %lt3A : i32
      %convert_element_type3A_333 = arith.extui %lt3A_332 : i1 to i32
      %cond3A_334 = arith.constant 0 : i32
      %cond3A_335 = arith.cmpi ne, %convert_element_type3A_333, %cond3A_334 : i32
      scf.if %cond3A_335 {
        %add3A_359 = arith.constant 3 : i32
        %add3A_360 = arith.addi %add3A_311, %add3A_359 : i32
        %mul3A_361 = arith.constant 40 : i32
        %mul3A_362 = arith.muli %add3A_360, %mul3A_361 : i32
        %add3A_363 = arith.addi %mul3A_6, %mul3A_362 : i32
        %multiple_of3A_364 = tpu.assume_multiple %add3A_363, 40 : i32
        %dma_start3A_365 = tpu.memref_slice %arg3[%multiple_of3A_364] : memref<320000xi32, #tpu.memory_space<hbm>> -> memref<40xi32, #tpu.memory_space<hbm>>
        %dma_start3A_366 = tpu.memref_slice %arg3[%multiple_of3A_364] : memref<320000xi32, #tpu.memory_space<hbm>> -> memref<40xi32, #tpu.memory_space<hbm>>
        tpu.enqueue_dma source(%dma_start3A_366 : memref<40xi32, #tpu.memory_space<hbm>>) target(%arg10 : memref<40xi32, #tpu.memory_space<vmem>>) target_semaphore(%arg25 : memref<!tpu.dma_semaphore, #tpu.memory_space<semaphore_mem>>)
        %dma_start3A_367 = arith.constant 0 : i32
        %dma_start3A_368 = tpu.memref_slice %arg5[%multiple_of3A_364, %dma_start3A_367] : memref<320000x128xf32, #tpu.memory_space<hbm>> -> memref<40x128xf32, #tpu.memory_space<hbm>>
        %dma_start3A_369 = arith.constant 0 : i32
        %dma_start3A_370 = tpu.memref_slice %arg5[%multiple_of3A_364, %dma_start3A_369] : memref<320000x128xf32, #tpu.memory_space<hbm>> -> memref<40x128xf32, #tpu.memory_space<hbm>>
        tpu.enqueue_dma source(%dma_start3A_370 : memref<40x128xf32, #tpu.memory_space<hbm>>) target(%arg18 : memref<40x128xf32, #tpu.memory_space<vmem>>) target_semaphore(%arg25 : memref<!tpu.dma_semaphore, #tpu.memory_space<semaphore_mem>>)
      } else {
      }
      %add3A_336 = arith.constant 2 : i32
      %add3A_337 = arith.addi %add3A_311, %add3A_336 : i32
      %mul3A_338 = arith.constant 40 : i32
      %mul3A_339 = arith.muli %add3A_337, %mul3A_338 : i32
      %add3A_340 = arith.addi %mul3A_6, %mul3A_339 : i32
      %multiple_of3A_341 = tpu.assume_multiple %add3A_340, 40 : i32
      %dma_wait3A_342 = tpu.memref_slice %arg3[%multiple_of3A_341] : memref<320000xi32, #tpu.memory_space<hbm>> -> memref<40xi32, #tpu.memory_space<hbm>>
      %dma_wait3A_343 = tpu.memref_slice %arg3[%multiple_of3A_341] : memref<320000xi32, #tpu.memory_space<hbm>> -> memref<40xi32, #tpu.memory_space<hbm>>
      tpu.wait_dma2 semaphore(%arg26 : memref<!tpu.dma_semaphore, #tpu.memory_space<semaphore_mem>>) src(%dma_wait3A_343 : memref<40xi32, #tpu.memory_space<hbm>>) dst(%arg9 : memref<40xi32, #tpu.memory_space<vmem>>)
      %dma_wait3A_344 = arith.constant 0 : i32
      %dma_wait3A_345 = tpu.memref_slice %arg5[%multiple_of3A_341, %dma_wait3A_344] : memref<320000x128xf32, #tpu.memory_space<hbm>> -> memref<40x128xf32, #tpu.memory_space<hbm>>
      %dma_wait3A_346 = arith.constant 0 : i32
      %dma_wait3A_347 = tpu.memref_slice %arg5[%multiple_of3A_341, %dma_wait3A_346] : memref<320000x128xf32, #tpu.memory_space<hbm>> -> memref<40x128xf32, #tpu.memory_space<hbm>>
      tpu.wait_dma2 semaphore(%arg26 : memref<!tpu.dma_semaphore, #tpu.memory_space<semaphore_mem>>) src(%dma_wait3A_347 : memref<40x128xf32, #tpu.memory_space<hbm>>) dst(%arg17 : memref<40x128xf32, #tpu.memory_space<vmem>>)
      %dma_start3A_348 = arith.constant 0 : i32
      %dma_start3A_349 = arith.constant 0 : i32
      %dma_start3A_350 = tpu.memref_slice %arg2[%dma_start3A_348, %dma_start3A_349] : memref<10000x128xf32, #tpu.memory_space<hbm>> -> memref<10000x128xf32, #tpu.memory_space<hbm>>
      tpu.enqueue_indirect_dma source(%dma_start3A_350 : memref<10000x128xf32, #tpu.memory_space<hbm>>) target(%arg21 : memref<40x128xf32, #tpu.memory_space<vmem>>) offsets(%arg9 : memref<40xi32, #tpu.memory_space<vmem>>) semaphore(%arg28 : memref<!tpu.dma_semaphore, #tpu.memory_space<semaphore_mem>>)
      %scan3A_351 = arith.constant 0 : i32
      %scan3A_352 = arith.constant 20 : i32
      %scan3A_353 = arith.addi %scan3A_351, %scan3A_352 : i32
      %scan3A_354 = arith.constant 1 : i32
      scf.for %scan3A_359 = %scan3A_351 to %scan3A_353 step %scan3A_354  : i32 {
        %mul3A_360 = arith.constant 1 : i32
        %mul3A_361 = arith.muli %scan3A_359, %mul3A_360 : i32
        %add3A_362 = arith.constant 0 : i32
        %add3A_363 = arith.addi %add3A_362, %mul3A_361 : i32
        %mul3A_364 = arith.constant 2 : i32
        %mul3A_365 = arith.muli %mul3A_364, %add3A_363 : i32
        %add3A_366 = arith.constant 0 : i32
        %add3A_367 = arith.addi %mul3A_365, %add3A_366 : i32
        %get3A = arith.index_cast %add3A_367 : i32 to index
        %get3A_368 = arith.constant 0 : index
        %get3A_369 = tpu.vector_load %arg23[%get3A, %get3A_368] {strides = array<i32>} : memref<40x128xf32, #tpu.memory_space<vmem>>, vector<1x16xf32>,
        %get3A_370 = vector.shape_cast %get3A_369 : vector<1x16xf32> to vector<16xf32>
        %get3A_371 = arith.index_cast %add3A_367 : i32 to index
        %get3A_372 = arith.constant 0 : index
        %get3A_373 = tpu.vector_load %arg19[%get3A_371, %get3A_372] {strides = array<i32>} : memref<40x128xf32, #tpu.memory_space<vmem>>, vector<1x16xf32>,
        %get3A_374 = vector.shape_cast %get3A_373 : vector<1x16xf32> to vector<16xf32>
        %add3A_375 = arith.addf %get3A_370, %get3A_374 : vector<16xf32>
        %max3A = arith.constant 0.000000e+00 : f32
        %max3A_376 = vector.broadcast %max3A : f32 to vector<16xf32>
        %max3A_377 = arith.maximumf %add3A_375, %max3A_376 : vector<16xf32>
        %swap3A = arith.index_cast %add3A_367 : i32 to index
        %swap3A_378 = arith.constant 0 : index
        %swap3A_379 = tpu.vector_load %arg23[%swap3A, %swap3A_378] {strides = array<i32>} : memref<40x128xf32, #tpu.memory_space<vmem>>, vector<1x16xf32>,
        %swap3A_380 = vector.shape_cast %swap3A_379 : vector<1x16xf32> to vector<16xf32>
        %swap3A_381 = vector.shape_cast %max3A_377 : vector<16xf32> to vector<1x16xf32>
        tpu.vector_store %arg23[%swap3A, %swap3A_378], %swap3A_381 {strides = array<i32>} : memref<40x128xf32, #tpu.memory_space<vmem>>, vector<1x16xf32>,
        %get3A_382 = arith.index_cast %add3A_367 : i32 to index
        %get3A_383 = arith.constant 16 : index
        %get3A_384 = tpu.vector_load %arg23[%get3A_382, %get3A_383] {strides = array<i32>} : memref<40x128xf32, #tpu.memory_space<vmem>>, vector<1x16xf32>,
        %get3A_385 = vector.shape_cast %get3A_384 : vector<1x16xf32> to vector<16xf32>
        %get3A_386 = arith.index_cast %add3A_367 : i32 to index
        %get3A_387 = arith.constant 16 : index
        %get3A_388 = tpu.vector_load %arg19[%get3A_386, %get3A_387] {strides = array<i32>} : memref<40x128xf32, #tpu.memory_space<vmem>>, vector<1x16xf32>,
        %get3A_389 = vector.shape_cast %get3A_388 : vector<1x16xf32> to vector<16xf32>
        %add3A_390 = arith.addf %get3A_385, %get3A_389 : vector<16xf32>
        %max3A_391 = arith.constant 0.000000e+00 : f32
        %max3A_392 = vector.broadcast %max3A_391 : f32 to vector<16xf32>
        %max3A_393 = arith.maximumf %add3A_390, %max3A_392 : vector<16xf32>
        %swap3A_394 = arith.index_cast %add3A_367 : i32 to index
        %swap3A_395 = arith.constant 16 : index
        %swap3A_396 = tpu.vector_load %arg23[%swap3A_394, %swap3A_395] {strides = array<i32>} : memref<40x128xf32, #tpu.memory_space<vmem>>, vector<1x16xf32>,
        %swap3A_397 = vector.shape_cast %swap3A_396 : vector<1x16xf32> to vector<16xf32>
        %swap3A_398 = vector.shape_cast %max3A_393 : vector<16xf32> to vector<1x16xf32>
        tpu.vector_store %arg23[%swap3A_394, %swap3A_395], %swap3A_398 {strides = array<i32>} : memref<40x128xf32, #tpu.memory_space<vmem>>, vector<1x16xf32>,
        %get3A_399 = arith.index_cast %add3A_367 : i32 to index
        %get3A_400 = arith.constant 32 : index
        %get3A_401 = tpu.vector_load %arg23[%get3A_399, %get3A_400] {strides = array<i32>} : memref<40x128xf32, #tpu.memory_space<vmem>>, vector<1x16xf32>,
        %get3A_402 = vector.shape_cast %get3A_401 : vector<1x16xf32> to vector<16xf32>
        %get3A_403 = arith.index_cast %add3A_367 : i32 to index
        %get3A_404 = arith.constant 32 : index
        %get3A_405 = tpu.vector_load %arg19[%get3A_403, %get3A_404] {strides = array<i32>} : memref<40x128xf32, #tpu.memory_space<vmem>>, vector<1x16xf32>,
        %get3A_406 = vector.shape_cast %get3A_405 : vector<1x16xf32> to vector<16xf32>
        %add3A_407 = arith.addf %get3A_402, %get3A_406 : vector<16xf32>
        %max3A_408 = arith.constant 0.000000e+00 : f32
        %max3A_409 = vector.broadcast %max3A_408 : f32 to vector<16xf32>
        %max3A_410 = arith.maximumf %add3A_407, %max3A_409 : vector<16xf32>
        %swap3A_411 = arith.index_cast %add3A_367 : i32 to index
        %swap3A_412 = arith.constant 32 : index
        %swap3A_413 = tpu.vector_load %arg23[%swap3A_411, %swap3A_412] {strides = array<i32>} : memref<40x128xf32, #tpu.memory_space<vmem>>, vector<1x16xf32>,
        %swap3A_414 = vector.shape_cast %swap3A_413 : vector<1x16xf32> to vector<16xf32>
        %swap3A_415 = vector.shape_cast %max3A_410 : vector<16xf32> to vector<1x16xf32>
        tpu.vector_store %arg23[%swap3A_411, %swap3A_412], %swap3A_415 {strides = array<i32>} : memref<40x128xf32, #tpu.memory_space<vmem>>, vector<1x16xf32>,
        %get3A_416 = arith.index_cast %add3A_367 : i32 to index
        %get3A_417 = arith.constant 48 : index
        %get3A_418 = tpu.vector_load %arg23[%get3A_416, %get3A_417] {strides = array<i32>} : memref<40x128xf32, #tpu.memory_space<vmem>>, vector<1x16xf32>,
        %get3A_419 = vector.shape_cast %get3A_418 : vector<1x16xf32> to vector<16xf32>
        %get3A_420 = arith.index_cast %add3A_367 : i32 to index
        %get3A_421 = arith.constant 48 : index
        %get3A_422 = tpu.vector_load %arg19[%get3A_420, %get3A_421] {strides = array<i32>} : memref<40x128xf32, #tpu.memory_space<vmem>>, vector<1x16xf32>,
        %get3A_423 = vector.shape_cast %get3A_422 : vector<1x16xf32> to vector<16xf32>
        %add3A_424 = arith.addf %get3A_419, %get3A_423 : vector<16xf32>
        %max3A_425 = arith.constant 0.000000e+00 : f32
        %max3A_426 = vector.broadcast %max3A_425 : f32 to vector<16xf32>
        %max3A_427 = arith.maximumf %add3A_424, %max3A_426 : vector<16xf32>
        %swap3A_428 = arith.index_cast %add3A_367 : i32 to index
        %swap3A_429 = arith.constant 48 : index
        %swap3A_430 = tpu.vector_load %arg23[%swap3A_428, %swap3A_429] {strides = array<i32>} : memref<40x128xf32, #tpu.memory_space<vmem>>, vector<1x16xf32>,
        %swap3A_431 = vector.shape_cast %swap3A_430 : vector<1x16xf32> to vector<16xf32>
        %swap3A_432 = vector.shape_cast %max3A_427 : vector<16xf32> to vector<1x16xf32>
        tpu.vector_store %arg23[%swap3A_428, %swap3A_429], %swap3A_432 {strides = array<i32>} : memref<40x128xf32, #tpu.memory_space<vmem>>, vector<1x16xf32>,
        %get3A_433 = arith.index_cast %add3A_367 : i32 to index
        %get3A_434 = arith.constant 64 : index
        %get3A_435 = tpu.vector_load %arg23[%get3A_433, %get3A_434] {strides = array<i32>} : memref<40x128xf32, #tpu.memory_space<vmem>>, vector<1x16xf32>,
        %get3A_436 = vector.shape_cast %get3A_435 : vector<1x16xf32> to vector<16xf32>
        %get3A_437 = arith.index_cast %add3A_367 : i32 to index
        %get3A_438 = arith.constant 64 : index
        %get3A_439 = tpu.vector_load %arg19[%get3A_437, %get3A_438] {strides = array<i32>} : memref<40x128xf32, #tpu.memory_space<vmem>>, vector<1x16xf32>,
        %get3A_440 = vector.shape_cast %get3A_439 : vector<1x16xf32> to vector<16xf32>
        %add3A_441 = arith.addf %get3A_436, %get3A_440 : vector<16xf32>
        %max3A_442 = arith.constant 0.000000e+00 : f32
        %max3A_443 = vector.broadcast %max3A_442 : f32 to vector<16xf32>
        %max3A_444 = arith.maximumf %add3A_441, %max3A_443 : vector<16xf32>
        %swap3A_445 = arith.index_cast %add3A_367 : i32 to index
        %swap3A_446 = arith.constant 64 : index
        %swap3A_447 = tpu.vector_load %arg23[%swap3A_445, %swap3A_446] {strides = array<i32>} : memref<40x128xf32, #tpu.memory_space<vmem>>, vector<1x16xf32>,
        %swap3A_448 = vector.shape_cast %swap3A_447 : vector<1x16xf32> to vector<16xf32>
        %swap3A_449 = vector.shape_cast %max3A_444 : vector<16xf32> to vector<1x16xf32>
        tpu.vector_store %arg23[%swap3A_445, %swap3A_446], %swap3A_449 {strides = array<i32>} : memref<40x128xf32, #tpu.memory_space<vmem>>, vector<1x16xf32>,
        %get3A_450 = arith.index_cast %add3A_367 : i32 to index
        %get3A_451 = arith.constant 80 : index
        %get3A_452 = tpu.vector_load %arg23[%get3A_450, %get3A_451] {strides = array<i32>} : memref<40x128xf32, #tpu.memory_space<vmem>>, vector<1x16xf32>,
        %get3A_453 = vector.shape_cast %get3A_452 : vector<1x16xf32> to vector<16xf32>
        %get3A_454 = arith.index_cast %add3A_367 : i32 to index
        %get3A_455 = arith.constant 80 : index
        %get3A_456 = tpu.vector_load %arg19[%get3A_454, %get3A_455] {strides = array<i32>} : memref<40x128xf32, #tpu.memory_space<vmem>>, vector<1x16xf32>,
        %get3A_457 = vector.shape_cast %get3A_456 : vector<1x16xf32> to vector<16xf32>
        %add3A_458 = arith.addf %get3A_453, %get3A_457 : vector<16xf32>
        %max3A_459 = arith.constant 0.000000e+00 : f32
        %max3A_460 = vector.broadcast %max3A_459 : f32 to vector<16xf32>
        %max3A_461 = arith.maximumf %add3A_458, %max3A_460 : vector<16xf32>
        %swap3A_462 = arith.index_cast %add3A_367 : i32 to index
        %swap3A_463 = arith.constant 80 : index
        %swap3A_464 = tpu.vector_load %arg23[%swap3A_462, %swap3A_463] {strides = array<i32>} : memref<40x128xf32, #tpu.memory_space<vmem>>, vector<1x16xf32>,
        %swap3A_465 = vector.shape_cast %swap3A_464 : vector<1x16xf32> to vector<16xf32>
        %swap3A_466 = vector.shape_cast %max3A_461 : vector<16xf32> to vector<1x16xf32>
        tpu.vector_store %arg23[%swap3A_462, %swap3A_463], %swap3A_466 {strides = array<i32>} : memref<40x128xf32, #tpu.memory_space<vmem>>, vector<1x16xf32>,
        %get3A_467 = arith.index_cast %add3A_367 : i32 to index
        %get3A_468 = arith.constant 96 : index
        %get3A_469 = tpu.vector_load %arg23[%get3A_467, %get3A_468] {strides = array<i32>} : memref<40x128xf32, #tpu.memory_space<vmem>>, vector<1x16xf32>,
        %get3A_470 = vector.shape_cast %get3A_469 : vector<1x16xf32> to vector<16xf32>
        %get3A_471 = arith.index_cast %add3A_367 : i32 to index
        %get3A_472 = arith.constant 96 : index
        %get3A_473 = tpu.vector_load %arg19[%get3A_471, %get3A_472] {strides = array<i32>} : memref<40x128xf32, #tpu.memory_space<vmem>>, vector<1x16xf32>,
        %get3A_474 = vector.shape_cast %get3A_473 : vector<1x16xf32> to vector<16xf32>
        %add3A_475 = arith.addf %get3A_470, %get3A_474 : vector<16xf32>
        %max3A_476 = arith.constant 0.000000e+00 : f32
        %max3A_477 = vector.broadcast %max3A_476 : f32 to vector<16xf32>
        %max3A_478 = arith.maximumf %add3A_475, %max3A_477 : vector<16xf32>
        %swap3A_479 = arith.index_cast %add3A_367 : i32 to index
        %swap3A_480 = arith.constant 96 : index
        %swap3A_481 = tpu.vector_load %arg23[%swap3A_479, %swap3A_480] {strides = array<i32>} : memref<40x128xf32, #tpu.memory_space<vmem>>, vector<1x16xf32>,
        %swap3A_482 = vector.shape_cast %swap3A_481 : vector<1x16xf32> to vector<16xf32>
        %swap3A_483 = vector.shape_cast %max3A_478 : vector<16xf32> to vector<1x16xf32>
        tpu.vector_store %arg23[%swap3A_479, %swap3A_480], %swap3A_483 {strides = array<i32>} : memref<40x128xf32, #tpu.memory_space<vmem>>, vector<1x16xf32>,
        %get3A_484 = arith.index_cast %add3A_367 : i32 to index
        %get3A_485 = arith.constant 112 : index
        %get3A_486 = tpu.vector_load %arg23[%get3A_484, %get3A_485] {strides = array<i32>} : memref<40x128xf32, #tpu.memory_space<vmem>>, vector<1x16xf32>,
        %get3A_487 = vector.shape_cast %get3A_486 : vector<1x16xf32> to vector<16xf32>
        %get3A_488 = arith.index_cast %add3A_367 : i32 to index
        %get3A_489 = arith.constant 112 : index
        %get3A_490 = tpu.vector_load %arg19[%get3A_488, %get3A_489] {strides = array<i32>} : memref<40x128xf32, #tpu.memory_space<vmem>>, vector<1x16xf32>,
        %get3A_491 = vector.shape_cast %get3A_490 : vector<1x16xf32> to vector<16xf32>
        %add3A_492 = arith.addf %get3A_487, %get3A_491 : vector<16xf32>
        %max3A_493 = arith.constant 0.000000e+00 : f32
        %max3A_494 = vector.broadcast %max3A_493 : f32 to vector<16xf32>
        %max3A_495 = arith.maximumf %add3A_492, %max3A_494 : vector<16xf32>
        %swap3A_496 = arith.index_cast %add3A_367 : i32 to index
        %swap3A_497 = arith.constant 112 : index
        %swap3A_498 = tpu.vector_load %arg23[%swap3A_496, %swap3A_497] {strides = array<i32>} : memref<40x128xf32, #tpu.memory_space<vmem>>, vector<1x16xf32>,
        %swap3A_499 = vector.shape_cast %swap3A_498 : vector<1x16xf32> to vector<16xf32>
        %swap3A_500 = vector.shape_cast %max3A_495 : vector<16xf32> to vector<1x16xf32>
        tpu.vector_store %arg23[%swap3A_496, %swap3A_497], %swap3A_500 {strides = array<i32>} : memref<40x128xf32, #tpu.memory_space<vmem>>, vector<1x16xf32>,
        %mul3A_501 = arith.constant 2 : i32
        %mul3A_502 = arith.muli %mul3A_501, %add3A_363 : i32
        %add3A_503 = arith.constant 1 : i32
        %add3A_504 = arith.addi %mul3A_502, %add3A_503 : i32
        %get3A_505 = arith.index_cast %add3A_504 : i32 to index
        %get3A_506 = arith.constant 0 : index
        %get3A_507 = tpu.vector_load %arg23[%get3A_505, %get3A_506] {strides = array<i32>} : memref<40x128xf32, #tpu.memory_space<vmem>>, vector<1x16xf32>,
        %get3A_508 = vector.shape_cast %get3A_507 : vector<1x16xf32> to vector<16xf32>
        %get3A_509 = arith.index_cast %add3A_504 : i32 to index
        %get3A_510 = arith.constant 0 : index
        %get3A_511 = tpu.vector_load %arg19[%get3A_509, %get3A_510] {strides = array<i32>} : memref<40x128xf32, #tpu.memory_space<vmem>>, vector<1x16xf32>,
        %get3A_512 = vector.shape_cast %get3A_511 : vector<1x16xf32> to vector<16xf32>
        %add3A_513 = arith.addf %get3A_508, %get3A_512 : vector<16xf32>
        %max3A_514 = arith.constant 0.000000e+00 : f32
        %max3A_515 = vector.broadcast %max3A_514 : f32 to vector<16xf32>
        %max3A_516 = arith.maximumf %add3A_513, %max3A_515 : vector<16xf32>
        %swap3A_517 = arith.index_cast %add3A_504 : i32 to index
        %swap3A_518 = arith.constant 0 : index
        %swap3A_519 = tpu.vector_load %arg23[%swap3A_517, %swap3A_518] {strides = array<i32>} : memref<40x128xf32, #tpu.memory_space<vmem>>, vector<1x16xf32>,
        %swap3A_520 = vector.shape_cast %swap3A_519 : vector<1x16xf32> to vector<16xf32>
        %swap3A_521 = vector.shape_cast %max3A_516 : vector<16xf32> to vector<1x16xf32>
        tpu.vector_store %arg23[%swap3A_517, %swap3A_518], %swap3A_521 {strides = array<i32>} : memref<40x128xf32, #tpu.memory_space<vmem>>, vector<1x16xf32>,
        %get3A_522 = arith.index_cast %add3A_504 : i32 to index
        %get3A_523 = arith.constant 16 : index
        %get3A_524 = tpu.vector_load %arg23[%get3A_522, %get3A_523] {strides = array<i32>} : memref<40x128xf32, #tpu.memory_space<vmem>>, vector<1x16xf32>,
        %get3A_525 = vector.shape_cast %get3A_524 : vector<1x16xf32> to vector<16xf32>
        %get3A_526 = arith.index_cast %add3A_504 : i32 to index
        %get3A_527 = arith.constant 16 : index
        %get3A_528 = tpu.vector_load %arg19[%get3A_526, %get3A_527] {strides = array<i32>} : memref<40x128xf32, #tpu.memory_space<vmem>>, vector<1x16xf32>,
        %get3A_529 = vector.shape_cast %get3A_528 : vector<1x16xf32> to vector<16xf32>
        %add3A_530 = arith.addf %get3A_525, %get3A_529 : vector<16xf32>
        %max3A_531 = arith.constant 0.000000e+00 : f32
        %max3A_532 = vector.broadcast %max3A_531 : f32 to vector<16xf32>
        %max3A_533 = arith.maximumf %add3A_530, %max3A_532 : vector<16xf32>
        %swap3A_534 = arith.index_cast %add3A_504 : i32 to index
        %swap3A_535 = arith.constant 16 : index
        %swap3A_536 = tpu.vector_load %arg23[%swap3A_534, %swap3A_535] {strides = array<i32>} : memref<40x128xf32, #tpu.memory_space<vmem>>, vector<1x16xf32>,
        %swap3A_537 = vector.shape_cast %swap3A_536 : vector<1x16xf32> to vector<16xf32>
        %swap3A_538 = vector.shape_cast %max3A_533 : vector<16xf32> to vector<1x16xf32>
        tpu.vector_store %arg23[%swap3A_534, %swap3A_535], %swap3A_538 {strides = array<i32>} : memref<40x128xf32, #tpu.memory_space<vmem>>, vector<1x16xf32>,
        %get3A_539 = arith.index_cast %add3A_504 : i32 to index
        %get3A_540 = arith.constant 32 : index
        %get3A_541 = tpu.vector_load %arg23[%get3A_539, %get3A_540] {strides = array<i32>} : memref<40x128xf32, #tpu.memory_space<vmem>>, vector<1x16xf32>,
        %get3A_542 = vector.shape_cast %get3A_541 : vector<1x16xf32> to vector<16xf32>
        %get3A_543 = arith.index_cast %add3A_504 : i32 to index
        %get3A_544 = arith.constant 32 : index
        %get3A_545 = tpu.vector_load %arg19[%get3A_543, %get3A_544] {strides = array<i32>} : memref<40x128xf32, #tpu.memory_space<vmem>>, vector<1x16xf32>,
        %get3A_546 = vector.shape_cast %get3A_545 : vector<1x16xf32> to vector<16xf32>
        %add3A_547 = arith.addf %get3A_542, %get3A_546 : vector<16xf32>
        %max3A_548 = arith.constant 0.000000e+00 : f32
        %max3A_549 = vector.broadcast %max3A_548 : f32 to vector<16xf32>
        %max3A_550 = arith.maximumf %add3A_547, %max3A_549 : vector<16xf32>
        %swap3A_551 = arith.index_cast %add3A_504 : i32 to index
        %swap3A_552 = arith.constant 32 : index
        %swap3A_553 = tpu.vector_load %arg23[%swap3A_551, %swap3A_552] {strides = array<i32>} : memref<40x128xf32, #tpu.memory_space<vmem>>, vector<1x16xf32>,
        %swap3A_554 = vector.shape_cast %swap3A_553 : vector<1x16xf32> to vector<16xf32>
        %swap3A_555 = vector.shape_cast %max3A_550 : vector<16xf32> to vector<1x16xf32>
        tpu.vector_store %arg23[%swap3A_551, %swap3A_552], %swap3A_555 {strides = array<i32>} : memref<40x128xf32, #tpu.memory_space<vmem>>, vector<1x16xf32>,
        %get3A_556 = arith.index_cast %add3A_504 : i32 to index
        %get3A_557 = arith.constant 48 : index
        %get3A_558 = tpu.vector_load %arg23[%get3A_556, %get3A_557] {strides = array<i32>} : memref<40x128xf32, #tpu.memory_space<vmem>>, vector<1x16xf32>,
        %get3A_559 = vector.shape_cast %get3A_558 : vector<1x16xf32> to vector<16xf32>
        %get3A_560 = arith.index_cast %add3A_504 : i32 to index
        %get3A_561 = arith.constant 48 : index
        %get3A_562 = tpu.vector_load %arg19[%get3A_560, %get3A_561] {strides = array<i32>} : memref<40x128xf32, #tpu.memory_space<vmem>>, vector<1x16xf32>,
        %get3A_563 = vector.shape_cast %get3A_562 : vector<1x16xf32> to vector<16xf32>
        %add3A_564 = arith.addf %get3A_559, %get3A_563 : vector<16xf32>
        %max3A_565 = arith.constant 0.000000e+00 : f32
        %max3A_566 = vector.broadcast %max3A_565 : f32 to vector<16xf32>
        %max3A_567 = arith.maximumf %add3A_564, %max3A_566 : vector<16xf32>
        %swap3A_568 = arith.index_cast %add3A_504 : i32 to index
        %swap3A_569 = arith.constant 48 : index
        %swap3A_570 = tpu.vector_load %arg23[%swap3A_568, %swap3A_569] {strides = array<i32>} : memref<40x128xf32, #tpu.memory_space<vmem>>, vector<1x16xf32>,
        %swap3A_571 = vector.shape_cast %swap3A_570 : vector<1x16xf32> to vector<16xf32>
        %swap3A_572 = vector.shape_cast %max3A_567 : vector<16xf32> to vector<1x16xf32>
        tpu.vector_store %arg23[%swap3A_568, %swap3A_569], %swap3A_572 {strides = array<i32>} : memref<40x128xf32, #tpu.memory_space<vmem>>, vector<1x16xf32>,
        %get3A_573 = arith.index_cast %add3A_504 : i32 to index
        %get3A_574 = arith.constant 64 : index
        %get3A_575 = tpu.vector_load %arg23[%get3A_573, %get3A_574] {strides = array<i32>} : memref<40x128xf32, #tpu.memory_space<vmem>>, vector<1x16xf32>,
        %get3A_576 = vector.shape_cast %get3A_575 : vector<1x16xf32> to vector<16xf32>
        %get3A_577 = arith.index_cast %add3A_504 : i32 to index
        %get3A_578 = arith.constant 64 : index
        %get3A_579 = tpu.vector_load %arg19[%get3A_577, %get3A_578] {strides = array<i32>} : memref<40x128xf32, #tpu.memory_space<vmem>>, vector<1x16xf32>,
        %get3A_580 = vector.shape_cast %get3A_579 : vector<1x16xf32> to vector<16xf32>
        %add3A_581 = arith.addf %get3A_576, %get3A_580 : vector<16xf32>
        %max3A_582 = arith.constant 0.000000e+00 : f32
        %max3A_583 = vector.broadcast %max3A_582 : f32 to vector<16xf32>
        %max3A_584 = arith.maximumf %add3A_581, %max3A_583 : vector<16xf32>
        %swap3A_585 = arith.index_cast %add3A_504 : i32 to index
        %swap3A_586 = arith.constant 64 : index
        %swap3A_587 = tpu.vector_load %arg23[%swap3A_585, %swap3A_586] {strides = array<i32>} : memref<40x128xf32, #tpu.memory_space<vmem>>, vector<1x16xf32>,
        %swap3A_588 = vector.shape_cast %swap3A_587 : vector<1x16xf32> to vector<16xf32>
        %swap3A_589 = vector.shape_cast %max3A_584 : vector<16xf32> to vector<1x16xf32>
        tpu.vector_store %arg23[%swap3A_585, %swap3A_586], %swap3A_589 {strides = array<i32>} : memref<40x128xf32, #tpu.memory_space<vmem>>, vector<1x16xf32>,
        %get3A_590 = arith.index_cast %add3A_504 : i32 to index
        %get3A_591 = arith.constant 80 : index
        %get3A_592 = tpu.vector_load %arg23[%get3A_590, %get3A_591] {strides = array<i32>} : memref<40x128xf32, #tpu.memory_space<vmem>>, vector<1x16xf32>,
        %get3A_593 = vector.shape_cast %get3A_592 : vector<1x16xf32> to vector<16xf32>
        %get3A_594 = arith.index_cast %add3A_504 : i32 to index
        %get3A_595 = arith.constant 80 : index
        %get3A_596 = tpu.vector_load %arg19[%get3A_594, %get3A_595] {strides = array<i32>} : memref<40x128xf32, #tpu.memory_space<vmem>>, vector<1x16xf32>,
        %get3A_597 = vector.shape_cast %get3A_596 : vector<1x16xf32> to vector<16xf32>
        %add3A_598 = arith.addf %get3A_593, %get3A_597 : vector<16xf32>
        %max3A_599 = arith.constant 0.000000e+00 : f32
        %max3A_600 = vector.broadcast %max3A_599 : f32 to vector<16xf32>
        %max3A_601 = arith.maximumf %add3A_598, %max3A_600 : vector<16xf32>
        %swap3A_602 = arith.index_cast %add3A_504 : i32 to index
        %swap3A_603 = arith.constant 80 : index
        %swap3A_604 = tpu.vector_load %arg23[%swap3A_602, %swap3A_603] {strides = array<i32>} : memref<40x128xf32, #tpu.memory_space<vmem>>, vector<1x16xf32>,
        %swap3A_605 = vector.shape_cast %swap3A_604 : vector<1x16xf32> to vector<16xf32>
        %swap3A_606 = vector.shape_cast %max3A_601 : vector<16xf32> to vector<1x16xf32>
        tpu.vector_store %arg23[%swap3A_602, %swap3A_603], %swap3A_606 {strides = array<i32>} : memref<40x128xf32, #tpu.memory_space<vmem>>, vector<1x16xf32>,
        %get3A_607 = arith.index_cast %add3A_504 : i32 to index
        %get3A_608 = arith.constant 96 : index
        %get3A_609 = tpu.vector_load %arg23[%get3A_607, %get3A_608] {strides = array<i32>} : memref<40x128xf32, #tpu.memory_space<vmem>>, vector<1x16xf32>,
        %get3A_610 = vector.shape_cast %get3A_609 : vector<1x16xf32> to vector<16xf32>
        %get3A_611 = arith.index_cast %add3A_504 : i32 to index
        %get3A_612 = arith.constant 96 : index
        %get3A_613 = tpu.vector_load %arg19[%get3A_611, %get3A_612] {strides = array<i32>} : memref<40x128xf32, #tpu.memory_space<vmem>>, vector<1x16xf32>,
        %get3A_614 = vector.shape_cast %get3A_613 : vector<1x16xf32> to vector<16xf32>
        %add3A_615 = arith.addf %get3A_610, %get3A_614 : vector<16xf32>
        %max3A_616 = arith.constant 0.000000e+00 : f32
        %max3A_617 = vector.broadcast %max3A_616 : f32 to vector<16xf32>
        %max3A_618 = arith.maximumf %add3A_615, %max3A_617 : vector<16xf32>
        %swap3A_619 = arith.index_cast %add3A_504 : i32 to index
        %swap3A_620 = arith.constant 96 : index
        %swap3A_621 = tpu.vector_load %arg23[%swap3A_619, %swap3A_620] {strides = array<i32>} : memref<40x128xf32, #tpu.memory_space<vmem>>, vector<1x16xf32>,
        %swap3A_622 = vector.shape_cast %swap3A_621 : vector<1x16xf32> to vector<16xf32>
        %swap3A_623 = vector.shape_cast %max3A_618 : vector<16xf32> to vector<1x16xf32>
        tpu.vector_store %arg23[%swap3A_619, %swap3A_620], %swap3A_623 {strides = array<i32>} : memref<40x128xf32, #tpu.memory_space<vmem>>, vector<1x16xf32>,
        %get3A_624 = arith.index_cast %add3A_504 : i32 to index
        %get3A_625 = arith.constant 112 : index
        %get3A_626 = tpu.vector_load %arg23[%get3A_624, %get3A_625] {strides = array<i32>} : memref<40x128xf32, #tpu.memory_space<vmem>>, vector<1x16xf32>,
        %get3A_627 = vector.shape_cast %get3A_626 : vector<1x16xf32> to vector<16xf32>
        %get3A_628 = arith.index_cast %add3A_504 : i32 to index
        %get3A_629 = arith.constant 112 : index
        %get3A_630 = tpu.vector_load %arg19[%get3A_628, %get3A_629] {strides = array<i32>} : memref<40x128xf32, #tpu.memory_space<vmem>>, vector<1x16xf32>,
        %get3A_631 = vector.shape_cast %get3A_630 : vector<1x16xf32> to vector<16xf32>
        %add3A_632 = arith.addf %get3A_627, %get3A_631 : vector<16xf32>
        %max3A_633 = arith.constant 0.000000e+00 : f32
        %max3A_634 = vector.broadcast %max3A_633 : f32 to vector<16xf32>
        %max3A_635 = arith.maximumf %add3A_632, %max3A_634 : vector<16xf32>
        %swap3A_636 = arith.index_cast %add3A_504 : i32 to index
        %swap3A_637 = arith.constant 112 : index
        %swap3A_638 = tpu.vector_load %arg23[%swap3A_636, %swap3A_637] {strides = array<i32>} : memref<40x128xf32, #tpu.memory_space<vmem>>, vector<1x16xf32>,
        %swap3A_639 = vector.shape_cast %swap3A_638 : vector<1x16xf32> to vector<16xf32>
        %swap3A_640 = vector.shape_cast %max3A_635 : vector<16xf32> to vector<1x16xf32>
        tpu.vector_store %arg23[%swap3A_636, %swap3A_637], %swap3A_640 {strides = array<i32>} : memref<40x128xf32, #tpu.memory_space<vmem>>, vector<1x16xf32>,
      }
      %scan3A_355 = arith.constant 20 : i32
      %dma_start3A_356 = arith.constant 0 : i32
      %dma_start3A_357 = arith.constant 0 : i32
      %dma_start3A_358 = tpu.memref_slice %arg24[%dma_start3A_356, %dma_start3A_357] : memref<10000x128xf32, #tpu.memory_space<vmem_shared>> -> memref<10000x128xf32, #tpu.memory_space<vmem_shared>>
      tpu.enqueue_indirect_dma source(%arg23 : memref<40x128xf32, #tpu.memory_space<vmem>>) target(%dma_start3A_358 : memref<10000x128xf32, #tpu.memory_space<vmem_shared>>) offsets(%arg15 : memref<40xi32, #tpu.memory_space<vmem>>) semaphore(%arg30 : memref<!tpu.dma_semaphore, #tpu.memory_space<semaphore_mem>>) {add = true}
    }
    %scan3A_68 = arith.constant 62 : i32
    %dma_wait3A_69 = arith.constant 0 : i32
    %dma_wait3A_70 = arith.constant 0 : i32
    %dma_wait3A_71 = tpu.memref_slice %arg24[%dma_wait3A_69, %dma_wait3A_70] : memref<10000x128xf32, #tpu.memory_space<vmem_shared>> -> memref<10000x128xf32, #tpu.memory_space<vmem_shared>>
    tpu.wait_indirect_dma semaphore(%arg29 : memref<!tpu.dma_semaphore, #tpu.memory_space<semaphore_mem>>) src(%arg22 : memref<40x128xf32, #tpu.memory_space<vmem>>) dst(%dma_wait3A_71 : memref<10000x128xf32, #tpu.memory_space<vmem_shared>>)
    %dma_wait3A_72 = arith.constant 0 : i32
    %dma_wait3A_73 = arith.constant 0 : i32
    %dma_wait3A_74 = tpu.memref_slice %arg2[%dma_wait3A_72, %dma_wait3A_73] : memref<10000x128xf32, #tpu.memory_space<hbm>> -> memref<10000x128xf32, #tpu.memory_space<hbm>>
    tpu.wait_indirect_dma semaphore(%arg27 : memref<!tpu.dma_semaphore, #tpu.memory_space<semaphore_mem>>) src(%dma_wait3A_74 : memref<10000x128xf32, #tpu.memory_space<hbm>>) dst(%arg20 : memref<40x128xf32, #tpu.memory_space<vmem>>)
    %add3A_75 = arith.constant 9920 : i32
    %add3A_76 = arith.addi %mul3A_6, %add3A_75 : i32
    %multiple_of3A_77 = tpu.assume_multiple %add3A_76, 40 : i32
    %dma_wait3A_78 = tpu.memref_slice %arg4[%multiple_of3A_77] : memref<320000xi32, #tpu.memory_space<hbm>> -> memref<40xi32, #tpu.memory_space<hbm>>
    %dma_wait3A_79 = tpu.memref_slice %arg4[%multiple_of3A_77] : memref<320000xi32, #tpu.memory_space<hbm>> -> memref<40xi32, #tpu.memory_space<hbm>>
    tpu.wait_dma2 semaphore(%arg31 : memref<!tpu.dma_semaphore, #tpu.memory_space<semaphore_mem>>) src(%dma_wait3A_79 : memref<40xi32, #tpu.memory_space<hbm>>) dst(%arg12 : memref<40xi32, #tpu.memory_space<vmem>>)
    %scan3A_80 = arith.constant 0 : i32
    %scan3A_81 = arith.constant 20 : i32
    %scan3A_82 = arith.addi %scan3A_80, %scan3A_81 : i32
    %scan3A_83 = arith.constant 1 : i32
    scf.for %scan3A_123 = %scan3A_80 to %scan3A_82 step %scan3A_83  : i32 {
      %mul3A_124 = arith.constant 1 : i32
      %mul3A_125 = arith.muli %scan3A_123, %mul3A_124 : i32
      %add3A_126 = arith.constant 0 : i32
      %add3A_127 = arith.addi %add3A_126, %mul3A_125 : i32
      %mul3A_128 = arith.constant 2 : i32
      %mul3A_129 = arith.muli %mul3A_128, %add3A_127 : i32
      %add3A_130 = arith.constant 0 : i32
      %add3A_131 = arith.addi %mul3A_129, %add3A_130 : i32
      %get3A = arith.index_cast %add3A_131 : i32 to index
      %get3A_132 = arith.constant 0 : index
      %get3A_133 = tpu.vector_load %arg20[%get3A, %get3A_132] {strides = array<i32>} : memref<40x128xf32, #tpu.memory_space<vmem>>, vector<1x16xf32>,
      %get3A_134 = vector.shape_cast %get3A_133 : vector<1x16xf32> to vector<16xf32>
      %get3A_135 = arith.index_cast %add3A_131 : i32 to index
      %get3A_136 = arith.constant 0 : index
      %get3A_137 = tpu.vector_load %arg16[%get3A_135, %get3A_136] {strides = array<i32>} : memref<40x128xf32, #tpu.memory_space<vmem>>, vector<1x16xf32>,
      %get3A_138 = vector.shape_cast %get3A_137 : vector<1x16xf32> to vector<16xf32>
      %add3A_139 = arith.addf %get3A_134, %get3A_138 : vector<16xf32>
      %max3A = arith.constant 0.000000e+00 : f32
      %max3A_140 = vector.broadcast %max3A : f32 to vector<16xf32>
      %max3A_141 = arith.maximumf %add3A_139, %max3A_140 : vector<16xf32>
      %swap3A = arith.index_cast %add3A_131 : i32 to index
      %swap3A_142 = arith.constant 0 : index
      %swap3A_143 = tpu.vector_load %arg20[%swap3A, %swap3A_142] {strides = array<i32>} : memref<40x128xf32, #tpu.memory_space<vmem>>, vector<1x16xf32>,
      %swap3A_144 = vector.shape_cast %swap3A_143 : vector<1x16xf32> to vector<16xf32>
      %swap3A_145 = vector.shape_cast %max3A_141 : vector<16xf32> to vector<1x16xf32>
      tpu.vector_store %arg20[%swap3A, %swap3A_142], %swap3A_145 {strides = array<i32>} : memref<40x128xf32, #tpu.memory_space<vmem>>, vector<1x16xf32>,
      %get3A_146 = arith.index_cast %add3A_131 : i32 to index
      %get3A_147 = arith.constant 16 : index
      %get3A_148 = tpu.vector_load %arg20[%get3A_146, %get3A_147] {strides = array<i32>} : memref<40x128xf32, #tpu.memory_space<vmem>>, vector<1x16xf32>,
      %get3A_149 = vector.shape_cast %get3A_148 : vector<1x16xf32> to vector<16xf32>
      %get3A_150 = arith.index_cast %add3A_131 : i32 to index
      %get3A_151 = arith.constant 16 : index
      %get3A_152 = tpu.vector_load %arg16[%get3A_150, %get3A_151] {strides = array<i32>} : memref<40x128xf32, #tpu.memory_space<vmem>>, vector<1x16xf32>,
      %get3A_153 = vector.shape_cast %get3A_152 : vector<1x16xf32> to vector<16xf32>
      %add3A_154 = arith.addf %get3A_149, %get3A_153 : vector<16xf32>
      %max3A_155 = arith.constant 0.000000e+00 : f32
      %max3A_156 = vector.broadcast %max3A_155 : f32 to vector<16xf32>
      %max3A_157 = arith.maximumf %add3A_154, %max3A_156 : vector<16xf32>
      %swap3A_158 = arith.index_cast %add3A_131 : i32 to index
      %swap3A_159 = arith.constant 16 : index
      %swap3A_160 = tpu.vector_load %arg20[%swap3A_158, %swap3A_159] {strides = array<i32>} : memref<40x128xf32, #tpu.memory_space<vmem>>, vector<1x16xf32>,
      %swap3A_161 = vector.shape_cast %swap3A_160 : vector<1x16xf32> to vector<16xf32>
      %swap3A_162 = vector.shape_cast %max3A_157 : vector<16xf32> to vector<1x16xf32>
      tpu.vector_store %arg20[%swap3A_158, %swap3A_159], %swap3A_162 {strides = array<i32>} : memref<40x128xf32, #tpu.memory_space<vmem>>, vector<1x16xf32>,
      %get3A_163 = arith.index_cast %add3A_131 : i32 to index
      %get3A_164 = arith.constant 32 : index
      %get3A_165 = tpu.vector_load %arg20[%get3A_163, %get3A_164] {strides = array<i32>} : memref<40x128xf32, #tpu.memory_space<vmem>>, vector<1x16xf32>,
      %get3A_166 = vector.shape_cast %get3A_165 : vector<1x16xf32> to vector<16xf32>
      %get3A_167 = arith.index_cast %add3A_131 : i32 to index
      %get3A_168 = arith.constant 32 : index
      %get3A_169 = tpu.vector_load %arg16[%get3A_167, %get3A_168] {strides = array<i32>} : memref<40x128xf32, #tpu.memory_space<vmem>>, vector<1x16xf32>,
      %get3A_170 = vector.shape_cast %get3A_169 : vector<1x16xf32> to vector<16xf32>
      %add3A_171 = arith.addf %get3A_166, %get3A_170 : vector<16xf32>
      %max3A_172 = arith.constant 0.000000e+00 : f32
      %max3A_173 = vector.broadcast %max3A_172 : f32 to vector<16xf32>
      %max3A_174 = arith.maximumf %add3A_171, %max3A_173 : vector<16xf32>
      %swap3A_175 = arith.index_cast %add3A_131 : i32 to index
      %swap3A_176 = arith.constant 32 : index
      %swap3A_177 = tpu.vector_load %arg20[%swap3A_175, %swap3A_176] {strides = array<i32>} : memref<40x128xf32, #tpu.memory_space<vmem>>, vector<1x16xf32>,
      %swap3A_178 = vector.shape_cast %swap3A_177 : vector<1x16xf32> to vector<16xf32>
      %swap3A_179 = vector.shape_cast %max3A_174 : vector<16xf32> to vector<1x16xf32>
      tpu.vector_store %arg20[%swap3A_175, %swap3A_176], %swap3A_179 {strides = array<i32>} : memref<40x128xf32, #tpu.memory_space<vmem>>, vector<1x16xf32>,
      %get3A_180 = arith.index_cast %add3A_131 : i32 to index
      %get3A_181 = arith.constant 48 : index
      %get3A_182 = tpu.vector_load %arg20[%get3A_180, %get3A_181] {strides = array<i32>} : memref<40x128xf32, #tpu.memory_space<vmem>>, vector<1x16xf32>,
      %get3A_183 = vector.shape_cast %get3A_182 : vector<1x16xf32> to vector<16xf32>
      %get3A_184 = arith.index_cast %add3A_131 : i32 to index
      %get3A_185 = arith.constant 48 : index
      %get3A_186 = tpu.vector_load %arg16[%get3A_184, %get3A_185] {strides = array<i32>} : memref<40x128xf32, #tpu.memory_space<vmem>>, vector<1x16xf32>,
      %get3A_187 = vector.shape_cast %get3A_186 : vector<1x16xf32> to vector<16xf32>
      %add3A_188 = arith.addf %get3A_183, %get3A_187 : vector<16xf32>
      %max3A_189 = arith.constant 0.000000e+00 : f32
      %max3A_190 = vector.broadcast %max3A_189 : f32 to vector<16xf32>
      %max3A_191 = arith.maximumf %add3A_188, %max3A_190 : vector<16xf32>
      %swap3A_192 = arith.index_cast %add3A_131 : i32 to index
      %swap3A_193 = arith.constant 48 : index
      %swap3A_194 = tpu.vector_load %arg20[%swap3A_192, %swap3A_193] {strides = array<i32>} : memref<40x128xf32, #tpu.memory_space<vmem>>, vector<1x16xf32>,
      %swap3A_195 = vector.shape_cast %swap3A_194 : vector<1x16xf32> to vector<16xf32>
      %swap3A_196 = vector.shape_cast %max3A_191 : vector<16xf32> to vector<1x16xf32>
      tpu.vector_store %arg20[%swap3A_192, %swap3A_193], %swap3A_196 {strides = array<i32>} : memref<40x128xf32, #tpu.memory_space<vmem>>, vector<1x16xf32>,
      %get3A_197 = arith.index_cast %add3A_131 : i32 to index
      %get3A_198 = arith.constant 64 : index
      %get3A_199 = tpu.vector_load %arg20[%get3A_197, %get3A_198] {strides = array<i32>} : memref<40x128xf32, #tpu.memory_space<vmem>>, vector<1x16xf32>,
      %get3A_200 = vector.shape_cast %get3A_199 : vector<1x16xf32> to vector<16xf32>
      %get3A_201 = arith.index_cast %add3A_131 : i32 to index
      %get3A_202 = arith.constant 64 : index
      %get3A_203 = tpu.vector_load %arg16[%get3A_201, %get3A_202] {strides = array<i32>} : memref<40x128xf32, #tpu.memory_space<vmem>>, vector<1x16xf32>,
      %get3A_204 = vector.shape_cast %get3A_203 : vector<1x16xf32> to vector<16xf32>
      %add3A_205 = arith.addf %get3A_200, %get3A_204 : vector<16xf32>
      %max3A_206 = arith.constant 0.000000e+00 : f32
      %max3A_207 = vector.broadcast %max3A_206 : f32 to vector<16xf32>
      %max3A_208 = arith.maximumf %add3A_205, %max3A_207 : vector<16xf32>
      %swap3A_209 = arith.index_cast %add3A_131 : i32 to index
      %swap3A_210 = arith.constant 64 : index
      %swap3A_211 = tpu.vector_load %arg20[%swap3A_209, %swap3A_210] {strides = array<i32>} : memref<40x128xf32, #tpu.memory_space<vmem>>, vector<1x16xf32>,
      %swap3A_212 = vector.shape_cast %swap3A_211 : vector<1x16xf32> to vector<16xf32>
      %swap3A_213 = vector.shape_cast %max3A_208 : vector<16xf32> to vector<1x16xf32>
      tpu.vector_store %arg20[%swap3A_209, %swap3A_210], %swap3A_213 {strides = array<i32>} : memref<40x128xf32, #tpu.memory_space<vmem>>, vector<1x16xf32>,
      %get3A_214 = arith.index_cast %add3A_131 : i32 to index
      %get3A_215 = arith.constant 80 : index
      %get3A_216 = tpu.vector_load %arg20[%get3A_214, %get3A_215] {strides = array<i32>} : memref<40x128xf32, #tpu.memory_space<vmem>>, vector<1x16xf32>,
      %get3A_217 = vector.shape_cast %get3A_216 : vector<1x16xf32> to vector<16xf32>
      %get3A_218 = arith.index_cast %add3A_131 : i32 to index
      %get3A_219 = arith.constant 80 : index
      %get3A_220 = tpu.vector_load %arg16[%get3A_218, %get3A_219] {strides = array<i32>} : memref<40x128xf32, #tpu.memory_space<vmem>>, vector<1x16xf32>,
      %get3A_221 = vector.shape_cast %get3A_220 : vector<1x16xf32> to vector<16xf32>
      %add3A_222 = arith.addf %get3A_217, %get3A_221 : vector<16xf32>
      %max3A_223 = arith.constant 0.000000e+00 : f32
      %max3A_224 = vector.broadcast %max3A_223 : f32 to vector<16xf32>
      %max3A_225 = arith.maximumf %add3A_222, %max3A_224 : vector<16xf32>
      %swap3A_226 = arith.index_cast %add3A_131 : i32 to index
      %swap3A_227 = arith.constant 80 : index
      %swap3A_228 = tpu.vector_load %arg20[%swap3A_226, %swap3A_227] {strides = array<i32>} : memref<40x128xf32, #tpu.memory_space<vmem>>, vector<1x16xf32>,
      %swap3A_229 = vector.shape_cast %swap3A_228 : vector<1x16xf32> to vector<16xf32>
      %swap3A_230 = vector.shape_cast %max3A_225 : vector<16xf32> to vector<1x16xf32>
      tpu.vector_store %arg20[%swap3A_226, %swap3A_227], %swap3A_230 {strides = array<i32>} : memref<40x128xf32, #tpu.memory_space<vmem>>, vector<1x16xf32>,
      %get3A_231 = arith.index_cast %add3A_131 : i32 to index
      %get3A_232 = arith.constant 96 : index
      %get3A_233 = tpu.vector_load %arg20[%get3A_231, %get3A_232] {strides = array<i32>} : memref<40x128xf32, #tpu.memory_space<vmem>>, vector<1x16xf32>,
      %get3A_234 = vector.shape_cast %get3A_233 : vector<1x16xf32> to vector<16xf32>
      %get3A_235 = arith.index_cast %add3A_131 : i32 to index
      %get3A_236 = arith.constant 96 : index
      %get3A_237 = tpu.vector_load %arg16[%get3A_235, %get3A_236] {strides = array<i32>} : memref<40x128xf32, #tpu.memory_space<vmem>>, vector<1x16xf32>,
      %get3A_238 = vector.shape_cast %get3A_237 : vector<1x16xf32> to vector<16xf32>
      %add3A_239 = arith.addf %get3A_234, %get3A_238 : vector<16xf32>
      %max3A_240 = arith.constant 0.000000e+00 : f32
      %max3A_241 = vector.broadcast %max3A_240 : f32 to vector<16xf32>
      %max3A_242 = arith.maximumf %add3A_239, %max3A_241 : vector<16xf32>
      %swap3A_243 = arith.index_cast %add3A_131 : i32 to index
      %swap3A_244 = arith.constant 96 : index
      %swap3A_245 = tpu.vector_load %arg20[%swap3A_243, %swap3A_244] {strides = array<i32>} : memref<40x128xf32, #tpu.memory_space<vmem>>, vector<1x16xf32>,
      %swap3A_246 = vector.shape_cast %swap3A_245 : vector<1x16xf32> to vector<16xf32>
      %swap3A_247 = vector.shape_cast %max3A_242 : vector<16xf32> to vector<1x16xf32>
      tpu.vector_store %arg20[%swap3A_243, %swap3A_244], %swap3A_247 {strides = array<i32>} : memref<40x128xf32, #tpu.memory_space<vmem>>, vector<1x16xf32>,
      %get3A_248 = arith.index_cast %add3A_131 : i32 to index
      %get3A_249 = arith.constant 112 : index
      %get3A_250 = tpu.vector_load %arg20[%get3A_248, %get3A_249] {strides = array<i32>} : memref<40x128xf32, #tpu.memory_space<vmem>>, vector<1x16xf32>,
      %get3A_251 = vector.shape_cast %get3A_250 : vector<1x16xf32> to vector<16xf32>
      %get3A_252 = arith.index_cast %add3A_131 : i32 to index
      %get3A_253 = arith.constant 112 : index
      %get3A_254 = tpu.vector_load %arg16[%get3A_252, %get3A_253] {strides = array<i32>} : memref<40x128xf32, #tpu.memory_space<vmem>>, vector<1x16xf32>,
      %get3A_255 = vector.shape_cast %get3A_254 : vector<1x16xf32> to vector<16xf32>
      %add3A_256 = arith.addf %get3A_251, %get3A_255 : vector<16xf32>
      %max3A_257 = arith.constant 0.000000e+00 : f32
      %max3A_258 = vector.broadcast %max3A_257 : f32 to vector<16xf32>
      %max3A_259 = arith.maximumf %add3A_256, %max3A_258 : vector<16xf32>
      %swap3A_260 = arith.index_cast %add3A_131 : i32 to index
      %swap3A_261 = arith.constant 112 : index
      %swap3A_262 = tpu.vector_load %arg20[%swap3A_260, %swap3A_261] {strides = array<i32>} : memref<40x128xf32, #tpu.memory_space<vmem>>, vector<1x16xf32>,
      %swap3A_263 = vector.shape_cast %swap3A_262 : vector<1x16xf32> to vector<16xf32>
      %swap3A_264 = vector.shape_cast %max3A_259 : vector<16xf32> to vector<1x16xf32>
      tpu.vector_store %arg20[%swap3A_260, %swap3A_261], %swap3A_264 {strides = array<i32>} : memref<40x128xf32, #tpu.memory_space<vmem>>, vector<1x16xf32>,
      %mul3A_265 = arith.constant 2 : i32
      %mul3A_266 = arith.muli %mul3A_265, %add3A_127 : i32
      %add3A_267 = arith.constant 1 : i32
      %add3A_268 = arith.addi %mul3A_266, %add3A_267 : i32
      %get3A_269 = arith.index_cast %add3A_268 : i32 to index
      %get3A_270 = arith.constant 0 : index
      %get3A_271 = tpu.vector_load %arg20[%get3A_269, %get3A_270] {strides = array<i32>} : memref<40x128xf32, #tpu.memory_space<vmem>>, vector<1x16xf32>,
      %get3A_272 = vector.shape_cast %get3A_271 : vector<1x16xf32> to vector<16xf32>
      %get3A_273 = arith.index_cast %add3A_268 : i32 to index
      %get3A_274 = arith.constant 0 : index
      %get3A_275 = tpu.vector_load %arg16[%get3A_273, %get3A_274] {strides = array<i32>} : memref<40x128xf32, #tpu.memory_space<vmem>>, vector<1x16xf32>,
      %get3A_276 = vector.shape_cast %get3A_275 : vector<1x16xf32> to vector<16xf32>
      %add3A_277 = arith.addf %get3A_272, %get3A_276 : vector<16xf32>
      %max3A_278 = arith.constant 0.000000e+00 : f32
      %max3A_279 = vector.broadcast %max3A_278 : f32 to vector<16xf32>
      %max3A_280 = arith.maximumf %add3A_277, %max3A_279 : vector<16xf32>
      %swap3A_281 = arith.index_cast %add3A_268 : i32 to index
      %swap3A_282 = arith.constant 0 : index
      %swap3A_283 = tpu.vector_load %arg20[%swap3A_281, %swap3A_282] {strides = array<i32>} : memref<40x128xf32, #tpu.memory_space<vmem>>, vector<1x16xf32>,
      %swap3A_284 = vector.shape_cast %swap3A_283 : vector<1x16xf32> to vector<16xf32>
      %swap3A_285 = vector.shape_cast %max3A_280 : vector<16xf32> to vector<1x16xf32>
      tpu.vector_store %arg20[%swap3A_281, %swap3A_282], %swap3A_285 {strides = array<i32>} : memref<40x128xf32, #tpu.memory_space<vmem>>, vector<1x16xf32>,
      %get3A_286 = arith.index_cast %add3A_268 : i32 to index
      %get3A_287 = arith.constant 16 : index
      %get3A_288 = tpu.vector_load %arg20[%get3A_286, %get3A_287] {strides = array<i32>} : memref<40x128xf32, #tpu.memory_space<vmem>>, vector<1x16xf32>,
      %get3A_289 = vector.shape_cast %get3A_288 : vector<1x16xf32> to vector<16xf32>
      %get3A_290 = arith.index_cast %add3A_268 : i32 to index
      %get3A_291 = arith.constant 16 : index
      %get3A_292 = tpu.vector_load %arg16[%get3A_290, %get3A_291] {strides = array<i32>} : memref<40x128xf32, #tpu.memory_space<vmem>>, vector<1x16xf32>,
      %get3A_293 = vector.shape_cast %get3A_292 : vector<1x16xf32> to vector<16xf32>
      %add3A_294 = arith.addf %get3A_289, %get3A_293 : vector<16xf32>
      %max3A_295 = arith.constant 0.000000e+00 : f32
      %max3A_296 = vector.broadcast %max3A_295 : f32 to vector<16xf32>
      %max3A_297 = arith.maximumf %add3A_294, %max3A_296 : vector<16xf32>
      %swap3A_298 = arith.index_cast %add3A_268 : i32 to index
      %swap3A_299 = arith.constant 16 : index
      %swap3A_300 = tpu.vector_load %arg20[%swap3A_298, %swap3A_299] {strides = array<i32>} : memref<40x128xf32, #tpu.memory_space<vmem>>, vector<1x16xf32>,
      %swap3A_301 = vector.shape_cast %swap3A_300 : vector<1x16xf32> to vector<16xf32>
      %swap3A_302 = vector.shape_cast %max3A_297 : vector<16xf32> to vector<1x16xf32>
      tpu.vector_store %arg20[%swap3A_298, %swap3A_299], %swap3A_302 {strides = array<i32>} : memref<40x128xf32, #tpu.memory_space<vmem>>, vector<1x16xf32>,
      %get3A_303 = arith.index_cast %add3A_268 : i32 to index
      %get3A_304 = arith.constant 32 : index
      %get3A_305 = tpu.vector_load %arg20[%get3A_303, %get3A_304] {strides = array<i32>} : memref<40x128xf32, #tpu.memory_space<vmem>>, vector<1x16xf32>,
      %get3A_306 = vector.shape_cast %get3A_305 : vector<1x16xf32> to vector<16xf32>
      %get3A_307 = arith.index_cast %add3A_268 : i32 to index
      %get3A_308 = arith.constant 32 : index
      %get3A_309 = tpu.vector_load %arg16[%get3A_307, %get3A_308] {strides = array<i32>} : memref<40x128xf32, #tpu.memory_space<vmem>>, vector<1x16xf32>,
      %get3A_310 = vector.shape_cast %get3A_309 : vector<1x16xf32> to vector<16xf32>
      %add3A_311 = arith.addf %get3A_306, %get3A_310 : vector<16xf32>
      %max3A_312 = arith.constant 0.000000e+00 : f32
      %max3A_313 = vector.broadcast %max3A_312 : f32 to vector<16xf32>
      %max3A_314 = arith.maximumf %add3A_311, %max3A_313 : vector<16xf32>
      %swap3A_315 = arith.index_cast %add3A_268 : i32 to index
      %swap3A_316 = arith.constant 32 : index
      %swap3A_317 = tpu.vector_load %arg20[%swap3A_315, %swap3A_316] {strides = array<i32>} : memref<40x128xf32, #tpu.memory_space<vmem>>, vector<1x16xf32>,
      %swap3A_318 = vector.shape_cast %swap3A_317 : vector<1x16xf32> to vector<16xf32>
      %swap3A_319 = vector.shape_cast %max3A_314 : vector<16xf32> to vector<1x16xf32>
      tpu.vector_store %arg20[%swap3A_315, %swap3A_316], %swap3A_319 {strides = array<i32>} : memref<40x128xf32, #tpu.memory_space<vmem>>, vector<1x16xf32>,
      %get3A_320 = arith.index_cast %add3A_268 : i32 to index
      %get3A_321 = arith.constant 48 : index
      %get3A_322 = tpu.vector_load %arg20[%get3A_320, %get3A_321] {strides = array<i32>} : memref<40x128xf32, #tpu.memory_space<vmem>>, vector<1x16xf32>,
      %get3A_323 = vector.shape_cast %get3A_322 : vector<1x16xf32> to vector<16xf32>
      %get3A_324 = arith.index_cast %add3A_268 : i32 to index
      %get3A_325 = arith.constant 48 : index
      %get3A_326 = tpu.vector_load %arg16[%get3A_324, %get3A_325] {strides = array<i32>} : memref<40x128xf32, #tpu.memory_space<vmem>>, vector<1x16xf32>,
      %get3A_327 = vector.shape_cast %get3A_326 : vector<1x16xf32> to vector<16xf32>
      %add3A_328 = arith.addf %get3A_323, %get3A_327 : vector<16xf32>
      %max3A_329 = arith.constant 0.000000e+00 : f32
      %max3A_330 = vector.broadcast %max3A_329 : f32 to vector<16xf32>
      %max3A_331 = arith.maximumf %add3A_328, %max3A_330 : vector<16xf32>
      %swap3A_332 = arith.index_cast %add3A_268 : i32 to index
      %swap3A_333 = arith.constant 48 : index
      %swap3A_334 = tpu.vector_load %arg20[%swap3A_332, %swap3A_333] {strides = array<i32>} : memref<40x128xf32, #tpu.memory_space<vmem>>, vector<1x16xf32>,
      %swap3A_335 = vector.shape_cast %swap3A_334 : vector<1x16xf32> to vector<16xf32>
      %swap3A_336 = vector.shape_cast %max3A_331 : vector<16xf32> to vector<1x16xf32>
      tpu.vector_store %arg20[%swap3A_332, %swap3A_333], %swap3A_336 {strides = array<i32>} : memref<40x128xf32, #tpu.memory_space<vmem>>, vector<1x16xf32>,
      %get3A_337 = arith.index_cast %add3A_268 : i32 to index
      %get3A_338 = arith.constant 64 : index
      %get3A_339 = tpu.vector_load %arg20[%get3A_337, %get3A_338] {strides = array<i32>} : memref<40x128xf32, #tpu.memory_space<vmem>>, vector<1x16xf32>,
      %get3A_340 = vector.shape_cast %get3A_339 : vector<1x16xf32> to vector<16xf32>
      %get3A_341 = arith.index_cast %add3A_268 : i32 to index
      %get3A_342 = arith.constant 64 : index
      %get3A_343 = tpu.vector_load %arg16[%get3A_341, %get3A_342] {strides = array<i32>} : memref<40x128xf32, #tpu.memory_space<vmem>>, vector<1x16xf32>,
      %get3A_344 = vector.shape_cast %get3A_343 : vector<1x16xf32> to vector<16xf32>
      %add3A_345 = arith.addf %get3A_340, %get3A_344 : vector<16xf32>
      %max3A_346 = arith.constant 0.000000e+00 : f32
      %max3A_347 = vector.broadcast %max3A_346 : f32 to vector<16xf32>
      %max3A_348 = arith.maximumf %add3A_345, %max3A_347 : vector<16xf32>
      %swap3A_349 = arith.index_cast %add3A_268 : i32 to index
      %swap3A_350 = arith.constant 64 : index
      %swap3A_351 = tpu.vector_load %arg20[%swap3A_349, %swap3A_350] {strides = array<i32>} : memref<40x128xf32, #tpu.memory_space<vmem>>, vector<1x16xf32>,
      %swap3A_352 = vector.shape_cast %swap3A_351 : vector<1x16xf32> to vector<16xf32>
      %swap3A_353 = vector.shape_cast %max3A_348 : vector<16xf32> to vector<1x16xf32>
      tpu.vector_store %arg20[%swap3A_349, %swap3A_350], %swap3A_353 {strides = array<i32>} : memref<40x128xf32, #tpu.memory_space<vmem>>, vector<1x16xf32>,
      %get3A_354 = arith.index_cast %add3A_268 : i32 to index
      %get3A_355 = arith.constant 80 : index
      %get3A_356 = tpu.vector_load %arg20[%get3A_354, %get3A_355] {strides = array<i32>} : memref<40x128xf32, #tpu.memory_space<vmem>>, vector<1x16xf32>,
      %get3A_357 = vector.shape_cast %get3A_356 : vector<1x16xf32> to vector<16xf32>
      %get3A_358 = arith.index_cast %add3A_268 : i32 to index
      %get3A_359 = arith.constant 80 : index
      %get3A_360 = tpu.vector_load %arg16[%get3A_358, %get3A_359] {strides = array<i32>} : memref<40x128xf32, #tpu.memory_space<vmem>>, vector<1x16xf32>,
      %get3A_361 = vector.shape_cast %get3A_360 : vector<1x16xf32> to vector<16xf32>
      %add3A_362 = arith.addf %get3A_357, %get3A_361 : vector<16xf32>
      %max3A_363 = arith.constant 0.000000e+00 : f32
      %max3A_364 = vector.broadcast %max3A_363 : f32 to vector<16xf32>
      %max3A_365 = arith.maximumf %add3A_362, %max3A_364 : vector<16xf32>
      %swap3A_366 = arith.index_cast %add3A_268 : i32 to index
      %swap3A_367 = arith.constant 80 : index
      %swap3A_368 = tpu.vector_load %arg20[%swap3A_366, %swap3A_367] {strides = array<i32>} : memref<40x128xf32, #tpu.memory_space<vmem>>, vector<1x16xf32>,
      %swap3A_369 = vector.shape_cast %swap3A_368 : vector<1x16xf32> to vector<16xf32>
      %swap3A_370 = vector.shape_cast %max3A_365 : vector<16xf32> to vector<1x16xf32>
      tpu.vector_store %arg20[%swap3A_366, %swap3A_367], %swap3A_370 {strides = array<i32>} : memref<40x128xf32, #tpu.memory_space<vmem>>, vector<1x16xf32>,
      %get3A_371 = arith.index_cast %add3A_268 : i32 to index
      %get3A_372 = arith.constant 96 : index
      %get3A_373 = tpu.vector_load %arg20[%get3A_371, %get3A_372] {strides = array<i32>} : memref<40x128xf32, #tpu.memory_space<vmem>>, vector<1x16xf32>,
      %get3A_374 = vector.shape_cast %get3A_373 : vector<1x16xf32> to vector<16xf32>
      %get3A_375 = arith.index_cast %add3A_268 : i32 to index
      %get3A_376 = arith.constant 96 : index
      %get3A_377 = tpu.vector_load %arg16[%get3A_375, %get3A_376] {strides = array<i32>} : memref<40x128xf32, #tpu.memory_space<vmem>>, vector<1x16xf32>,
      %get3A_378 = vector.shape_cast %get3A_377 : vector<1x16xf32> to vector<16xf32>
      %add3A_379 = arith.addf %get3A_374, %get3A_378 : vector<16xf32>
      %max3A_380 = arith.constant 0.000000e+00 : f32
      %max3A_381 = vector.broadcast %max3A_380 : f32 to vector<16xf32>
      %max3A_382 = arith.maximumf %add3A_379, %max3A_381 : vector<16xf32>
      %swap3A_383 = arith.index_cast %add3A_268 : i32 to index
      %swap3A_384 = arith.constant 96 : index
      %swap3A_385 = tpu.vector_load %arg20[%swap3A_383, %swap3A_384] {strides = array<i32>} : memref<40x128xf32, #tpu.memory_space<vmem>>, vector<1x16xf32>,
      %swap3A_386 = vector.shape_cast %swap3A_385 : vector<1x16xf32> to vector<16xf32>
      %swap3A_387 = vector.shape_cast %max3A_382 : vector<16xf32> to vector<1x16xf32>
      tpu.vector_store %arg20[%swap3A_383, %swap3A_384], %swap3A_387 {strides = array<i32>} : memref<40x128xf32, #tpu.memory_space<vmem>>, vector<1x16xf32>,
      %get3A_388 = arith.index_cast %add3A_268 : i32 to index
      %get3A_389 = arith.constant 112 : index
      %get3A_390 = tpu.vector_load %arg20[%get3A_388, %get3A_389] {strides = array<i32>} : memref<40x128xf32, #tpu.memory_space<vmem>>, vector<1x16xf32>,
      %get3A_391 = vector.shape_cast %get3A_390 : vector<1x16xf32> to vector<16xf32>
      %get3A_392 = arith.index_cast %add3A_268 : i32 to index
      %get3A_393 = arith.constant 112 : index
      %get3A_394 = tpu.vector_load %arg16[%get3A_392, %get3A_393] {strides = array<i32>} : memref<40x128xf32, #tpu.memory_space<vmem>>, vector<1x16xf32>,
      %get3A_395 = vector.shape_cast %get3A_394 : vector<1x16xf32> to vector<16xf32>
      %add3A_396 = arith.addf %get3A_391, %get3A_395 : vector<16xf32>
      %max3A_397 = arith.constant 0.000000e+00 : f32
      %max3A_398 = vector.broadcast %max3A_397 : f32 to vector<16xf32>
      %max3A_399 = arith.maximumf %add3A_396, %max3A_398 : vector<16xf32>
      %swap3A_400 = arith.index_cast %add3A_268 : i32 to index
      %swap3A_401 = arith.constant 112 : index
      %swap3A_402 = tpu.vector_load %arg20[%swap3A_400, %swap3A_401] {strides = array<i32>} : memref<40x128xf32, #tpu.memory_space<vmem>>, vector<1x16xf32>,
      %swap3A_403 = vector.shape_cast %swap3A_402 : vector<1x16xf32> to vector<16xf32>
      %swap3A_404 = vector.shape_cast %max3A_399 : vector<16xf32> to vector<1x16xf32>
      tpu.vector_store %arg20[%swap3A_400, %swap3A_401], %swap3A_404 {strides = array<i32>} : memref<40x128xf32, #tpu.memory_space<vmem>>, vector<1x16xf32>,
    }
    %scan3A_84 = arith.constant 20 : i32
    %dma_start3A_85 = arith.constant 0 : i32
    %dma_start3A_86 = arith.constant 0 : i32
    %dma_start3A_87 = tpu.memref_slice %arg24[%dma_start3A_85, %dma_start3A_86] : memref<10000x128xf32, #tpu.memory_space<vmem_shared>> -> memref<10000x128xf32, #tpu.memory_space<vmem_shared>>
    tpu.enqueue_indirect_dma source(%arg20 : memref<40x128xf32, #tpu.memory_space<vmem>>) target(%dma_start3A_87 : memref<10000x128xf32, #tpu.memory_space<vmem_shared>>) offsets(%arg12 : memref<40xi32, #tpu.memory_space<vmem>>) semaphore(%arg29 : memref<!tpu.dma_semaphore, #tpu.memory_space<semaphore_mem>>) {add = true}
    %dma_wait3A_88 = arith.constant 0 : i32
    %dma_wait3A_89 = arith.constant 0 : i32
    %dma_wait3A_90 = tpu.memref_slice %arg24[%dma_wait3A_88, %dma_wait3A_89] : memref<10000x128xf32, #tpu.memory_space<vmem_shared>> -> memref<10000x128xf32, #tpu.memory_space<vmem_shared>>
    tpu.wait_indirect_dma semaphore(%arg30 : memref<!tpu.dma_semaphore, #tpu.memory_space<semaphore_mem>>) src(%arg23 : memref<40x128xf32, #tpu.memory_space<vmem>>) dst(%dma_wait3A_90 : memref<10000x128xf32, #tpu.memory_space<vmem_shared>>)
    %dma_wait3A_91 = arith.constant 0 : i32
    %dma_wait3A_92 = arith.constant 0 : i32
    %dma_wait3A_93 = tpu.memref_slice %arg2[%dma_wait3A_91, %dma_wait3A_92] : memref<10000x128xf32, #tpu.memory_space<hbm>> -> memref<10000x128xf32, #tpu.memory_space<hbm>>
    tpu.wait_indirect_dma semaphore(%arg28 : memref<!tpu.dma_semaphore, #tpu.memory_space<semaphore_mem>>) src(%dma_wait3A_93 : memref<10000x128xf32, #tpu.memory_space<hbm>>) dst(%arg21 : memref<40x128xf32, #tpu.memory_space<vmem>>)
    %add3A_94 = arith.constant 9960 : i32
    %add3A_95 = arith.addi %mul3A_6, %add3A_94 : i32
    %multiple_of3A_96 = tpu.assume_multiple %add3A_95, 40 : i32
    %dma_wait3A_97 = tpu.memref_slice %arg4[%multiple_of3A_96] : memref<320000xi32, #tpu.memory_space<hbm>> -> memref<40xi32, #tpu.memory_space<hbm>>
    %dma_wait3A_98 = tpu.memref_slice %arg4[%multiple_of3A_96] : memref<320000xi32, #tpu.memory_space<hbm>> -> memref<40xi32, #tpu.memory_space<hbm>>
    tpu.wait_dma2 semaphore(%arg32 : memref<!tpu.dma_semaphore, #tpu.memory_space<semaphore_mem>>) src(%dma_wait3A_98 : memref<40xi32, #tpu.memory_space<hbm>>) dst(%arg13 : memref<40xi32, #tpu.memory_space<vmem>>)
    %scan3A_99 = arith.constant 0 : i32
    %scan3A_100 = arith.constant 20 : i32
    %scan3A_101 = arith.addi %scan3A_99, %scan3A_100 : i32
    %scan3A_102 = arith.constant 1 : i32
    scf.for %scan3A_123 = %scan3A_99 to %scan3A_101 step %scan3A_102  : i32 {
      %mul3A_124 = arith.constant 1 : i32
      %mul3A_125 = arith.muli %scan3A_123, %mul3A_124 : i32
      %add3A_126 = arith.constant 0 : i32
      %add3A_127 = arith.addi %add3A_126, %mul3A_125 : i32
      %mul3A_128 = arith.constant 2 : i32
      %mul3A_129 = arith.muli %mul3A_128, %add3A_127 : i32
      %add3A_130 = arith.constant 0 : i32
      %add3A_131 = arith.addi %mul3A_129, %add3A_130 : i32
      %get3A = arith.index_cast %add3A_131 : i32 to index
      %get3A_132 = arith.constant 0 : index
      %get3A_133 = tpu.vector_load %arg21[%get3A, %get3A_132] {strides = array<i32>} : memref<40x128xf32, #tpu.memory_space<vmem>>, vector<1x16xf32>,
      %get3A_134 = vector.shape_cast %get3A_133 : vector<1x16xf32> to vector<16xf32>
      %get3A_135 = arith.index_cast %add3A_131 : i32 to index
      %get3A_136 = arith.constant 0 : index
      %get3A_137 = tpu.vector_load %arg17[%get3A_135, %get3A_136] {strides = array<i32>} : memref<40x128xf32, #tpu.memory_space<vmem>>, vector<1x16xf32>,
      %get3A_138 = vector.shape_cast %get3A_137 : vector<1x16xf32> to vector<16xf32>
      %add3A_139 = arith.addf %get3A_134, %get3A_138 : vector<16xf32>
      %max3A = arith.constant 0.000000e+00 : f32
      %max3A_140 = vector.broadcast %max3A : f32 to vector<16xf32>
      %max3A_141 = arith.maximumf %add3A_139, %max3A_140 : vector<16xf32>
      %swap3A = arith.index_cast %add3A_131 : i32 to index
      %swap3A_142 = arith.constant 0 : index
      %swap3A_143 = tpu.vector_load %arg21[%swap3A, %swap3A_142] {strides = array<i32>} : memref<40x128xf32, #tpu.memory_space<vmem>>, vector<1x16xf32>,
      %swap3A_144 = vector.shape_cast %swap3A_143 : vector<1x16xf32> to vector<16xf32>
      %swap3A_145 = vector.shape_cast %max3A_141 : vector<16xf32> to vector<1x16xf32>
      tpu.vector_store %arg21[%swap3A, %swap3A_142], %swap3A_145 {strides = array<i32>} : memref<40x128xf32, #tpu.memory_space<vmem>>, vector<1x16xf32>,
      %get3A_146 = arith.index_cast %add3A_131 : i32 to index
      %get3A_147 = arith.constant 16 : index
      %get3A_148 = tpu.vector_load %arg21[%get3A_146, %get3A_147] {strides = array<i32>} : memref<40x128xf32, #tpu.memory_space<vmem>>, vector<1x16xf32>,
      %get3A_149 = vector.shape_cast %get3A_148 : vector<1x16xf32> to vector<16xf32>
      %get3A_150 = arith.index_cast %add3A_131 : i32 to index
      %get3A_151 = arith.constant 16 : index
      %get3A_152 = tpu.vector_load %arg17[%get3A_150, %get3A_151] {strides = array<i32>} : memref<40x128xf32, #tpu.memory_space<vmem>>, vector<1x16xf32>,
      %get3A_153 = vector.shape_cast %get3A_152 : vector<1x16xf32> to vector<16xf32>
      %add3A_154 = arith.addf %get3A_149, %get3A_153 : vector<16xf32>
      %max3A_155 = arith.constant 0.000000e+00 : f32
      %max3A_156 = vector.broadcast %max3A_155 : f32 to vector<16xf32>
      %max3A_157 = arith.maximumf %add3A_154, %max3A_156 : vector<16xf32>
      %swap3A_158 = arith.index_cast %add3A_131 : i32 to index
      %swap3A_159 = arith.constant 16 : index
      %swap3A_160 = tpu.vector_load %arg21[%swap3A_158, %swap3A_159] {strides = array<i32>} : memref<40x128xf32, #tpu.memory_space<vmem>>, vector<1x16xf32>,
      %swap3A_161 = vector.shape_cast %swap3A_160 : vector<1x16xf32> to vector<16xf32>
      %swap3A_162 = vector.shape_cast %max3A_157 : vector<16xf32> to vector<1x16xf32>
      tpu.vector_store %arg21[%swap3A_158, %swap3A_159], %swap3A_162 {strides = array<i32>} : memref<40x128xf32, #tpu.memory_space<vmem>>, vector<1x16xf32>,
      %get3A_163 = arith.index_cast %add3A_131 : i32 to index
      %get3A_164 = arith.constant 32 : index
      %get3A_165 = tpu.vector_load %arg21[%get3A_163, %get3A_164] {strides = array<i32>} : memref<40x128xf32, #tpu.memory_space<vmem>>, vector<1x16xf32>,
      %get3A_166 = vector.shape_cast %get3A_165 : vector<1x16xf32> to vector<16xf32>
      %get3A_167 = arith.index_cast %add3A_131 : i32 to index
      %get3A_168 = arith.constant 32 : index
      %get3A_169 = tpu.vector_load %arg17[%get3A_167, %get3A_168] {strides = array<i32>} : memref<40x128xf32, #tpu.memory_space<vmem>>, vector<1x16xf32>,
      %get3A_170 = vector.shape_cast %get3A_169 : vector<1x16xf32> to vector<16xf32>
      %add3A_171 = arith.addf %get3A_166, %get3A_170 : vector<16xf32>
      %max3A_172 = arith.constant 0.000000e+00 : f32
      %max3A_173 = vector.broadcast %max3A_172 : f32 to vector<16xf32>
      %max3A_174 = arith.maximumf %add3A_171, %max3A_173 : vector<16xf32>
      %swap3A_175 = arith.index_cast %add3A_131 : i32 to index
      %swap3A_176 = arith.constant 32 : index
      %swap3A_177 = tpu.vector_load %arg21[%swap3A_175, %swap3A_176] {strides = array<i32>} : memref<40x128xf32, #tpu.memory_space<vmem>>, vector<1x16xf32>,
      %swap3A_178 = vector.shape_cast %swap3A_177 : vector<1x16xf32> to vector<16xf32>
      %swap3A_179 = vector.shape_cast %max3A_174 : vector<16xf32> to vector<1x16xf32>
      tpu.vector_store %arg21[%swap3A_175, %swap3A_176], %swap3A_179 {strides = array<i32>} : memref<40x128xf32, #tpu.memory_space<vmem>>, vector<1x16xf32>,
      %get3A_180 = arith.index_cast %add3A_131 : i32 to index
      %get3A_181 = arith.constant 48 : index
      %get3A_182 = tpu.vector_load %arg21[%get3A_180, %get3A_181] {strides = array<i32>} : memref<40x128xf32, #tpu.memory_space<vmem>>, vector<1x16xf32>,
      %get3A_183 = vector.shape_cast %get3A_182 : vector<1x16xf32> to vector<16xf32>
      %get3A_184 = arith.index_cast %add3A_131 : i32 to index
      %get3A_185 = arith.constant 48 : index
      %get3A_186 = tpu.vector_load %arg17[%get3A_184, %get3A_185] {strides = array<i32>} : memref<40x128xf32, #tpu.memory_space<vmem>>, vector<1x16xf32>,
      %get3A_187 = vector.shape_cast %get3A_186 : vector<1x16xf32> to vector<16xf32>
      %add3A_188 = arith.addf %get3A_183, %get3A_187 : vector<16xf32>
      %max3A_189 = arith.constant 0.000000e+00 : f32
      %max3A_190 = vector.broadcast %max3A_189 : f32 to vector<16xf32>
      %max3A_191 = arith.maximumf %add3A_188, %max3A_190 : vector<16xf32>
      %swap3A_192 = arith.index_cast %add3A_131 : i32 to index
      %swap3A_193 = arith.constant 48 : index
      %swap3A_194 = tpu.vector_load %arg21[%swap3A_192, %swap3A_193] {strides = array<i32>} : memref<40x128xf32, #tpu.memory_space<vmem>>, vector<1x16xf32>,
      %swap3A_195 = vector.shape_cast %swap3A_194 : vector<1x16xf32> to vector<16xf32>
      %swap3A_196 = vector.shape_cast %max3A_191 : vector<16xf32> to vector<1x16xf32>
      tpu.vector_store %arg21[%swap3A_192, %swap3A_193], %swap3A_196 {strides = array<i32>} : memref<40x128xf32, #tpu.memory_space<vmem>>, vector<1x16xf32>,
      %get3A_197 = arith.index_cast %add3A_131 : i32 to index
      %get3A_198 = arith.constant 64 : index
      %get3A_199 = tpu.vector_load %arg21[%get3A_197, %get3A_198] {strides = array<i32>} : memref<40x128xf32, #tpu.memory_space<vmem>>, vector<1x16xf32>,
      %get3A_200 = vector.shape_cast %get3A_199 : vector<1x16xf32> to vector<16xf32>
      %get3A_201 = arith.index_cast %add3A_131 : i32 to index
      %get3A_202 = arith.constant 64 : index
      %get3A_203 = tpu.vector_load %arg17[%get3A_201, %get3A_202] {strides = array<i32>} : memref<40x128xf32, #tpu.memory_space<vmem>>, vector<1x16xf32>,
      %get3A_204 = vector.shape_cast %get3A_203 : vector<1x16xf32> to vector<16xf32>
      %add3A_205 = arith.addf %get3A_200, %get3A_204 : vector<16xf32>
      %max3A_206 = arith.constant 0.000000e+00 : f32
      %max3A_207 = vector.broadcast %max3A_206 : f32 to vector<16xf32>
      %max3A_208 = arith.maximumf %add3A_205, %max3A_207 : vector<16xf32>
      %swap3A_209 = arith.index_cast %add3A_131 : i32 to index
      %swap3A_210 = arith.constant 64 : index
      %swap3A_211 = tpu.vector_load %arg21[%swap3A_209, %swap3A_210] {strides = array<i32>} : memref<40x128xf32, #tpu.memory_space<vmem>>, vector<1x16xf32>,
      %swap3A_212 = vector.shape_cast %swap3A_211 : vector<1x16xf32> to vector<16xf32>
      %swap3A_213 = vector.shape_cast %max3A_208 : vector<16xf32> to vector<1x16xf32>
      tpu.vector_store %arg21[%swap3A_209, %swap3A_210], %swap3A_213 {strides = array<i32>} : memref<40x128xf32, #tpu.memory_space<vmem>>, vector<1x16xf32>,
      %get3A_214 = arith.index_cast %add3A_131 : i32 to index
      %get3A_215 = arith.constant 80 : index
      %get3A_216 = tpu.vector_load %arg21[%get3A_214, %get3A_215] {strides = array<i32>} : memref<40x128xf32, #tpu.memory_space<vmem>>, vector<1x16xf32>,
      %get3A_217 = vector.shape_cast %get3A_216 : vector<1x16xf32> to vector<16xf32>
      %get3A_218 = arith.index_cast %add3A_131 : i32 to index
      %get3A_219 = arith.constant 80 : index
      %get3A_220 = tpu.vector_load %arg17[%get3A_218, %get3A_219] {strides = array<i32>} : memref<40x128xf32, #tpu.memory_space<vmem>>, vector<1x16xf32>,
      %get3A_221 = vector.shape_cast %get3A_220 : vector<1x16xf32> to vector<16xf32>
      %add3A_222 = arith.addf %get3A_217, %get3A_221 : vector<16xf32>
      %max3A_223 = arith.constant 0.000000e+00 : f32
      %max3A_224 = vector.broadcast %max3A_223 : f32 to vector<16xf32>
      %max3A_225 = arith.maximumf %add3A_222, %max3A_224 : vector<16xf32>
      %swap3A_226 = arith.index_cast %add3A_131 : i32 to index
      %swap3A_227 = arith.constant 80 : index
      %swap3A_228 = tpu.vector_load %arg21[%swap3A_226, %swap3A_227] {strides = array<i32>} : memref<40x128xf32, #tpu.memory_space<vmem>>, vector<1x16xf32>,
      %swap3A_229 = vector.shape_cast %swap3A_228 : vector<1x16xf32> to vector<16xf32>
      %swap3A_230 = vector.shape_cast %max3A_225 : vector<16xf32> to vector<1x16xf32>
      tpu.vector_store %arg21[%swap3A_226, %swap3A_227], %swap3A_230 {strides = array<i32>} : memref<40x128xf32, #tpu.memory_space<vmem>>, vector<1x16xf32>,
      %get3A_231 = arith.index_cast %add3A_131 : i32 to index
      %get3A_232 = arith.constant 96 : index
      %get3A_233 = tpu.vector_load %arg21[%get3A_231, %get3A_232] {strides = array<i32>} : memref<40x128xf32, #tpu.memory_space<vmem>>, vector<1x16xf32>,
      %get3A_234 = vector.shape_cast %get3A_233 : vector<1x16xf32> to vector<16xf32>
      %get3A_235 = arith.index_cast %add3A_131 : i32 to index
      %get3A_236 = arith.constant 96 : index
      %get3A_237 = tpu.vector_load %arg17[%get3A_235, %get3A_236] {strides = array<i32>} : memref<40x128xf32, #tpu.memory_space<vmem>>, vector<1x16xf32>,
      %get3A_238 = vector.shape_cast %get3A_237 : vector<1x16xf32> to vector<16xf32>
      %add3A_239 = arith.addf %get3A_234, %get3A_238 : vector<16xf32>
      %max3A_240 = arith.constant 0.000000e+00 : f32
      %max3A_241 = vector.broadcast %max3A_240 : f32 to vector<16xf32>
      %max3A_242 = arith.maximumf %add3A_239, %max3A_241 : vector<16xf32>
      %swap3A_243 = arith.index_cast %add3A_131 : i32 to index
      %swap3A_244 = arith.constant 96 : index
      %swap3A_245 = tpu.vector_load %arg21[%swap3A_243, %swap3A_244] {strides = array<i32>} : memref<40x128xf32, #tpu.memory_space<vmem>>, vector<1x16xf32>,
      %swap3A_246 = vector.shape_cast %swap3A_245 : vector<1x16xf32> to vector<16xf32>
      %swap3A_247 = vector.shape_cast %max3A_242 : vector<16xf32> to vector<1x16xf32>
      tpu.vector_store %arg21[%swap3A_243, %swap3A_244], %swap3A_247 {strides = array<i32>} : memref<40x128xf32, #tpu.memory_space<vmem>>, vector<1x16xf32>,
      %get3A_248 = arith.index_cast %add3A_131 : i32 to index
      %get3A_249 = arith.constant 112 : index
      %get3A_250 = tpu.vector_load %arg21[%get3A_248, %get3A_249] {strides = array<i32>} : memref<40x128xf32, #tpu.memory_space<vmem>>, vector<1x16xf32>,
      %get3A_251 = vector.shape_cast %get3A_250 : vector<1x16xf32> to vector<16xf32>
      %get3A_252 = arith.index_cast %add3A_131 : i32 to index
      %get3A_253 = arith.constant 112 : index
      %get3A_254 = tpu.vector_load %arg17[%get3A_252, %get3A_253] {strides = array<i32>} : memref<40x128xf32, #tpu.memory_space<vmem>>, vector<1x16xf32>,
      %get3A_255 = vector.shape_cast %get3A_254 : vector<1x16xf32> to vector<16xf32>
      %add3A_256 = arith.addf %get3A_251, %get3A_255 : vector<16xf32>
      %max3A_257 = arith.constant 0.000000e+00 : f32
      %max3A_258 = vector.broadcast %max3A_257 : f32 to vector<16xf32>
      %max3A_259 = arith.maximumf %add3A_256, %max3A_258 : vector<16xf32>
      %swap3A_260 = arith.index_cast %add3A_131 : i32 to index
      %swap3A_261 = arith.constant 112 : index
      %swap3A_262 = tpu.vector_load %arg21[%swap3A_260, %swap3A_261] {strides = array<i32>} : memref<40x128xf32, #tpu.memory_space<vmem>>, vector<1x16xf32>,
      %swap3A_263 = vector.shape_cast %swap3A_262 : vector<1x16xf32> to vector<16xf32>
      %swap3A_264 = vector.shape_cast %max3A_259 : vector<16xf32> to vector<1x16xf32>
      tpu.vector_store %arg21[%swap3A_260, %swap3A_261], %swap3A_264 {strides = array<i32>} : memref<40x128xf32, #tpu.memory_space<vmem>>, vector<1x16xf32>,
      %mul3A_265 = arith.constant 2 : i32
      %mul3A_266 = arith.muli %mul3A_265, %add3A_127 : i32
      %add3A_267 = arith.constant 1 : i32
      %add3A_268 = arith.addi %mul3A_266, %add3A_267 : i32
      %get3A_269 = arith.index_cast %add3A_268 : i32 to index
      %get3A_270 = arith.constant 0 : index
      %get3A_271 = tpu.vector_load %arg21[%get3A_269, %get3A_270] {strides = array<i32>} : memref<40x128xf32, #tpu.memory_space<vmem>>, vector<1x16xf32>,
      %get3A_272 = vector.shape_cast %get3A_271 : vector<1x16xf32> to vector<16xf32>
      %get3A_273 = arith.index_cast %add3A_268 : i32 to index
      %get3A_274 = arith.constant 0 : index
      %get3A_275 = tpu.vector_load %arg17[%get3A_273, %get3A_274] {strides = array<i32>} : memref<40x128xf32, #tpu.memory_space<vmem>>, vector<1x16xf32>,
      %get3A_276 = vector.shape_cast %get3A_275 : vector<1x16xf32> to vector<16xf32>
      %add3A_277 = arith.addf %get3A_272, %get3A_276 : vector<16xf32>
      %max3A_278 = arith.constant 0.000000e+00 : f32
      %max3A_279 = vector.broadcast %max3A_278 : f32 to vector<16xf32>
      %max3A_280 = arith.maximumf %add3A_277, %max3A_279 : vector<16xf32>
      %swap3A_281 = arith.index_cast %add3A_268 : i32 to index
      %swap3A_282 = arith.constant 0 : index
      %swap3A_283 = tpu.vector_load %arg21[%swap3A_281, %swap3A_282] {strides = array<i32>} : memref<40x128xf32, #tpu.memory_space<vmem>>, vector<1x16xf32>,
      %swap3A_284 = vector.shape_cast %swap3A_283 : vector<1x16xf32> to vector<16xf32>
      %swap3A_285 = vector.shape_cast %max3A_280 : vector<16xf32> to vector<1x16xf32>
      tpu.vector_store %arg21[%swap3A_281, %swap3A_282], %swap3A_285 {strides = array<i32>} : memref<40x128xf32, #tpu.memory_space<vmem>>, vector<1x16xf32>,
      %get3A_286 = arith.index_cast %add3A_268 : i32 to index
      %get3A_287 = arith.constant 16 : index
      %get3A_288 = tpu.vector_load %arg21[%get3A_286, %get3A_287] {strides = array<i32>} : memref<40x128xf32, #tpu.memory_space<vmem>>, vector<1x16xf32>,
      %get3A_289 = vector.shape_cast %get3A_288 : vector<1x16xf32> to vector<16xf32>
      %get3A_290 = arith.index_cast %add3A_268 : i32 to index
      %get3A_291 = arith.constant 16 : index
      %get3A_292 = tpu.vector_load %arg17[%get3A_290, %get3A_291] {strides = array<i32>} : memref<40x128xf32, #tpu.memory_space<vmem>>, vector<1x16xf32>,
      %get3A_293 = vector.shape_cast %get3A_292 : vector<1x16xf32> to vector<16xf32>
      %add3A_294 = arith.addf %get3A_289, %get3A_293 : vector<16xf32>
      %max3A_295 = arith.constant 0.000000e+00 : f32
      %max3A_296 = vector.broadcast %max3A_295 : f32 to vector<16xf32>
      %max3A_297 = arith.maximumf %add3A_294, %max3A_296 : vector<16xf32>
      %swap3A_298 = arith.index_cast %add3A_268 : i32 to index
      %swap3A_299 = arith.constant 16 : index
      %swap3A_300 = tpu.vector_load %arg21[%swap3A_298, %swap3A_299] {strides = array<i32>} : memref<40x128xf32, #tpu.memory_space<vmem>>, vector<1x16xf32>,
      %swap3A_301 = vector.shape_cast %swap3A_300 : vector<1x16xf32> to vector<16xf32>
      %swap3A_302 = vector.shape_cast %max3A_297 : vector<16xf32> to vector<1x16xf32>
      tpu.vector_store %arg21[%swap3A_298, %swap3A_299], %swap3A_302 {strides = array<i32>} : memref<40x128xf32, #tpu.memory_space<vmem>>, vector<1x16xf32>,
      %get3A_303 = arith.index_cast %add3A_268 : i32 to index
      %get3A_304 = arith.constant 32 : index
      %get3A_305 = tpu.vector_load %arg21[%get3A_303, %get3A_304] {strides = array<i32>} : memref<40x128xf32, #tpu.memory_space<vmem>>, vector<1x16xf32>,
      %get3A_306 = vector.shape_cast %get3A_305 : vector<1x16xf32> to vector<16xf32>
      %get3A_307 = arith.index_cast %add3A_268 : i32 to index
      %get3A_308 = arith.constant 32 : index
      %get3A_309 = tpu.vector_load %arg17[%get3A_307, %get3A_308] {strides = array<i32>} : memref<40x128xf32, #tpu.memory_space<vmem>>, vector<1x16xf32>,
      %get3A_310 = vector.shape_cast %get3A_309 : vector<1x16xf32> to vector<16xf32>
      %add3A_311 = arith.addf %get3A_306, %get3A_310 : vector<16xf32>
      %max3A_312 = arith.constant 0.000000e+00 : f32
      %max3A_313 = vector.broadcast %max3A_312 : f32 to vector<16xf32>
      %max3A_314 = arith.maximumf %add3A_311, %max3A_313 : vector<16xf32>
      %swap3A_315 = arith.index_cast %add3A_268 : i32 to index
      %swap3A_316 = arith.constant 32 : index
      %swap3A_317 = tpu.vector_load %arg21[%swap3A_315, %swap3A_316] {strides = array<i32>} : memref<40x128xf32, #tpu.memory_space<vmem>>, vector<1x16xf32>,
      %swap3A_318 = vector.shape_cast %swap3A_317 : vector<1x16xf32> to vector<16xf32>
      %swap3A_319 = vector.shape_cast %max3A_314 : vector<16xf32> to vector<1x16xf32>
      tpu.vector_store %arg21[%swap3A_315, %swap3A_316], %swap3A_319 {strides = array<i32>} : memref<40x128xf32, #tpu.memory_space<vmem>>, vector<1x16xf32>,
      %get3A_320 = arith.index_cast %add3A_268 : i32 to index
      %get3A_321 = arith.constant 48 : index
      %get3A_322 = tpu.vector_load %arg21[%get3A_320, %get3A_321] {strides = array<i32>} : memref<40x128xf32, #tpu.memory_space<vmem>>, vector<1x16xf32>,
      %get3A_323 = vector.shape_cast %get3A_322 : vector<1x16xf32> to vector<16xf32>
      %get3A_324 = arith.index_cast %add3A_268 : i32 to index
      %get3A_325 = arith.constant 48 : index
      %get3A_326 = tpu.vector_load %arg17[%get3A_324, %get3A_325] {strides = array<i32>} : memref<40x128xf32, #tpu.memory_space<vmem>>, vector<1x16xf32>,
      %get3A_327 = vector.shape_cast %get3A_326 : vector<1x16xf32> to vector<16xf32>
      %add3A_328 = arith.addf %get3A_323, %get3A_327 : vector<16xf32>
      %max3A_329 = arith.constant 0.000000e+00 : f32
      %max3A_330 = vector.broadcast %max3A_329 : f32 to vector<16xf32>
      %max3A_331 = arith.maximumf %add3A_328, %max3A_330 : vector<16xf32>
      %swap3A_332 = arith.index_cast %add3A_268 : i32 to index
      %swap3A_333 = arith.constant 48 : index
      %swap3A_334 = tpu.vector_load %arg21[%swap3A_332, %swap3A_333] {strides = array<i32>} : memref<40x128xf32, #tpu.memory_space<vmem>>, vector<1x16xf32>,
      %swap3A_335 = vector.shape_cast %swap3A_334 : vector<1x16xf32> to vector<16xf32>
      %swap3A_336 = vector.shape_cast %max3A_331 : vector<16xf32> to vector<1x16xf32>
      tpu.vector_store %arg21[%swap3A_332, %swap3A_333], %swap3A_336 {strides = array<i32>} : memref<40x128xf32, #tpu.memory_space<vmem>>, vector<1x16xf32>,
      %get3A_337 = arith.index_cast %add3A_268 : i32 to index
      %get3A_338 = arith.constant 64 : index
      %get3A_339 = tpu.vector_load %arg21[%get3A_337, %get3A_338] {strides = array<i32>} : memref<40x128xf32, #tpu.memory_space<vmem>>, vector<1x16xf32>,
      %get3A_340 = vector.shape_cast %get3A_339 : vector<1x16xf32> to vector<16xf32>
      %get3A_341 = arith.index_cast %add3A_268 : i32 to index
      %get3A_342 = arith.constant 64 : index
      %get3A_343 = tpu.vector_load %arg17[%get3A_341, %get3A_342] {strides = array<i32>} : memref<40x128xf32, #tpu.memory_space<vmem>>, vector<1x16xf32>,
      %get3A_344 = vector.shape_cast %get3A_343 : vector<1x16xf32> to vector<16xf32>
      %add3A_345 = arith.addf %get3A_340, %get3A_344 : vector<16xf32>
      %max3A_346 = arith.constant 0.000000e+00 : f32
      %max3A_347 = vector.broadcast %max3A_346 : f32 to vector<16xf32>
      %max3A_348 = arith.maximumf %add3A_345, %max3A_347 : vector<16xf32>
      %swap3A_349 = arith.index_cast %add3A_268 : i32 to index
      %swap3A_350 = arith.constant 64 : index
      %swap3A_351 = tpu.vector_load %arg21[%swap3A_349, %swap3A_350] {strides = array<i32>} : memref<40x128xf32, #tpu.memory_space<vmem>>, vector<1x16xf32>,
      %swap3A_352 = vector.shape_cast %swap3A_351 : vector<1x16xf32> to vector<16xf32>
      %swap3A_353 = vector.shape_cast %max3A_348 : vector<16xf32> to vector<1x16xf32>
      tpu.vector_store %arg21[%swap3A_349, %swap3A_350], %swap3A_353 {strides = array<i32>} : memref<40x128xf32, #tpu.memory_space<vmem>>, vector<1x16xf32>,
      %get3A_354 = arith.index_cast %add3A_268 : i32 to index
      %get3A_355 = arith.constant 80 : index
      %get3A_356 = tpu.vector_load %arg21[%get3A_354, %get3A_355] {strides = array<i32>} : memref<40x128xf32, #tpu.memory_space<vmem>>, vector<1x16xf32>,
      %get3A_357 = vector.shape_cast %get3A_356 : vector<1x16xf32> to vector<16xf32>
      %get3A_358 = arith.index_cast %add3A_268 : i32 to index
      %get3A_359 = arith.constant 80 : index
      %get3A_360 = tpu.vector_load %arg17[%get3A_358, %get3A_359] {strides = array<i32>} : memref<40x128xf32, #tpu.memory_space<vmem>>, vector<1x16xf32>,
      %get3A_361 = vector.shape_cast %get3A_360 : vector<1x16xf32> to vector<16xf32>
      %add3A_362 = arith.addf %get3A_357, %get3A_361 : vector<16xf32>
      %max3A_363 = arith.constant 0.000000e+00 : f32
      %max3A_364 = vector.broadcast %max3A_363 : f32 to vector<16xf32>
      %max3A_365 = arith.maximumf %add3A_362, %max3A_364 : vector<16xf32>
      %swap3A_366 = arith.index_cast %add3A_268 : i32 to index
      %swap3A_367 = arith.constant 80 : index
      %swap3A_368 = tpu.vector_load %arg21[%swap3A_366, %swap3A_367] {strides = array<i32>} : memref<40x128xf32, #tpu.memory_space<vmem>>, vector<1x16xf32>,
      %swap3A_369 = vector.shape_cast %swap3A_368 : vector<1x16xf32> to vector<16xf32>
      %swap3A_370 = vector.shape_cast %max3A_365 : vector<16xf32> to vector<1x16xf32>
      tpu.vector_store %arg21[%swap3A_366, %swap3A_367], %swap3A_370 {strides = array<i32>} : memref<40x128xf32, #tpu.memory_space<vmem>>, vector<1x16xf32>,
      %get3A_371 = arith.index_cast %add3A_268 : i32 to index
      %get3A_372 = arith.constant 96 : index
      %get3A_373 = tpu.vector_load %arg21[%get3A_371, %get3A_372] {strides = array<i32>} : memref<40x128xf32, #tpu.memory_space<vmem>>, vector<1x16xf32>,
      %get3A_374 = vector.shape_cast %get3A_373 : vector<1x16xf32> to vector<16xf32>
      %get3A_375 = arith.index_cast %add3A_268 : i32 to index
      %get3A_376 = arith.constant 96 : index
      %get3A_377 = tpu.vector_load %arg17[%get3A_375, %get3A_376] {strides = array<i32>} : memref<40x128xf32, #tpu.memory_space<vmem>>, vector<1x16xf32>,
      %get3A_378 = vector.shape_cast %get3A_377 : vector<1x16xf32> to vector<16xf32>
      %add3A_379 = arith.addf %get3A_374, %get3A_378 : vector<16xf32>
      %max3A_380 = arith.constant 0.000000e+00 : f32
      %max3A_381 = vector.broadcast %max3A_380 : f32 to vector<16xf32>
      %max3A_382 = arith.maximumf %add3A_379, %max3A_381 : vector<16xf32>
      %swap3A_383 = arith.index_cast %add3A_268 : i32 to index
      %swap3A_384 = arith.constant 96 : index
      %swap3A_385 = tpu.vector_load %arg21[%swap3A_383, %swap3A_384] {strides = array<i32>} : memref<40x128xf32, #tpu.memory_space<vmem>>, vector<1x16xf32>,
      %swap3A_386 = vector.shape_cast %swap3A_385 : vector<1x16xf32> to vector<16xf32>
      %swap3A_387 = vector.shape_cast %max3A_382 : vector<16xf32> to vector<1x16xf32>
      tpu.vector_store %arg21[%swap3A_383, %swap3A_384], %swap3A_387 {strides = array<i32>} : memref<40x128xf32, #tpu.memory_space<vmem>>, vector<1x16xf32>,
      %get3A_388 = arith.index_cast %add3A_268 : i32 to index
      %get3A_389 = arith.constant 112 : index
      %get3A_390 = tpu.vector_load %arg21[%get3A_388, %get3A_389] {strides = array<i32>} : memref<40x128xf32, #tpu.memory_space<vmem>>, vector<1x16xf32>,
      %get3A_391 = vector.shape_cast %get3A_390 : vector<1x16xf32> to vector<16xf32>
      %get3A_392 = arith.index_cast %add3A_268 : i32 to index
      %get3A_393 = arith.constant 112 : index
      %get3A_394 = tpu.vector_load %arg17[%get3A_392, %get3A_393] {strides = array<i32>} : memref<40x128xf32, #tpu.memory_space<vmem>>, vector<1x16xf32>,
      %get3A_395 = vector.shape_cast %get3A_394 : vector<1x16xf32> to vector<16xf32>
      %add3A_396 = arith.addf %get3A_391, %get3A_395 : vector<16xf32>
      %max3A_397 = arith.constant 0.000000e+00 : f32
      %max3A_398 = vector.broadcast %max3A_397 : f32 to vector<16xf32>
      %max3A_399 = arith.maximumf %add3A_396, %max3A_398 : vector<16xf32>
      %swap3A_400 = arith.index_cast %add3A_268 : i32 to index
      %swap3A_401 = arith.constant 112 : index
      %swap3A_402 = tpu.vector_load %arg21[%swap3A_400, %swap3A_401] {strides = array<i32>} : memref<40x128xf32, #tpu.memory_space<vmem>>, vector<1x16xf32>,
      %swap3A_403 = vector.shape_cast %swap3A_402 : vector<1x16xf32> to vector<16xf32>
      %swap3A_404 = vector.shape_cast %max3A_399 : vector<16xf32> to vector<1x16xf32>
      tpu.vector_store %arg21[%swap3A_400, %swap3A_401], %swap3A_404 {strides = array<i32>} : memref<40x128xf32, #tpu.memory_space<vmem>>, vector<1x16xf32>,
    }
    %scan3A_103 = arith.constant 20 : i32
    %dma_start3A_104 = arith.constant 0 : i32
    %dma_start3A_105 = arith.constant 0 : i32
    %dma_start3A_106 = tpu.memref_slice %arg24[%dma_start3A_104, %dma_start3A_105] : memref<10000x128xf32, #tpu.memory_space<vmem_shared>> -> memref<10000x128xf32, #tpu.memory_space<vmem_shared>>
    tpu.enqueue_indirect_dma source(%arg21 : memref<40x128xf32, #tpu.memory_space<vmem>>) target(%dma_start3A_106 : memref<10000x128xf32, #tpu.memory_space<vmem_shared>>) offsets(%arg13 : memref<40xi32, #tpu.memory_space<vmem>>) semaphore(%arg30 : memref<!tpu.dma_semaphore, #tpu.memory_space<semaphore_mem>>) {add = true}
    %dma_wait3A_107 = arith.constant 0 : i32
    %dma_wait3A_108 = arith.constant 0 : i32
    %dma_wait3A_109 = tpu.memref_slice %arg24[%dma_wait3A_107, %dma_wait3A_108] : memref<10000x128xf32, #tpu.memory_space<vmem_shared>> -> memref<10000x128xf32, #tpu.memory_space<vmem_shared>>
    tpu.wait_indirect_dma semaphore(%arg29 : memref<!tpu.dma_semaphore, #tpu.memory_space<semaphore_mem>>) src(%arg20 : memref<40x128xf32, #tpu.memory_space<vmem>>) dst(%dma_wait3A_109 : memref<10000x128xf32, #tpu.memory_space<vmem_shared>>)
    %dma_wait3A_110 = arith.constant 0 : i32
    %dma_wait3A_111 = arith.constant 0 : i32
    %dma_wait3A_112 = tpu.memref_slice %arg24[%dma_wait3A_110, %dma_wait3A_111] : memref<10000x128xf32, #tpu.memory_space<vmem_shared>> -> memref<10000x128xf32, #tpu.memory_space<vmem_shared>>
    tpu.wait_indirect_dma semaphore(%arg30 : memref<!tpu.dma_semaphore, #tpu.memory_space<semaphore_mem>>) src(%arg21 : memref<40x128xf32, #tpu.memory_space<vmem>>) dst(%dma_wait3A_112 : memref<10000x128xf32, #tpu.memory_space<vmem_shared>>)
    %barrier3A_113 = arith.constant 0 : index
    tpu.barrier barrier_id(%barrier3A_113)
    %mul3A_114 = arith.constant 624 : i32
    %mul3A_115 = arith.muli %arg1, %mul3A_114 : i32
    %mul3A_116 = arith.constant 624 : i32
    %mul3A_117 = arith.muli %arg1, %mul3A_116 : i32
    "tpu.region"() ({
      %run_scoped3A = tpu.sem_alloc : memref<!tpu.dma_semaphore, #tpu.memory_space<semaphore_mem>>
      %dma_start3A_123 = arith.constant 0 : i32
      %dma_start3A_124 = arith.constant 0 : i32
      %dma_start3A_125 = tpu.memref_slice %arg7[%arg0, %dma_start3A_123, %dma_start3A_124] : memref<2x10000x128xf32, #tpu.memory_space<hbm>> -> memref<1x10000x128xf32, #tpu.memory_space<hbm>>
      %dma_start3A_126 = tpu.memref_squeeze %dma_start3A_125 : memref<1x10000x128xf32, #tpu.memory_space<hbm>> -> memref<10000x128xf32, #tpu.memory_space<hbm>>
      %dma_start3A_127 = arith.constant 0 : i32
      %dma_start3A_128 = tpu.memref_slice %dma_start3A_126[%mul3A_117, %dma_start3A_127] : memref<10000x128xf32, #tpu.memory_space<hbm>> -> memref<624x128xf32, #tpu.memory_space<hbm>>
      %dma_start3A_129 = arith.constant 0 : i32
      %dma_start3A_130 = tpu.memref_slice %arg24[%mul3A_115, %dma_start3A_129] : memref<10000x128xf32, #tpu.memory_space<vmem_shared>> -> memref<624x128xf32, #tpu.memory_space<vmem_shared>>
      tpu.enqueue_dma source(%dma_start3A_130 : memref<624x128xf32, #tpu.memory_space<vmem_shared>>) target(%dma_start3A_128 : memref<624x128xf32, #tpu.memory_space<hbm>>) target_semaphore(%run_scoped3A : memref<!tpu.dma_semaphore, #tpu.memory_space<semaphore_mem>>)
      %dma_wait3A_131 = arith.constant 0 : i32
      %dma_wait3A_132 = arith.constant 0 : i32
      %dma_wait3A_133 = tpu.memref_slice %arg7[%arg0, %dma_wait3A_131, %dma_wait3A_132] : memref<2x10000x128xf32, #tpu.memory_space<hbm>> -> memref<1x10000x128xf32, #tpu.memory_space<hbm>>
      %dma_wait3A_134 = tpu.memref_squeeze %dma_wait3A_133 : memref<1x10000x128xf32, #tpu.memory_space<hbm>> -> memref<10000x128xf32, #tpu.memory_space<hbm>>
      %dma_wait3A_135 = arith.constant 0 : i32
      %dma_wait3A_136 = tpu.memref_slice %dma_wait3A_134[%mul3A_117, %dma_wait3A_135] : memref<10000x128xf32, #tpu.memory_space<hbm>> -> memref<624x128xf32, #tpu.memory_space<hbm>>
      %dma_wait3A_137 = arith.constant 0 : i32
      %dma_wait3A_138 = tpu.memref_slice %arg24[%mul3A_115, %dma_wait3A_137] : memref<10000x128xf32, #tpu.memory_space<vmem_shared>> -> memref<624x128xf32, #tpu.memory_space<vmem_shared>>
      tpu.wait_dma2 semaphore(%run_scoped3A : memref<!tpu.dma_semaphore, #tpu.memory_space<semaphore_mem>>) src(%dma_wait3A_138 : memref<624x128xf32, #tpu.memory_space<vmem_shared>>) dst(%dma_wait3A_136 : memref<624x128xf32, #tpu.memory_space<hbm>>)
      tpu.yield
    }) : () -> ()
    %eq3A_118 = arith.constant 0 : i32
    %eq3A_119 = arith.cmpi eq, %arg1, %eq3A_118 : i32
    %convert_element_type3A_120 = arith.extui %eq3A_119 : i1 to i32
    %cond3A_121 = arith.constant 0 : i32
    %cond3A_122 = arith.cmpi ne, %convert_element_type3A_120, %cond3A_121 : i32
    scf.if %cond3A_122 {
      "tpu.region"() ({
        %run_scoped3A = tpu.sem_alloc : memref<!tpu.dma_semaphore, #tpu.memory_space<semaphore_mem>>
        %dma_start3A_123 = arith.constant 0 : i32
        %dma_start3A_124 = arith.constant 0 : i32
        %dma_start3A_125 = tpu.memref_slice %arg7[%arg0, %dma_start3A_123, %dma_start3A_124] : memref<2x10000x128xf32, #tpu.memory_space<hbm>> -> memref<1x10000x128xf32, #tpu.memory_space<hbm>>
        %dma_start3A_126 = tpu.memref_squeeze %dma_start3A_125 : memref<1x10000x128xf32, #tpu.memory_space<hbm>> -> memref<10000x128xf32, #tpu.memory_space<hbm>>
        %dma_start3A_127 = arith.constant 9984 : i32
        %dma_start3A_128 = arith.constant 0 : i32
        %dma_start3A_129 = tpu.memref_slice %dma_start3A_126[%dma_start3A_127, %dma_start3A_128] : memref<10000x128xf32, #tpu.memory_space<hbm>> -> memref<16x128xf32, #tpu.memory_space<hbm>>
        %dma_start3A_130 = arith.constant 9984 : i32
        %dma_start3A_131 = arith.constant 0 : i32
        %dma_start3A_132 = tpu.memref_slice %arg24[%dma_start3A_130, %dma_start3A_131] : memref<10000x128xf32, #tpu.memory_space<vmem_shared>> -> memref<16x128xf32, #tpu.memory_space<vmem_shared>>
        tpu.enqueue_dma source(%dma_start3A_132 : memref<16x128xf32, #tpu.memory_space<vmem_shared>>) target(%dma_start3A_129 : memref<16x128xf32, #tpu.memory_space<hbm>>) target_semaphore(%run_scoped3A : memref<!tpu.dma_semaphore, #tpu.memory_space<semaphore_mem>>)
        %dma_wait3A_133 = arith.constant 0 : i32
        %dma_wait3A_134 = arith.constant 0 : i32
        %dma_wait3A_135 = tpu.memref_slice %arg7[%arg0, %dma_wait3A_133, %dma_wait3A_134] : memref<2x10000x128xf32, #tpu.memory_space<hbm>> -> memref<1x10000x128xf32, #tpu.memory_space<hbm>>
        %dma_wait3A_136 = tpu.memref_squeeze %dma_wait3A_135 : memref<1x10000x128xf32, #tpu.memory_space<hbm>> -> memref<10000x128xf32, #tpu.memory_space<hbm>>
        %dma_wait3A_137 = arith.constant 9984 : i32
        %dma_wait3A_138 = arith.constant 0 : i32
        %dma_wait3A_139 = tpu.memref_slice %dma_wait3A_136[%dma_wait3A_137, %dma_wait3A_138] : memref<10000x128xf32, #tpu.memory_space<hbm>> -> memref<16x128xf32, #tpu.memory_space<hbm>>
        %dma_wait3A_140 = arith.constant 9984 : i32
        %dma_wait3A_141 = arith.constant 0 : i32
        %dma_wait3A_142 = tpu.memref_slice %arg24[%dma_wait3A_140, %dma_wait3A_141] : memref<10000x128xf32, #tpu.memory_space<vmem_shared>> -> memref<16x128xf32, #tpu.memory_space<vmem_shared>>
        tpu.wait_dma2 semaphore(%run_scoped3A : memref<!tpu.dma_semaphore, #tpu.memory_space<semaphore_mem>>) src(%dma_wait3A_142 : memref<16x128xf32, #tpu.memory_space<vmem_shared>>) dst(%dma_wait3A_139 : memref<16x128xf32, #tpu.memory_space<hbm>>)
        tpu.yield
      }) : () -> ()
    } else {
    }
    return
  }
}

module attributes {stable_mosaic.version = 14 : i64} {
  func.func @_mlp_body(%arg0: memref<10000x128xf32, #tpu.memory_space<vmem>>, %arg1: memref<2x10000x128xf32, #tpu.memory_space<vmem>>, %arg2: memref<1x1xf32, #tpu.memory_space<vmem>>, %arg3: memref<128x256xf32, #tpu.memory_space<vmem>>, %arg4: memref<1x256xf32, #tpu.memory_space<vmem>>, %arg5: memref<1x256xf32, #tpu.memory_space<vmem>>, %arg6: memref<1x256xf32, #tpu.memory_space<vmem>>, %arg7: memref<256x128xf32, #tpu.memory_space<vmem>>, %arg8: memref<1x128xf32, #tpu.memory_space<vmem>>, %arg9: memref<1x128xf32, #tpu.memory_space<vmem>>, %arg10: memref<1x128xf32, #tpu.memory_space<vmem>>, %arg11: memref<10000x128xf32, #tpu.memory_space<vmem>>) attributes {dimension_semantics = [], scalar_prefetch = 0 : i64, scratch_operands = 0 : i64, tpu.core_type = #tpu.core_type<tc>} {
    %get3A = arith.constant 0 : index
    %get3A_0 = arith.constant 0 : index
    %get3A_1 = vector.load %arg2[%get3A, %get3A_0] : memref<1x1xf32, #tpu.memory_space<vmem>>, vector<1x1xf32>
    %get3A_2 = vector.extract %get3A_1[0, 0] : f32 from vector<1x1xf32>
    %add3A = arith.constant 1.000000e+00 : f32
    %add3A_3 = arith.addf %add3A, %get3A_2 : f32
    %get3A_4 = arith.constant 0 : index
    %get3A_5 = arith.constant 0 : index
    %get3A_6 = vector.load %arg0[%get3A_4, %get3A_5] : memref<10000x128xf32, #tpu.memory_space<vmem>>, vector<10000x128xf32>
    %mul3A = vector.broadcast %add3A_3 : f32 to vector<10000x128xf32>
    %mul3A_7 = arith.mulf %mul3A, %get3A_6 : vector<10000x128xf32>
    %get3A_8 = arith.constant 0 : index
    %get3A_9 = arith.constant 0 : index
    %get3A_10 = arith.constant 0 : index
    %get3A_11 = vector.load %arg1[%get3A_8, %get3A_9, %get3A_10] : memref<2x10000x128xf32, #tpu.memory_space<vmem>>, vector<1x10000x128xf32>
    %get3A_12 = vector.shape_cast %get3A_11 : vector<1x10000x128xf32> to vector<10000x128xf32>
    %add3A_13 = arith.addf %mul3A_7, %get3A_12 : vector<10000x128xf32>
    %get3A_14 = arith.constant 1 : index
    %get3A_15 = arith.constant 0 : index
    %get3A_16 = arith.constant 0 : index
    %get3A_17 = vector.load %arg1[%get3A_14, %get3A_15, %get3A_16] : memref<2x10000x128xf32, #tpu.memory_space<vmem>>, vector<1x10000x128xf32>
    %get3A_18 = vector.shape_cast %get3A_17 : vector<1x10000x128xf32> to vector<10000x128xf32>
    %add3A_19 = arith.addf %add3A_13, %get3A_18 : vector<10000x128xf32>
    %get3A_20 = arith.constant 0 : index
    %get3A_21 = arith.constant 0 : index
    %get3A_22 = vector.load %arg3[%get3A_20, %get3A_21] : memref<128x256xf32, #tpu.memory_space<vmem>>, vector<128x256xf32>
    %dot_general3A = arith.constant dense<0.000000e+00> : vector<10000x256xf32>
    %dot_general3A_23 = tpu.matmul %add3A_19, %get3A_22, %dot_general3A {dimension_numbers = #tpu.dot_dimension_numbers<[1], [0], [0], [1], [0, 0, 1, 1], [], []>, transpose_lhs_hint = false} : vector<10000x128xf32>, vector<128x256xf32>, vector<10000x256xf32> -> vector<10000x256xf32>
    %get3A_24 = arith.constant 0 : index
    %get3A_25 = arith.constant 0 : index
    %get3A_26 = vector.load %arg4[%get3A_24, %get3A_25] : memref<1x256xf32, #tpu.memory_space<vmem>>, vector<1x256xf32>
    %add3A_27 = vector.broadcast %get3A_26 : vector<1x256xf32> to vector<10000x256xf32>
    %add3A_28 = arith.addf %dot_general3A_23, %add3A_27 : vector<10000x256xf32>
    %reduce_sum3A = arith.constant dense<0.000000e+00> : vector<256xf32>
    %reduce_sum3A_29 = vector.multi_reduction <add>, %add3A_28, %reduce_sum3A [0] : vector<10000x256xf32> to vector<256xf32>
    %broadcast_in_dim3A = vector.shape_cast %reduce_sum3A_29 : vector<256xf32> to vector<1x256xf32>
    %div3A = arith.constant 1.000000e+04 : f32
    %div3A_30 = vector.broadcast %div3A : f32 to vector<1x256xf32>
    %div3A_31 = arith.divf %broadcast_in_dim3A, %div3A_30 : vector<1x256xf32>
    %sub3A = vector.broadcast %div3A_31 : vector<1x256xf32> to vector<10000x256xf32>
    %sub3A_32 = arith.subf %add3A_28, %sub3A : vector<10000x256xf32>
    %integer_pow3A = arith.mulf %sub3A_32, %sub3A_32 : vector<10000x256xf32>
    %reduce_sum3A_33 = arith.constant dense<0.000000e+00> : vector<256xf32>
    %reduce_sum3A_34 = vector.multi_reduction <add>, %integer_pow3A, %reduce_sum3A_33 [0] : vector<10000x256xf32> to vector<256xf32>
    %broadcast_in_dim3A_35 = vector.shape_cast %reduce_sum3A_34 : vector<256xf32> to vector<1x256xf32>
    %div3A_36 = arith.constant 1.000000e+04 : f32
    %div3A_37 = vector.broadcast %div3A_36 : f32 to vector<1x256xf32>
    %div3A_38 = arith.divf %broadcast_in_dim3A_35, %div3A_37 : vector<1x256xf32>
    %sub3A_39 = vector.broadcast %div3A_31 : vector<1x256xf32> to vector<10000x256xf32>
    %sub3A_40 = arith.subf %add3A_28, %sub3A_39 : vector<10000x256xf32>
    %add3A_41 = arith.constant 9.99999974E-6 : f32
    %add3A_42 = vector.broadcast %add3A_41 : f32 to vector<1x256xf32>
    %add3A_43 = arith.addf %div3A_38, %add3A_42 : vector<1x256xf32>
    %sqrt3A = math.sqrt %add3A_43 : vector<1x256xf32>
    %div3A_44 = vector.broadcast %sqrt3A : vector<1x256xf32> to vector<10000x256xf32>
    %div3A_45 = arith.divf %sub3A_40, %div3A_44 : vector<10000x256xf32>
    %get3A_46 = arith.constant 0 : index
    %get3A_47 = arith.constant 0 : index
    %get3A_48 = vector.load %arg5[%get3A_46, %get3A_47] : memref<1x256xf32, #tpu.memory_space<vmem>>, vector<1x256xf32>
    %mul3A_49 = vector.broadcast %get3A_48 : vector<1x256xf32> to vector<10000x256xf32>
    %mul3A_50 = arith.mulf %div3A_45, %mul3A_49 : vector<10000x256xf32>
    %get3A_51 = arith.constant 0 : index
    %get3A_52 = arith.constant 0 : index
    %get3A_53 = vector.load %arg6[%get3A_51, %get3A_52] : memref<1x256xf32, #tpu.memory_space<vmem>>, vector<1x256xf32>
    %add3A_54 = vector.broadcast %get3A_53 : vector<1x256xf32> to vector<10000x256xf32>
    %add3A_55 = arith.addf %mul3A_50, %add3A_54 : vector<10000x256xf32>
    %max3A = arith.constant 0.000000e+00 : f32
    %max3A_56 = vector.broadcast %max3A : f32 to vector<10000x256xf32>
    %max3A_57 = arith.maximumf %add3A_55, %max3A_56 : vector<10000x256xf32>
    %get3A_58 = arith.constant 0 : index
    %get3A_59 = arith.constant 0 : index
    %get3A_60 = vector.load %arg7[%get3A_58, %get3A_59] : memref<256x128xf32, #tpu.memory_space<vmem>>, vector<256x128xf32>
    %dot_general3A_61 = arith.constant dense<0.000000e+00> : vector<10000x128xf32>
    %dot_general3A_62 = tpu.matmul %max3A_57, %get3A_60, %dot_general3A_61 {dimension_numbers = #tpu.dot_dimension_numbers<[1], [0], [0], [1], [0, 0, 1, 1], [], []>, transpose_lhs_hint = false} : vector<10000x256xf32>, vector<256x128xf32>, vector<10000x128xf32> -> vector<10000x128xf32>
    %get3A_63 = arith.constant 0 : index
    %get3A_64 = arith.constant 0 : index
    %get3A_65 = vector.load %arg8[%get3A_63, %get3A_64] : memref<1x128xf32, #tpu.memory_space<vmem>>, vector<1x128xf32>
    %add3A_66 = vector.broadcast %get3A_65 : vector<1x128xf32> to vector<10000x128xf32>
    %add3A_67 = arith.addf %dot_general3A_62, %add3A_66 : vector<10000x128xf32>
    %reduce_sum3A_68 = arith.constant dense<0.000000e+00> : vector<128xf32>
    %reduce_sum3A_69 = vector.multi_reduction <add>, %add3A_67, %reduce_sum3A_68 [0] : vector<10000x128xf32> to vector<128xf32>
    %broadcast_in_dim3A_70 = vector.shape_cast %reduce_sum3A_69 : vector<128xf32> to vector<1x128xf32>
    %div3A_71 = arith.constant 1.000000e+04 : f32
    %div3A_72 = vector.broadcast %div3A_71 : f32 to vector<1x128xf32>
    %div3A_73 = arith.divf %broadcast_in_dim3A_70, %div3A_72 : vector<1x128xf32>
    %sub3A_74 = vector.broadcast %div3A_73 : vector<1x128xf32> to vector<10000x128xf32>
    %sub3A_75 = arith.subf %add3A_67, %sub3A_74 : vector<10000x128xf32>
    %integer_pow3A_76 = arith.mulf %sub3A_75, %sub3A_75 : vector<10000x128xf32>
    %reduce_sum3A_77 = arith.constant dense<0.000000e+00> : vector<128xf32>
    %reduce_sum3A_78 = vector.multi_reduction <add>, %integer_pow3A_76, %reduce_sum3A_77 [0] : vector<10000x128xf32> to vector<128xf32>
    %broadcast_in_dim3A_79 = vector.shape_cast %reduce_sum3A_78 : vector<128xf32> to vector<1x128xf32>
    %div3A_80 = arith.constant 1.000000e+04 : f32
    %div3A_81 = vector.broadcast %div3A_80 : f32 to vector<1x128xf32>
    %div3A_82 = arith.divf %broadcast_in_dim3A_79, %div3A_81 : vector<1x128xf32>
    %sub3A_83 = vector.broadcast %div3A_73 : vector<1x128xf32> to vector<10000x128xf32>
    %sub3A_84 = arith.subf %add3A_67, %sub3A_83 : vector<10000x128xf32>
    %add3A_85 = arith.constant 9.99999974E-6 : f32
    %add3A_86 = vector.broadcast %add3A_85 : f32 to vector<1x128xf32>
    %add3A_87 = arith.addf %div3A_82, %add3A_86 : vector<1x128xf32>
    %sqrt3A_88 = math.sqrt %add3A_87 : vector<1x128xf32>
    %div3A_89 = vector.broadcast %sqrt3A_88 : vector<1x128xf32> to vector<10000x128xf32>
    %div3A_90 = arith.divf %sub3A_84, %div3A_89 : vector<10000x128xf32>
    %get3A_91 = arith.constant 0 : index
    %get3A_92 = arith.constant 0 : index
    %get3A_93 = vector.load %arg9[%get3A_91, %get3A_92] : memref<1x128xf32, #tpu.memory_space<vmem>>, vector<1x128xf32>
    %mul3A_94 = vector.broadcast %get3A_93 : vector<1x128xf32> to vector<10000x128xf32>
    %mul3A_95 = arith.mulf %div3A_90, %mul3A_94 : vector<10000x128xf32>
    %get3A_96 = arith.constant 0 : index
    %get3A_97 = arith.constant 0 : index
    %get3A_98 = vector.load %arg10[%get3A_96, %get3A_97] : memref<1x128xf32, #tpu.memory_space<vmem>>, vector<1x128xf32>
    %add3A_99 = vector.broadcast %get3A_98 : vector<1x128xf32> to vector<10000x128xf32>
    %add3A_100 = arith.addf %mul3A_95, %add3A_99 : vector<10000x128xf32>
    %max3A_101 = arith.constant 0.000000e+00 : f32
    %max3A_102 = vector.broadcast %max3A_101 : f32 to vector<10000x128xf32>
    %max3A_103 = arith.maximumf %add3A_100, %max3A_102 : vector<10000x128xf32>
    %swap3A = arith.constant 0 : index
    %swap3A_104 = arith.constant 0 : index
    %swap3A_105 = vector.load %arg11[%swap3A, %swap3A_104] : memref<10000x128xf32, #tpu.memory_space<vmem>>, vector<10000x128xf32>
    tpu.vector_store %arg11[%swap3A, %swap3A_104], %max3A_103 {strides = array<i32>} : memref<10000x128xf32, #tpu.memory_space<vmem>>, vector<10000x128xf32>,
    return
  }
}

module attributes {stable_mosaic.version = 14 : i64} {
  func.func @_ea_body(%arg0: i32, %arg1: memref<16x6400xf32, #tpu.memory_space<vmem>>, %arg2: memref<16x128xf32, #tpu.memory_space<vmem>>, %arg3: memref<1x128xf32, #tpu.memory_space<vmem>>, %arg4: memref<6400x128xf32, #tpu.memory_space<vmem>>) attributes {dimension_semantics = [#tpu.dimension_semantics<arbitrary>], iteration_bounds = array<i64: 50>, scalar_prefetch = 0 : i64, scratch_operands = 0 : i64, tpu.core_type = #tpu.core_type<tc>, window_params = [{transform_indices = @transform_0, window_bounds = array<i64: 16, 6400>}, {pipeline_mode = #tpu.pipeline_mode<synchronous>, transform_indices = @transform_1, window_bounds = array<i64: 16, 128>}, {pipeline_mode = #tpu.pipeline_mode<synchronous>, transform_indices = @transform_2, window_bounds = array<i64: 1, 128>}, {transform_indices = @transform_3, window_bounds = array<i64: 6400, 128>}]} {
    %get3A = arith.constant 0 : index
    %get3A_0 = arith.constant 0 : index
    %get3A_1 = vector.load %arg1[%get3A, %get3A_0] : memref<16x6400xf32, #tpu.memory_space<vmem>>, vector<16x6400xf32>
    %get3A_2 = arith.constant 0 : index
    %get3A_3 = arith.constant 0 : index
    %get3A_4 = vector.load %arg2[%get3A_2, %get3A_3] : memref<16x128xf32, #tpu.memory_space<vmem>>, vector<16x128xf32>
    %dot_general3A = arith.constant dense<0.000000e+00> : vector<6400x128xf32>
    %dot_general3A_5 = tpu.matmul %get3A_1, %get3A_4, %dot_general3A {dimension_numbers = #tpu.dot_dimension_numbers<[0], [0], [1], [1], [0, 1, 1, 1], [], []>, transpose_lhs_hint = false} : vector<16x6400xf32>, vector<16x128xf32>, vector<6400x128xf32> -> vector<6400x128xf32>
    %get3A_6 = arith.constant 0 : index
    %get3A_7 = arith.constant 0 : index
    %get3A_8 = vector.load %arg3[%get3A_6, %get3A_7] : memref<1x128xf32, #tpu.memory_space<vmem>>, vector<1x128xf32>
    %add3A = vector.broadcast %get3A_8 : vector<1x128xf32> to vector<6400x128xf32>
    %add3A_9 = arith.addf %dot_general3A_5, %add3A : vector<6400x128xf32>
    %swap3A = arith.constant 0 : index
    %swap3A_10 = arith.constant 0 : index
    %swap3A_11 = vector.load %arg4[%swap3A, %swap3A_10] : memref<6400x128xf32, #tpu.memory_space<vmem>>, vector<6400x128xf32>
    tpu.vector_store %arg4[%swap3A, %swap3A_10], %add3A_9 {strides = array<i32>} : memref<6400x128xf32, #tpu.memory_space<vmem>>, vector<6400x128xf32>,
    return
  }
  func.func @transform_0(%arg0: i32) -> (i32, i32) {
    %c0_i32 = arith.constant 0 : i32
    %c0_i32_0 = arith.constant 0 : i32
    return %c0_i32, %arg0 : i32, i32
  }
  func.func @transform_1(%arg0: i32) -> (i32, i32) {
    %c0_i32 = arith.constant 0 : i32
    %c0_i32_0 = arith.constant 0 : i32
    %c0_i32_1 = arith.constant 0 : i32
    return %c0_i32, %c0_i32_0 : i32, i32
  }
  func.func @transform_2(%arg0: i32) -> (i32, i32) {
    %c0_i32 = arith.constant 0 : i32
    %c0_i32_0 = arith.constant 0 : i32
    %c0_i32_1 = arith.constant 0 : i32
    return %c0_i32, %c0_i32_0 : i32, i32
  }
  func.func @transform_3(%arg0: i32) -> (i32, i32) {
    %c0_i32 = arith.constant 0 : i32
    %c0_i32_0 = arith.constant 0 : i32
    return %arg0, %c0_i32 : i32, i32
  }
}

</mosaic_0001>

<sc_bundles>
// kernel: kernel.5.cloned.1.call-start
scs
__scs_entry_jumppad:
0x0: {  	(pc) =	sbr.rel $0x88, $3  }
0x1: {  	(tag) =	ssettag $0x0;
	lr =	simm.s32 $0x1  }
0x2: {  	[smem:$0x3F93] =	sst lr;
	_ =	strace $0xD0000000  }
0x3: {  	_ = 	snop  }
0x4: {  	_ = 	snop  }
0x5: {  	_ = 	snop  }
0x6: {  	_ = 	snop  }
0x7: {  	_ = 	snop  }
__scs_overlays_trampoline_lowered:
0x8: {  	[smem:$0x3FA2] =	sst s0  }
0x9: {  	[smem:$0x3FA3] =	sst s1  }
0xa: {  	[smem:$0x3FA4] =	sst s2  }
0xb: {  	[smem:$0x3FA5] =	sst s3  }
0xc: {  	[smem:$0x3FA6] =	sst s4  }
0xd: {  	[smem:$0x3FA7] =	sst s5  }
0xe: {  	[smem:$0x3FA8] =	sst s6  }
0xf: {  	[smem:$0x3FA9] =	sst s7  }
0x10: {  	[smem:$0x3FAA] =	sst s8  }
0x11: {  	[smem:$0x3FAB] =	sst s9;
	s0 =	simm.s32 @!p0 $0x0  }
0x12: {  	s1 =	sld [smem:$0x3F91];
	s0 =	simm.s32 @p0 $0x1  }
0x13: {  	[smem:$0x3FAC] =	sst s0;
	s0 =	simm.s32 @!p1 $0x0  }
0x14: {  	s2 =	sld [smem:$0x3F90];
	s0 =	simm.s32 @p1 $0x1  }
0x15: {  	[smem:$0x3FAD] =	sst s0;
	s0 =	simm.s32 @!p2 $0x0  }
0x16: {  	s3 =	sld [smem:$0x3FDB];
	s0 =	simm.s32 @p2 $0x1  }
0x17: {  	s4 =	simm.s32 $0x1BF5;
	[smem:$0x3FAF] =	sst s0  }
0x18: {  	s0 =	sld [smem:$0x3F92];
	_ =	swait.ge [sflag:s4], $0x0  }
0x19: {  	s7 =	sld [smem:$0x3F93]  }
0x1a: {  	s8 =	sadd.s32 $0xFFFFE003, lr  }
0x1b: {  	s9 =	sadd.s32 $0xFFFFFEF7, lr;
	s5 =	simm.s32 $0xFFFFFFFF;
	p2 =	slt.u32 s8, $0xFFFFF086  }
0x1c: {  	p1 =	slt.u32 s9, $0xF7A;
	s5 =	simm.s32 @!p2 $0x0  }
0x1d: {  	s5 =	simm.s32 @p1 $0x1;
	p0 =	seq.s32 s7, s2  }
0x1e: {  	s7 =	smul.u32 @!p0 $0xF7A, s2;
	p2 =	seq.s32 @!p0 s5, $0x0  }
0x1f: {  	s9 =	smul.u32 $0xF7A, s1;
	s8 =	simm.s32 @!p0 $0x1BF5;
	p2 =	por !p2, p0  }
0x20: {  	[sflag:s8] =	ssyncset.s32 @!p0 $0xFFFFF086;
	s6 =	sadd.s32 @!p0 s3, s7;
	s7 =	simm.s32 @!p0 $0x108  }
0x21: {  	s3 =	sadd.s32 s3, s9;
	s6 =	sadd.s32 @!p0 $0x88, s6;
	s7 =	simm.s32 @p2 $0x1082  }
0x22: {  	[simem:s7], [sflag:s8] =	dma.local @!p0 [hbm:s6], $0xF7A  }
0x23: {  	s9 =	sor.u32 $0xD0000000, s2;
	s6 =	simm.s32 $0x108;
	_ =	swait.ge @!p0 [sflag:s8], $0x0  }
0x24: {  	s3 =	sadd.s32 $0x88, s3;
	s6 =	simm.s32 @!p1 $0x1082;
	[sflag:s4] =	ssyncset.s32 $0xFFFFF086  }
0x25: {  	[simem:s6], [sflag:s4] =	dma.local [hbm:s3], $0xF7A  }
0x26: {  	[smem:$0x3F93] =	sst s1;
	(tag) =	ssettag s2;
	_ =	strace s9  }
0x27: {  	s1 =	sld [smem:$0x3FA3]  }
0x28: {  	s2 =	sld [smem:$0x3FA4]  }
0x29: {  	s4 =	sld [smem:$0x3FA6]  }
0x2a: {  	p0 =	seq.s32 s5, $0x0;
	s5 =	sld [smem:$0x3FA7]  }
0x2b: {  	s6 =	sld [smem:$0x3FA8]  }
0x2c: {  	s7 =	sld [smem:$0x3FA9]  }
0x2d: {  	s3 =	simm.s32 $0x108;
	s8 =	sld [smem:$0x3FAA]  }
0x2e: {  	s3 =	simm.s32 @!p0 $0x1082;
	s9 =	sld [smem:$0x3FAB]  }
0x2f: {  	lr =	sadd.s32 s0, s3;
	s0 =	sld [smem:$0x3FA2]  }
0x30: {  	s3 =	sld [smem:$0x3FA5]  }
0x31: {  	[smem:$0x3FAE] =	sst s10  }
0x32: {  	s10 =	sld [smem:$0x3FAC];
	_ =	sdelay $0x3  }
0x33: {  	p0 =	seq.s32 s10, $0x1;
	s10 =	sld [smem:$0x3FAE];
	_ =	sdelay $0x3  }
0x34: {  	[smem:$0x3FAE] =	sst s10  }
0x35: {  	s10 =	sld [smem:$0x3FAD];
	_ =	sdelay $0x3  }
0x36: {  	p1 =	seq.s32 s10, $0x1;
	s10 =	sld [smem:$0x3FAE];
	_ =	sdelay $0x3  }
0x37: {  	[smem:$0x3FAE] =	sst s10  }
0x38: {  	s10 =	sld [smem:$0x3FAF]  }
0x39: {  	_ = 	snop;
	(pc) =	sbr.ind lr, $3  }
0x3a: {  	_ = 	snop  }
0x3b: {  	_ = 	snop  }
0x3c: {  	p2 =	seq.s32 s10, $0x1;
	s10 =	sld [smem:$0x3FAE]  }
0x3d: {  	_ =	shalt  }
0x3e: {  	_ =	shalt  }
0x3f: {  	_ =	shalt  }
0x40: {  	_ =	shalt  }
0x41: {  	_ =	shalt  }
0x42: {  	_ =	shalt  }
0x43: {  	_ =	shalt  }
0x44: {  	_ =	shalt  }
0x45: {  	_ =	shalt  }
0x46: {  	_ =	shalt  }
0x47: {  	_ =	shalt  }
0x48: {  	_ =	shalt  }
0x49: {  	_ =	shalt  }
0x4a: {  	_ =	shalt  }
0x4b: {  	_ =	shalt  }
0x4c: {  	_ =	shalt  }
0x4d: {  	_ =	shalt  }
0x4e: {  	_ =	shalt  }
0x4f: {  	_ =	shalt  }
0x50: {  	_ =	shalt  }
0x51: {  	_ =	shalt  }
0x52: {  	_ =	shalt  }
0x53: {  	_ =	shalt  }
0x54: {  	_ =	shalt  }
0x55: {  	_ =	shalt  }
0x56: {  	_ =	shalt  }
0x57: {  	_ =	shalt  }
0x58: {  	_ =	shalt  }
0x59: {  	_ =	shalt  }
0x5a: {  	_ =	shalt  }
0x5b: {  	_ =	shalt  }
0x5c: {  	_ =	shalt  }
0x5d: {  	_ =	shalt  }
0x5e: {  	_ =	shalt  }
0x5f: {  	_ =	shalt  }
0x60: {  	_ =	shalt  }
0x61: {  	_ =	shalt  }
0x62: {  	_ =	shalt  }
0x63: {  	_ =	shalt  }
0x64: {  	_ =	shalt  }
0x65: {  	_ =	shalt  }
0x66: {  	_ =	shalt  }
0x67: {  	_ =	shalt  }
0x68: {  	_ =	shalt  }
0x69: {  	_ =	shalt  }
0x6a: {  	_ =	shalt  }
0x6b: {  	_ =	shalt  }
0x6c: {  	_ =	shalt  }
0x6d: {  	_ =	shalt  }
0x6e: {  	_ =	shalt  }
0x6f: {  	_ =	shalt  }
0x70: {  	_ =	shalt  }
0x71: {  	_ =	shalt  }
0x72: {  	_ =	shalt  }
0x73: {  	_ =	shalt  }
0x74: {  	_ =	shalt  }
0x75: {  	_ =	shalt  }
0x76: {  	_ =	shalt  }
0x77: {  	_ =	shalt  }
0x78: {  	_ =	shalt  }
0x79: {  	_ =	shalt  }
0x7a: {  	_ =	shalt  }
0x7b: {  	_ =	shalt  }
0x7c: {  	_ =	shalt  }
0x7d: {  	_ =	shalt  }
0x7e: {  	_ =	shalt  }
0x7f: {  	_ =	shalt  }
0x80: {  	_ =	shalt  }
0x81: {  	_ =	shalt  }
0x82: {  	_ =	shalt  }
0x83: {  	_ =	shalt  }
0x84: {  	_ =	shalt  }
0x85: {  	_ =	shalt  }
0x86: {  	_ =	shalt  }
0x87: {  	_ =	shalt  }
.Lfunc_end0:
.L_simem_size_0:
called_computation_lowered:
.L_overlay_start_0:
0x88: {  	s2 =	sld [smem:$0x3FD9]  }
0x89: {  	s3 =	sld [smem:$0x3FFE];
	_ =	sdelay $0x1  }
0x8a: {  	s1 =	srdreg.scid  }
0x8b: {  	s0 =	sand.u32 $0x1, s1  }
0x8c: {  	s17 =	sshll.u32 s0, $0xA;
	s2 =	sadd.s32 s3, s2  }
0x8d: {  	s2 =	sadd.s32 s2, s17  }
0x8e: {  	[smem:$0x3FBA] =	sst s2  }
0x8f: {  	_ = 	snop  }
0x90: {  	s2 =	sld [smem:$0x3FC9]  }
0x91: {  	s18 =	sld [smem:$0x3FD0];
	(tm) =	ssettm $0x1  }
0x92: {  	s4 =	sld [smem:$0x3FFB];
	_ =	sdelay $0x3  }
0x93: {  	_ =	strace s4  }
0x94: {  	s4 =	sld [smem:$0x3FFC];
	_ =	sdelay $0x3  }
0x95: {  	_ =	strace s4  }
0x96: {  	s4 =	sld [smem:$0x3FFD];
	_ =	sdelay $0x3  }
0x97: {  	_ =	strace s4  }
0x98: {  	_ =	strace $0x8FFFFFFF  }
0x99: {  	s19 =	sld [smem:$0x3FDB];
	_ =	sdelay $0x1  }
0x9a: {  	s5 =	simm.s32 $_scs_section_size  }
0x9b: {  	s6 =	simm.s32 $_size__tile_overlayer_lowered;
	s7 =	simm.s32 $_tile_overlayer_lowered  }
0x9c: {  	s22 =	simm.s32 $0x1BFF;
	s21 =	sshll.u32 s7, $0x1;
	s4 =	sadd.s32 s5, s19  }
0x9d: {  	s8 =	simm.s32 $0x0;
	s20 =	sshll.u32 s6, $0x1;
	s6 =	sadd.s32 s21, s4  }
0x9e: {  	[timem:s8], [sflag:s22] =	dma.local [hbm:s6], s20  }
0x9f: {  	_ =	swait.ge [sflag:s22], s20  }
0xa0: {  	s5 =	ssub.s32 $0x0, s20;
	[sflag:s22] =	ssyncset.done $0x0  }
0xa1: {  	[sflag:s22] =	ssyncadd.s32 s5;
	_ =	sdelay $0x1  }
0xa2: {  	s23 =	simm.s32 $0x1B8B  }
0xa3: {  	_ =	swait.ge [sflag:s23], $0x1  }
0xa4: {  	[sflag:s23] =	ssyncset.done $0x0  }
0xa5: {  	s25 =	simm.s32 $0x1B8E;
	s24 =	sld [smem:$0x3FFE];
	[sflag:s23] =	ssyncadd.s32 $0xFFFFFFFF  }
0xa6: {  	s26 =	simm.s32 $execute0_lowered;
	[smem:$0x3FD2] =	sst s25  }
0xa7: {  	s6 =	sshll.u32 s26, $0x1;
	_ =	strace $0x80000046;
	[dreg:$0x1] =	wrdreg $0xFFFFFFFF  }
0xa8: {  	s28 =	simm.s32 $_size_execute0_lowered;
	s4 =	sadd.s32 s4, s6;
	[dreg:$0x0] =	wrdreg $0x0  }
0xa9: {  	s6 =	sshll.u32 s28, $0x1;
	[dreg:$0x2] =	wrdreg s4  }
0xaa: {  	[dreg:$0x3] =	wrdreg s6  }
0xab: {  	[dreg:$0x4] =	wrdreg $0xC0  }
0xac: {  	_ =	task [dreg:s8], $0x5FFFF  }
0xad: {  	[dreg:$0x1] =	wrdreg $0xFFFFFFFF  }
0xae: {  	[dreg:$0x0] =	wrdreg $0x60  }
0xaf: {  	[dreg:$0x2] =	wrdreg s2  }
0xb0: {  	[dreg:$0x3] =	wrdreg s24  }
0xb1: {  	[dreg:$0x4] =	wrdreg s18  }
0xb2: {  	[dreg:$0x5] =	wrdreg $0xA4000  }
0xb3: {  	[dreg:$0x6] =	wrdreg $0x9  }
0xb4: {  	_ =	task.clear_ibuf [dreg:s8], $0x7FFFF;
	_ =	strace $0x90000046  }
0xb5: {  	s29 =	simm.s32 $0x9;
	_ =	strace $0x80000048  }
0xb6: {  	_ =	swait.ge [sflag:s29], $0x1  }
0xb7: {  	[sflag:s29] =	ssyncadd.s32 $0xFFFFFFFF  }
0xb8: {  	_ =	strace $0x90000048  }
0xb9: {  	_ =	sfence  }
0xba: {  	s30 =	sld [smem:$0x0];
	_ =	sdelay $0x2  }
0xbb: {  	s31 =	sshll.u32 s1, $0xD;
	s1 =	sshrl.u32 s1, $0x2  }
0xbc: {  	s3 =	sand.u32 $0x4000, s31;
	s1 =	sadd.s32 s1, s30  }
0xbd: {  	s0 =	sor.u32 s3, s0;
	s1 =	sshll.u32 s1, $0x11  }
0xbe: {  	s0 =	sor.u32 s1, s0  }
0xbf: {  	s0 =	sadd.s32 $0x8F2B, s0  }
0xc0: {  	[sflag:s0] =	ssyncadd.remote.s32 $0x1  }
0xc1: {  	_ =	sfence.sel $0xFFFF  }
0xc2: {  	[dreg:$0x0] =	wrdreg $0xFFFFFFFF;
	(pc) =	sbr.abs _section_cstart, $3  }
0xc3: {  	[dreg:$0x1] =	wrdreg $0xFFFFFFFF  }
0xc4: {  	_ =	task.clear_ibuf [dreg:s8], $0x2FFFF;
	_ =	strace $0x9FFFFFFF  }
0xc5: {  	(tm) =	ssettm $0x7FFFFFFF  }
tec
execute0_lowered:
.L_overlay_start_1:
0x0: {  	(tag) =	ssettag $0x1  }
0x1: {  	s1 =	rddreg [dreg:$0x0]  }
0x2: {  	s0 =	rddreg [dreg:$0x1]  }
0x3: {  	s2 =	rddreg [dreg:$0x2]  }
0x4: {  	s3 =	rddreg [dreg:$0x3];
	s4 =	simm.s32 $0x0;
	s7 =	srdreg.scid  }
0x5: {  	s8 =	stileid.u32;
	s30 =	simm.s32 $0x80;
	s28 =	simm.s32 $0x8  }
0x6: {  	s29 =	simm.s32 $0x5;
	s31 =	simm.s32 $0x6;
	[smem:$0x7FF] =	sst s4  }
0x7: {  	s5 =	sadd.s32 $0x1600, s0;
	s6 =	sadd.s32 $0xB400, s0;
	s7 =	sand.u32 $0x1, s7  }
0x8: {  	s9 =	sadd.s32 $0x4ED400, s0;
	s10 =	smul.u32 $0x4E000, s8;
	s21 =	sshll.u32 s8, $0x6  }
0x9: {  	p0 =	sne.s32 s8, $0x0;
	_ =	strace $0x80000047;
	[dreg:$0x5] =	wrdreg s9  }
0xa: {  	s20 =	sshll.u32 s7, $0x4;
	s11 =	smul.u32 $0x27100, s7;
	s7 =	ssub.s32 $0x2, s7  }
0xb: {  	s14 =	sor.u32 $0x1C09, s21;
	s9 =	sor.u32 s8, s20;
	s12 =	sshrl.u32 s7, $0x1  }
0xc: {  	s10 =	sshrl.u32 s10, $0x2;
	[dreg:$0x7] =	wrdreg s14;
	s13 =	smul.u32 $0x2710, s9  }
0xd: {  	s0 =	sadd.s32 s11, s0;
	s7 =	ssub.s32 s7, s12;
	s10 =	sadd.s32 s10, s3  }
0xe: {  	s9 =	smul.u32 $0x27100, s9;
	s11 =	simm.s32 $0x28;
	s12 =	simm.s32 $0x5400  }
0xf: {  	[dreg:$0x6] =	wrdreg s10;
	s0 =	sadd.s32 $0x4EFC00, s0;
	s7 =	smax.u32 s7, $0x1  }
0x10: {  	s22 =	sshrl.u32 s13, $0x3;
	s24 =	sadd.s32 $0x28, s13;
	[dreg:$0x16] =	wrdreg s7  }
0x11: {  	s9 =	sadd.s32 s6, s9;
	s15 =	sadd.s32 $0x50, s13;
	[dreg:$0x14] =	wrdreg s0  }
0x12: {  	s21 =	sadd.s32 $0x78, s13;
	s7 =	simm.s32 $0x4;
	[dreg:$0x9] =	wrdreg s9  }
0x13: {  	s23 =	sadd.s32 s5, s22;
	s25 =	sshrl.u32 s24, $0x3;
	[dreg:$0xc] =	wrdreg s15  }
0x14: {  	s10 =	sshll.u32 s24, $0x4;
	s16 =	sadd.s32 s2, s22;
	[dreg:$0x11] =	wrdreg s21  }
0x15: {  	s17 =	sshrl.u32 s15, $0x3;
	s18 =	sshll.u32 s15, $0x4;
	[dreg:$0x8] =	wrdreg s23  }
0x16: {  	s22 =	sadd.s32 $0xA0, s13;
	s24 =	sadd.s32 $0xC8, s13;
	[dreg:$0xd] =	wrdreg s16  }
0x17: {  	s15 =	simm.s32 $0x2;
	s21 =	simm.s32 $0x0;
	[dreg:$0x12] =	wrdreg s22  }
0x18: {  	s26 =	sadd.s32 s5, s25;
	s10 =	sadd.s32 s6, s10;
	[dreg:$0x13] =	wrdreg s24  }
0x19: {  	s9 =	sadd.s32 s2, s25;
	s19 =	sadd.s32 s5, s17;
	[dreg:$0xa] =	wrdreg s26  }
0x1a: {  	s20 =	sadd.s32 s6, s18;
	s23 =	smul.u32 $0x2700, s8;
	[dreg:$0xb] =	wrdreg s10  }
0x1b: {  	s25 =	sadd.s32 $0xF0, s13;
	s8 =	simm.s32 $0x280;
	[dreg:$0xe] =	wrdreg s9  }
0x1c: {  	s16 =	simm.s32 $0x6800;
	s17 =	simm.s32 $0x3;
	[dreg:$0xf] =	wrdreg s19  }
0x1d: {  	s18 =	simm.s32 $0x7;
	s24 =	simm.s32 $0x300;
	[dreg:$0x10] =	wrdreg s20  }
0x1e: {  	s22 =	simm.s32 $0x7C00;
	[dreg:$0x15] =	wrdreg s25;
	s26 =	sadd.s32 $0x138000, s3  }
0x1f: {  	s20 =	simm.s32 $0x9;
	s10 =	simm.s32 $0x1;
	s25 =	simm.s32 $0x180  }
0x20: {  	s9 =	simm.s32 $0x380;
	s0 =	sadd.s32 s23, s0;
	[dreg:$0x18] =	wrdreg s26  }
0x21: {  	s26 =	simm.s32 $0x9000;
	[dreg:$0x17] =	wrdreg s0;
	s0 =	simm.s32 $0x200  }
.LBB2_1:
0x22: {  	[dreg:$0x19] =	wrdreg s21  }
0x23: {  	s13 =	rddreg [dreg:$0x6]  }
0x24: {  	s19 =	sshrl.u32 s13, $0x3;
	s13 =	rddreg [dreg:$0x5]  }
0x25: {  	[dreg:$0x1a] =	wrdreg s19  }
0x26: {  	[spmem:s19], [sflag:s14] =	dma.local [hbm:s13], $0x2700  }
0x27: {  	_ =	swait.ge [sflag:s20], $0x2700  }
0x28: {  	s19 =	rddreg [dreg:$0x18]  }
0x29: {  	[sflag:s20] =	ssyncset.done $0x0;
	s19 =	sshrl.u32 @!p0 s19, $0x3  }
0x2a: {  	[sflag:s20] =	ssyncadd.s32 $0xFFFFD900;
	[dreg:$0x1b] =	wrdreg s19  }
0x2b: {  	[spmem:s19], [sflag:s14] =	dma.local @!p0 [hbm:s13], $0x100  }
0x2c: {  	s13 =	simm.s32 @!p0 $0x9  }
0x2d: {  	_ =	swait.ge @!p0 [sflag:s13], $0x100  }
0x2e: {  	[sflag:s13] =	ssyncset.done @!p0 $0x0  }
0x2f: {  	[sflag:s13] =	ssyncadd.s32 @!p0 $0xFFFFFF00  }
0x30: {  	[bflag:$0x0] =	sbarrier.arrive $0xFFFF  }
0x31: {  	s20 =	rddreg [dreg:$0x8]  }
0x32: {  	[tilespmem:s4], [sflag:$0x1] =	stream.linear.gather [hbm4b:s20+s4], $0x28, $0x38;
	[tilespmem:$0x1DC80] =	vst v63  }
0x33: {  	s23 =	simm.s32 $0x400;
	s21 =	rddreg [dreg:$0x9]  }
0x34: {  	[tilespmem:s23], [sflag:$0x1] =	stream.linear.gather [hbm4b:s21+s4], $0x1400, $0x38;
	[tilespmem:$0x1DC80] =	vst v63  }
0x35: {  	s19 =	rddreg [dreg:$0xa]  }
0x36: {  	[tilespmem:s30], [sflag:$0x2] =	stream.linear.gather [hbm4b:s19+s4], $0x28, $0x38;
	[tilespmem:$0x1DC80] =	vst v63  }
0x37: {  	s20 =	rddreg [dreg:$0xb];
	s21 =	simm.s32 $0x1800  }
0x38: {  	[tilespmem:s21], [sflag:$0x2] =	stream.linear.gather [hbm4b:s20+s4], $0x1400, $0x38;
	[tilespmem:$0x1DC80] =	vst v63  }
0x39: {  	s23 =	rddreg [dreg:$0xd]  }
0x3a: {  	[tilespmem:s0], [sflag:$0x7] =	stream.linear.gather [hbm4b:s23+s4], $0x28, $0x38;
	[tilespmem:$0x1DC80] =	vst v63  }
0x3b: {  	s14 =	rddreg [dreg:$0xe]  }
0x3c: {  	[tilespmem:s8], [sflag:$0x8] =	stream.linear.gather [hbm4b:s14+s4], $0x28, $0x38;
	[tilespmem:$0x1DC80] =	vst v63  }
0x3d: {  	_ =	swait.ge [sflag:s10], $0x28  }
0x3e: {  	[sflag:s10] =	ssyncset.done $0x0  }
0x3f: {  	[sflag:s10] =	ssyncadd.s32 $0xFFFFFFD8  }
0x40: {  	_ =	swait.ge [sflag:s10], $0x1400  }
0x41: {  	[sflag:s10] =	ssyncset.done $0x0  }
0x42: {  	[sflag:s10] =	ssyncadd.s32 $0xFFFFEC00  }
0x43: {  	[tilespmem:s12], [sflag:$0x3] =	stream.indirect.gather [hbm4b:s1+s11], $0x80, s4, s11, $0xb8;
	[tilespmem:$0x1DC80] =	vst v63  }
0x44: {  	s20 =	simm.s32 $0x100;
	s19 =	rddreg [dreg:$0xf]  }
0x45: {  	[tilespmem:s20], [sflag:$0x1] =	stream.linear.gather [hbm4b:s19+s4], $0x28, $0x38;
	[tilespmem:$0x1DC80] =	vst v63  }
0x46: {  	s23 =	simm.s32 $0x2C00;
	s21 =	rddreg [dreg:$0x10]  }
0x47: {  	[tilespmem:s23], [sflag:$0x1] =	stream.linear.gather [hbm4b:s21+s4], $0x1400, $0x38;
	[tilespmem:$0x1DC80] =	vst v63  }
0x48: {  	_ =	swait.ge [sflag:s15], $0x28  }
0x49: {  	[sflag:s15] =	ssyncset.done $0x0  }
0x4a: {  	[sflag:s15] =	ssyncadd.s32 $0xFFFFFFD8  }
0x4b: {  	_ =	swait.ge [sflag:s15], $0x1400  }
0x4c: {  	[sflag:s15] =	ssyncset.done $0x0  }
0x4d: {  	s13 =	simm.s32 $0x0;
	[sflag:s15] =	ssyncadd.s32 $0xFFFFEC00  }
0x4e: {  	[tilespmem:s16], [sflag:$0x4] =	stream.indirect.gather [hbm4b:s1+s11], $0x80, s30, s11, $0xb8;
	[tilespmem:$0x1DC80] =	vst v63  }
.LBB2_2:
0x4f: {  	p1 =	seq.s32 s13, $0x0  }
0x50: {  	s14 =	simm.s32 @!p1 $0x5  }
0x51: {  	_ =	swait.ge @!p1 [sflag:s14], $0x1400  }
0x52: {  	[sflag:s14] =	ssyncset.done @!p1 $0x0  }
0x53: {  	[sflag:s14] =	ssyncadd.s32 @!p1 $0xFFFFEC00  }
0x54: {  	_ =	swait.ge [sflag:s17], $0x1400  }
0x55: {  	[sflag:s17] =	ssyncset.done $0x0  }
0x56: {  	[sflag:s17] =	ssyncadd.s32 $0xFFFFEC00  }
0x57: {  	s14 =	smul.u32 $0xA0, s13;
	_ =	swait.ge [sflag:s18], $0x28  }
0x58: {  	s19 =	rddreg [dreg:$0xc]  }
0x59: {  	s19 =	sadd.s32 s14, s19  }
0x5a: {  	[sflag:s18] =	ssyncset.done $0x0;
	s21 =	rddreg [dreg:$0x11];
	s19 =	sshrl.u32 s19, $0x3  }
0x5b: {  	[sflag:s18] =	ssyncadd.s32 $0xFFFFFFD8;
	s20 =	sadd.s32 s14, s21;
	s19 =	sadd.s32 s2, s19  }
0x5c: {  	[tilespmem:s24], [sflag:$0x7] =	stream.linear.gather [hbm4b:s19+s4], $0x28, $0x38;
	[tilespmem:$0x1DC80] =	vst v63  }
0x5d: {  	s19 =	sshrl.u32 s20, $0x3  }
0x5e: {  	s20 =	sshll.u32 s20, $0x4;
	s21 =	sadd.s32 s5, s19  }
0x5f: {  	[tilespmem:s25], [sflag:$0x2] =	stream.linear.gather [hbm4b:s21+s4], $0x28, $0x38;
	[tilespmem:$0x1DC80] =	vst v63  }
0x60: {  	s23 =	simm.s32 $0x4000;
	s20 =	sadd.s32 s6, s20  }
0x61: {  	[tilespmem:s23], [sflag:$0x2] =	stream.linear.gather [hbm4b:s20+s4], $0x1400, $0x38;
	[tilespmem:$0x1DC80] =	vst v63  }
0x62: {  	_ =	swait.ge [sflag:s10], $0x28  }
0x63: {  	[sflag:s10] =	ssyncset.done $0x0  }
0x64: {  	[sflag:s10] =	ssyncadd.s32 $0xFFFFFFD8  }
0x65: {  	_ =	swait.ge [sflag:s10], $0x1400  }
0x66: {  	[sflag:s10] =	ssyncset.done $0x0  }
0x67: {  	s23 =	simm.s32 $0x100;
	s20 =	simm.s32 $0xF0;
	[sflag:s10] =	ssyncadd.s32 $0xFFFFEC00  }
0x68: {  	[tilespmem:s22], [sflag:$0x3] =	stream.indirect.gather [hbm4b:s1+s11], $0x80, s23, s11, $0xb8;
	[tilespmem:$0x1DC80] =	vst v63  }
0x69: {  	v6 =	vld [tilespmem:s20+$0x310]  }
0x6a: {  	v7 =	vld [tilespmem:s20+$0x320]  }
0x6b: {  	v8 =	vld [tilespmem:s20+$0x330]  }
0x6c: {  	v9 =	vld [tilespmem:s20+$0x340]  }
0x6d: {  	v10 =	vld [tilespmem:s20+$0x350]  }
0x6e: {  	v11 =	vld [tilespmem:s20+$0x360]  }
0x6f: {  	v12 =	vld [tilespmem:s20+$0x370]  }
0x70: {  	v13 =	vld [tilespmem:s20+$0x380]  }
0x71: {  	v14 =	vld [tilespmem:s20+$0x390]  }
0x72: {  	v15 =	vld [tilespmem:s20+$0x3A0]  }
0x73: {  	v5 =	vld [tilespmem:s20+$0x3B0]  }
0x74: {  	v4 =	vld [tilespmem:s20+$0x3C0]  }
0x75: {  	v3 =	vld [tilespmem:s20+$0x3D0]  }
0x76: {  	v16 =	vld [tilespmem:s20+$0x5310]  }
0x77: {  	v17 =	vld [tilespmem:s20+$0x5320]  }
0x78: {  	v2 =	vld [tilespmem:s20+$0x3E0]  }
0x79: {  	v18 =	vld [tilespmem:s20+$0x5330]  }
0x7a: {  	v19 =	vld [tilespmem:s20+$0x5340]  }
0x7b: {  	v1 =	vld [tilespmem:s20+$0x3F0];
	v6 =	vadd.f32 v6, v16  }
0x7c: {  	v20 =	vld [tilespmem:s20+$0x5350];
	v7 =	vadd.f32 v7, v17  }
0x7d: {  	v60 =	vld [tilespmem:s20+$0x5360];
	v6 =	vmax.f32 v6, $0.0e+00  }
0x7e: {  	v0 =	vld [tilespmem:s20+$0x400];
	v7 =	vmax.f32 v7, $0.0e+00;
	[tilespmem:s20+$0x5310] =	vst v6;
	v6 =	vadd.f32 v8, v18  }
0x7f: {  	v21 =	vld [tilespmem:s20+$0x5370];
	[tilespmem:s20+$0x5320] =	vst v7;
	v7 =	vadd.f32 v9, v19  }
0x80: {  	v61 =	vld [tilespmem:s20+$0x5380];
	v6 =	vmax.f32 v6, $0.0e+00  }
0x81: {  	v62 =	vld [tilespmem:s20+$0x5390];
	v8 =	vmax.f32 v7, $0.0e+00;
	[tilespmem:s20+$0x5330] =	vst v6;
	v6 =	vadd.f32 v10, v20  }
0x82: {  	v63 =	vld [tilespmem:s20+$0x53A0];
	[tilespmem:s20+$0x5340] =	vst v8;
	v8 =	vadd.f32 v11, v60  }
0x83: {  	v7 =	vld [tilespmem:s20+$0x53B0];
	v9 =	vmax.f32 v6, $0.0e+00  }
0x84: {  	v6 =	vld [tilespmem:s20+$0x53C0];
	v10 =	vmax.f32 v8, $0.0e+00;
	[tilespmem:s20+$0x5350] =	vst v9;
	v9 =	vadd.f32 v12, v21  }
0x85: {  	v8 =	vld [tilespmem:s20+$0x53D0];
	[tilespmem:s20+$0x5360] =	vst v10;
	v10 =	vadd.f32 v13, v61  }
0x86: {  	v12 =	vadd.f32 v14, v62;
	v11 =	vmax.f32 v9, $0.0e+00;
	v9 =	vld [tilespmem:s20+$0x53E0]  }
0x87: {  	s21 =	simm.s32 $0x7C0;
	v13 =	vmax.f32 v10, $0.0e+00;
	v10 =	vld [tilespmem:s20+$0x53F0];
	[tilespmem:s20+$0x5370] =	vst v11;
	v11 =	vadd.f32 v15, v63  }
.LBB2_3:
0x88: {  	s23 =	sshra.s32 s21, $0x2;
	p2 =	sne.s32 s21, $0x4FC0;
	[tilespmem:s20+$0x5380] =	vst v13;
	v12 =	vmax.f32 v12, $0.0e+00;
	v5 =	vadd.f32 v5, v7;
	v7 =	vld [tilespmem:s20+$0x5400]  }
0x89: {  	v13 =	vld [tilespmem:s23+$0x310];
	[tilespmem:s20+$0x5390] =	vst v12;
	v11 =	vmax.f32 v11, $0.0e+00;
	v4 =	vadd.f32 v4, v6  }
0x8a: {  	v6 =	vld [tilespmem:s23+$0x320];
	[tilespmem:s20+$0x53A0] =	vst v11;
	v5 =	vmax.f32 v5, $0.0e+00;
	v3 =	vadd.f32 v3, v8  }
0x8b: {  	v8 =	vld [tilespmem:s23+$0x330];
	[tilespmem:s20+$0x53B0] =	vst v5;
	v4 =	vmax.f32 v4, $0.0e+00;
	v2 =	vadd.f32 v2, v9  }
0x8c: {  	v9 =	vld [tilespmem:s23+$0x340];
	[tilespmem:s20+$0x53C0] =	vst v4;
	v3 =	vmax.f32 v3, $0.0e+00;
	v1 =	vadd.f32 v1, v10  }
0x8d: {  	v10 =	vld [tilespmem:s23+$0x350];
	[tilespmem:s20+$0x53D0] =	vst v3;
	v2 =	vmax.f32 v2, $0.0e+00;
	v0 =	vadd.f32 v0, v7  }
0x8e: {  	v7 =	vld [tilespmem:s23+$0x360];
	[tilespmem:s20+$0x53E0] =	vst v2;
	v1 =	vmax.f32 v1, $0.0e+00  }
0x8f: {  	v11 =	vld [tilespmem:s23+$0x370];
	[tilespmem:s20+$0x53F0] =	vst v1;
	v0 =	vmax.f32 v0, $0.0e+00  }
0x90: {  	v12 =	vld [tilespmem:s23+$0x380];
	[tilespmem:s20+$0x5400] =	vst v0;
	s20 =	smov.u32 s23  }
0x91: {  	v14 =	vld [tilespmem:s20+$0x390]  }
0x92: {  	v15 =	vld [tilespmem:s20+$0x3A0]  }
0x93: {  	v5 =	vld [tilespmem:s20+$0x3B0]  }
0x94: {  	v4 =	vld [tilespmem:s20+$0x3C0]  }
0x95: {  	v3 =	vld [tilespmem:s20+$0x3D0]  }
0x96: {  	v2 =	vld [tilespmem:s20+$0x3E0]  }
0x97: {  	v1 =	vld [tilespmem:s20+$0x3F0]  }
0x98: {  	v0 =	vld [tilespmem:s20+$0x400]  }
0x99: {  	v16 =	vld [tilespmem:s20+$0x5310]  }
0x9a: {  	v17 =	vld [tilespmem:s20+$0x5320]  }
0x9b: {  	v18 =	vld [tilespmem:s20+$0x5330]  }
0x9c: {  	v19 =	vld [tilespmem:s20+$0x5340]  }
0x9d: {  	v20 =	vld [tilespmem:s20+$0x5350]  }
0x9e: {  	v13 =	vadd.f32 v13, v16;
	v16 =	vld [tilespmem:s20+$0x5360]  }
0x9f: {  	v6 =	vadd.f32 v6, v17;
	v17 =	vld [tilespmem:s20+$0x5370]  }
0xa0: {  	v13 =	vmax.f32 v13, $0.0e+00;
	v8 =	vadd.f32 v8, v18;
	v18 =	vld [tilespmem:s20+$0x5380]  }
0xa1: {  	[tilespmem:s20+$0x5310] =	vst v13;
	v6 =	vmax.f32 v6, $0.0e+00;
	v9 =	vadd.f32 v9, v19;
	v13 =	vld [tilespmem:s20+$0x5390]  }
0xa2: {  	[tilespmem:s20+$0x5320] =	vst v6;
	v6 =	vmax.f32 v8, $0.0e+00;
	v8 =	vadd.f32 v10, v20;
	v10 =	vld [tilespmem:s20+$0x53A0]  }
.Ltmp0:
0xa3: {  	[tilespmem:s20+$0x5330] =	vst v6;
	v6 =	vmax.f32 v9, $0.0e+00;
	v9 =	vadd.f32 v7, v16;
	v7 =	vld [tilespmem:s20+$0x53B0];
	(pc) =	sbr.rel @p2 .LBB2_3-.Ltmp0, $4  }
0xa4: {  	[tilespmem:s20+$0x5340] =	vst v6;
	v8 =	vmax.f32 v8, $0.0e+00;
	v11 =	vadd.f32 v11, v17;
	v6 =	vld [tilespmem:s20+$0x53C0]  }
0xa5: {  	[tilespmem:s20+$0x5350] =	vst v8;
	v9 =	vmax.f32 v9, $0.0e+00;
	v16 =	vadd.f32 v12, v18;
	v8 =	vld [tilespmem:s20+$0x53D0]  }
0xa6: {  	[tilespmem:s20+$0x5360] =	vst v9;
	v11 =	vmax.f32 v11, $0.0e+00;
	v12 =	vadd.f32 v14, v13;
	v9 =	vld [tilespmem:s20+$0x53E0]  }
0xa7: {  	s21 =	sadd.s32 $0x400, s21;
	[tilespmem:s20+$0x5370] =	vst v11;
	v13 =	vmax.f32 v16, $0.0e+00;
	v11 =	vadd.f32 v15, v10;
	v10 =	vld [tilespmem:s20+$0x53F0]  }
0xa8: {  	[tilespmem:s20+$0x5380] =	vst v13;
	v12 =	vmax.f32 v12, $0.0e+00;
	v5 =	vadd.f32 v5, v7;
	v7 =	vld [tilespmem:s20+$0x5400]  }
0xa9: {  	[tilespmem:s20+$0x5390] =	vst v12;
	v11 =	vmax.f32 v11, $0.0e+00;
	v4 =	vadd.f32 v4, v6  }
0xaa: {  	[tilespmem:s20+$0x53A0] =	vst v11;
	v5 =	vmax.f32 v5, $0.0e+00;
	v3 =	vadd.f32 v3, v8  }
0xab: {  	[tilespmem:s20+$0x53B0] =	vst v5;
	v4 =	vmax.f32 v4, $0.0e+00;
	v2 =	vadd.f32 v2, v9  }
0xac: {  	[tilespmem:s20+$0x53C0] =	vst v4;
	v3 =	vmax.f32 v3, $0.0e+00;
	v1 =	vadd.f32 v1, v10  }
0xad: {  	[tilespmem:s20+$0x53D0] =	vst v3;
	v2 =	vmax.f32 v2, $0.0e+00;
	v0 =	vadd.f32 v0, v7  }
0xae: {  	[tilespmem:s20+$0x53E0] =	vst v2;
	v1 =	vmax.f32 v1, $0.0e+00  }
0xaf: {  	[tilespmem:s20+$0x53F0] =	vst v1;
	v0 =	vmax.f32 v0, $0.0e+00  }
0xb0: {  	[tilespmem:s20+$0x5400] =	vst v0;
	s20 =	simm.s32 @!p1 $0x6  }
0xb1: {  	[spmem:s3] =	stream.indirect.scatter.add.f32 [tilespmem:s12], [sflag:$0x5], $0x80, s0, s11, $0xb8;
	[tilespmem:$0x1DC80] =	vst v63  }
0xb2: {  	_ =	swait.ge @!p1 [sflag:s20], $0x1400  }
0xb3: {  	[sflag:s20] =	ssyncset.done @!p1 $0x0  }
0xb4: {  	[sflag:s20] =	ssyncadd.s32 @!p1 $0xFFFFEC00  }
0xb5: {  	_ =	swait.ge [sflag:s7], $0x1400  }
0xb6: {  	[sflag:s7] =	ssyncset.done $0x0  }
0xb7: {  	[sflag:s7] =	ssyncadd.s32 $0xFFFFEC00  }
0xb8: {  	_ =	swait.ge [sflag:s28], $0x28  }
0xb9: {  	[sflag:s28] =	ssyncset.done $0x0;
	s21 =	rddreg [dreg:$0x12]  }
0xba: {  	s19 =	sadd.s32 s2, s19;
	[sflag:s28] =	ssyncadd.s32 $0xFFFFFFD8;
	s23 =	sadd.s32 s14, s21  }
0xbb: {  	[tilespmem:s9], [sflag:$0x8] =	stream.linear.gather [hbm4b:s19+s4], $0x28, $0x38;
	[tilespmem:$0x1DC80] =	vst v63  }
0xbc: {  	s19 =	sshrl.u32 s23, $0x3  }
0xbd: {  	s20 =	sshll.u32 s23, $0x4;
	s21 =	sadd.s32 s5, s19  }
0xbe: {  	[tilespmem:s4], [sflag:$0x1] =	stream.linear.gather [hbm4b:s21+s4], $0x28, $0x38;
	[tilespmem:$0x1DC80] =	vst v63  }
0xbf: {  	s23 =	simm.s32 $0x400;
	s20 =	sadd.s32 s6, s20  }
0xc0: {  	[tilespmem:s23], [sflag:$0x1] =	stream.linear.gather [hbm4b:s20+s4], $0x1400, $0x38;
	[tilespmem:$0x1DC80] =	vst v63  }
0xc1: {  	_ =	swait.ge [sflag:s15], $0x28  }
0xc2: {  	[sflag:s15] =	ssyncset.done $0x0  }
0xc3: {  	[sflag:s15] =	ssyncadd.s32 $0xFFFFFFD8  }
0xc4: {  	_ =	swait.ge [sflag:s15], $0x1400  }
0xc5: {  	[sflag:s15] =	ssyncset.done $0x0  }
0xc6: {  	s20 =	simm.s32 $0xF0;
	[sflag:s15] =	ssyncadd.s32 $0xFFFFEC00  }
0xc7: {  	[tilespmem:s26], [sflag:$0x4] =	stream.indirect.gather [hbm4b:s1+s11], $0x80, s25, s11, $0xb8;
	[tilespmem:$0x1DC80] =	vst v63  }
0xc8: {  	v6 =	vld [tilespmem:s20+$0x1710]  }
0xc9: {  	v7 =	vld [tilespmem:s20+$0x1720]  }
0xca: {  	v8 =	vld [tilespmem:s20+$0x1730]  }
0xcb: {  	v9 =	vld [tilespmem:s20+$0x1740]  }
0xcc: {  	v10 =	vld [tilespmem:s20+$0x1750]  }
0xcd: {  	v11 =	vld [tilespmem:s20+$0x1760]  }
0xce: {  	v12 =	vld [tilespmem:s20+$0x1770]  }
0xcf: {  	v13 =	vld [tilespmem:s20+$0x1780]  }
0xd0: {  	v14 =	vld [tilespmem:s20+$0x1790]  }
0xd1: {  	v15 =	vld [tilespmem:s20+$0x17A0]  }
0xd2: {  	v5 =	vld [tilespmem:s20+$0x17B0]  }
0xd3: {  	v4 =	vld [tilespmem:s20+$0x17C0]  }
0xd4: {  	v3 =	vld [tilespmem:s20+$0x17D0]  }
0xd5: {  	v16 =	vld [tilespmem:s20+$0x6710]  }
0xd6: {  	v17 =	vld [tilespmem:s20+$0x6720]  }
0xd7: {  	v2 =	vld [tilespmem:s20+$0x17E0]  }
0xd8: {  	v18 =	vld [tilespmem:s20+$0x6730]  }
0xd9: {  	v19 =	vld [tilespmem:s20+$0x6740]  }
0xda: {  	v1 =	vld [tilespmem:s20+$0x17F0];
	v6 =	vadd.f32 v6, v16  }
0xdb: {  	v20 =	vld [tilespmem:s20+$0x6750];
	v7 =	vadd.f32 v7, v17  }
0xdc: {  	v60 =	vld [tilespmem:s20+$0x6760];
	v6 =	vmax.f32 v6, $0.0e+00  }
0xdd: {  	v0 =	vld [tilespmem:s20+$0x1800];
	v7 =	vmax.f32 v7, $0.0e+00;
	[tilespmem:s20+$0x6710] =	vst v6;
	v6 =	vadd.f32 v8, v18  }
0xde: {  	v21 =	vld [tilespmem:s20+$0x6770];
	[tilespmem:s20+$0x6720] =	vst v7;
	v7 =	vadd.f32 v9, v19  }
0xdf: {  	v61 =	vld [tilespmem:s20+$0x6780];
	v6 =	vmax.f32 v6, $0.0e+00  }
0xe0: {  	v62 =	vld [tilespmem:s20+$0x6790];
	v8 =	vmax.f32 v7, $0.0e+00;
	[tilespmem:s20+$0x6730] =	vst v6;
	v6 =	vadd.f32 v10, v20  }
0xe1: {  	v63 =	vld [tilespmem:s20+$0x67A0];
	[tilespmem:s20+$0x6740] =	vst v8;
	v8 =	vadd.f32 v11, v60  }
0xe2: {  	v7 =	vld [tilespmem:s20+$0x67B0];
	v9 =	vmax.f32 v6, $0.0e+00  }
0xe3: {  	v6 =	vld [tilespmem:s20+$0x67C0];
	v10 =	vmax.f32 v8, $0.0e+00;
	[tilespmem:s20+$0x6750] =	vst v9;
	v9 =	vadd.f32 v12, v21  }
0xe4: {  	v8 =	vld [tilespmem:s20+$0x67D0];
	[tilespmem:s20+$0x6760] =	vst v10;
	v10 =	vadd.f32 v13, v61  }
0xe5: {  	v12 =	vadd.f32 v14, v62;
	v11 =	vmax.f32 v9, $0.0e+00;
	v9 =	vld [tilespmem:s20+$0x67E0]  }
0xe6: {  	s21 =	simm.s32 $0x7C0;
	v13 =	vmax.f32 v10, $0.0e+00;
	v10 =	vld [tilespmem:s20+$0x67F0];
	[tilespmem:s20+$0x6770] =	vst v11;
	v11 =	vadd.f32 v15, v63  }
.LBB2_5:
0xe7: {  	s23 =	sshra.s32 s21, $0x2;
	p1 =	sne.s32 s21, $0x4FC0;
	[tilespmem:s20+$0x6780] =	vst v13;
	v12 =	vmax.f32 v12, $0.0e+00;
	v5 =	vadd.f32 v5, v7;
	v7 =	vld [tilespmem:s20+$0x6800]  }
0xe8: {  	v13 =	vld [tilespmem:s23+$0x1710];
	[tilespmem:s20+$0x6790] =	vst v12;
	v11 =	vmax.f32 v11, $0.0e+00;
	v4 =	vadd.f32 v4, v6  }
0xe9: {  	v6 =	vld [tilespmem:s23+$0x1720];
	[tilespmem:s20+$0x67A0] =	vst v11;
	v5 =	vmax.f32 v5, $0.0e+00;
	v3 =	vadd.f32 v3, v8  }
0xea: {  	v8 =	vld [tilespmem:s23+$0x1730];
	[tilespmem:s20+$0x67B0] =	vst v5;
	v4 =	vmax.f32 v4, $0.0e+00;
	v2 =	vadd.f32 v2, v9  }
0xeb: {  	v9 =	vld [tilespmem:s23+$0x1740];
	[tilespmem:s20+$0x67C0] =	vst v4;
	v3 =	vmax.f32 v3, $0.0e+00;
	v1 =	vadd.f32 v1, v10  }
0xec: {  	v10 =	vld [tilespmem:s23+$0x1750];
	[tilespmem:s20+$0x67D0] =	vst v3;
	v2 =	vmax.f32 v2, $0.0e+00;
	v0 =	vadd.f32 v0, v7  }
0xed: {  	v7 =	vld [tilespmem:s23+$0x1760];
	[tilespmem:s20+$0x67E0] =	vst v2;
	v1 =	vmax.f32 v1, $0.0e+00  }
0xee: {  	v11 =	vld [tilespmem:s23+$0x1770];
	[tilespmem:s20+$0x67F0] =	vst v1;
	v0 =	vmax.f32 v0, $0.0e+00  }
0xef: {  	v12 =	vld [tilespmem:s23+$0x1780];
	[tilespmem:s20+$0x6800] =	vst v0;
	s20 =	smov.u32 s23  }
0xf0: {  	v14 =	vld [tilespmem:s20+$0x1790]  }
0xf1: {  	v15 =	vld [tilespmem:s20+$0x17A0]  }
0xf2: {  	v5 =	vld [tilespmem:s20+$0x17B0]  }
0xf3: {  	v4 =	vld [tilespmem:s20+$0x17C0]  }
0xf4: {  	v3 =	vld [tilespmem:s20+$0x17D0]  }
0xf5: {  	v2 =	vld [tilespmem:s20+$0x17E0]  }
0xf6: {  	v1 =	vld [tilespmem:s20+$0x17F0]  }
0xf7: {  	v0 =	vld [tilespmem:s20+$0x1800]  }
0xf8: {  	v16 =	vld [tilespmem:s20+$0x6710]  }
0xf9: {  	v17 =	vld [tilespmem:s20+$0x6720]  }
0xfa: {  	v18 =	vld [tilespmem:s20+$0x6730]  }
0xfb: {  	v19 =	vld [tilespmem:s20+$0x6740]  }
0xfc: {  	v20 =	vld [tilespmem:s20+$0x6750]  }
0xfd: {  	v13 =	vadd.f32 v13, v16;
	v16 =	vld [tilespmem:s20+$0x6760]  }
0xfe: {  	v6 =	vadd.f32 v6, v17;
	v17 =	vld [tilespmem:s20+$0x6770]  }
0xff: {  	v13 =	vmax.f32 v13, $0.0e+00;
	v8 =	vadd.f32 v8, v18;
	v18 =	vld [tilespmem:s20+$0x6780]  }
0x100: {  	[tilespmem:s20+$0x6710] =	vst v13;
	v6 =	vmax.f32 v6, $0.0e+00;
	v9 =	vadd.f32 v9, v19;
	v13 =	vld [tilespmem:s20+$0x6790]  }
0x101: {  	[tilespmem:s20+$0x6720] =	vst v6;
	v6 =	vmax.f32 v8, $0.0e+00;
	v8 =	vadd.f32 v10, v20;
	v10 =	vld [tilespmem:s20+$0x67A0]  }
.Ltmp1:
0x102: {  	[tilespmem:s20+$0x6730] =	vst v6;
	v6 =	vmax.f32 v9, $0.0e+00;
	v9 =	vadd.f32 v7, v16;
	v7 =	vld [tilespmem:s20+$0x67B0];
	(pc) =	sbr.rel @p1 .LBB2_5-.Ltmp1, $4  }
0x103: {  	[tilespmem:s20+$0x6740] =	vst v6;
	v8 =	vmax.f32 v8, $0.0e+00;
	v11 =	vadd.f32 v11, v17;
	v6 =	vld [tilespmem:s20+$0x67C0]  }
0x104: {  	[tilespmem:s20+$0x6750] =	vst v8;
	v9 =	vmax.f32 v9, $0.0e+00;
	v16 =	vadd.f32 v12, v18;
	v8 =	vld [tilespmem:s20+$0x67D0]  }
0x105: {  	[tilespmem:s20+$0x6760] =	vst v9;
	v11 =	vmax.f32 v11, $0.0e+00;
	v12 =	vadd.f32 v14, v13;
	v9 =	vld [tilespmem:s20+$0x67E0]  }
0x106: {  	s21 =	sadd.s32 $0x400, s21;
	[tilespmem:s20+$0x6770] =	vst v11;
	v13 =	vmax.f32 v16, $0.0e+00;
	v11 =	vadd.f32 v15, v10;
	v10 =	vld [tilespmem:s20+$0x67F0]  }
0x107: {  	[tilespmem:s20+$0x6780] =	vst v13;
	v12 =	vmax.f32 v12, $0.0e+00;
	v5 =	vadd.f32 v5, v7;
	v7 =	vld [tilespmem:s20+$0x6800]  }
0x108: {  	[tilespmem:s20+$0x6790] =	vst v12;
	v11 =	vmax.f32 v11, $0.0e+00;
	v4 =	vadd.f32 v4, v6  }
0x109: {  	[tilespmem:s20+$0x67A0] =	vst v11;
	v5 =	vmax.f32 v5, $0.0e+00;
	v3 =	vadd.f32 v3, v8  }
0x10a: {  	[tilespmem:s20+$0x67B0] =	vst v5;
	v4 =	vmax.f32 v4, $0.0e+00;
	v2 =	vadd.f32 v2, v9  }
0x10b: {  	[tilespmem:s20+$0x67C0] =	vst v4;
	v3 =	vmax.f32 v3, $0.0e+00;
	v1 =	vadd.f32 v1, v10  }
0x10c: {  	[tilespmem:s20+$0x67D0] =	vst v3;
	v2 =	vmax.f32 v2, $0.0e+00;
	v0 =	vadd.f32 v0, v7  }
0x10d: {  	[tilespmem:s20+$0x67E0] =	vst v2;
	v1 =	vmax.f32 v1, $0.0e+00  }
0x10e: {  	[tilespmem:s20+$0x67F0] =	vst v1;
	v0 =	vmax.f32 v0, $0.0e+00  }
0x10f: {  	[tilespmem:s20+$0x6800] =	vst v0  }
0x110: {  	[spmem:s3] =	stream.indirect.scatter.add.f32 [tilespmem:s16], [sflag:$0x6], $0x80, s8, s11, $0xb8;
	[tilespmem:$0x1DC80] =	vst v63  }
0x111: {  	_ =	swait.ge [sflag:s29], $0x1400  }
0x112: {  	[sflag:s29] =	ssyncset.done $0x0  }
0x113: {  	[sflag:s29] =	ssyncadd.s32 $0xFFFFEC00  }
0x114: {  	_ =	swait.ge [sflag:s17], $0x1400  }
0x115: {  	[sflag:s17] =	ssyncset.done $0x0  }
0x116: {  	[sflag:s17] =	ssyncadd.s32 $0xFFFFEC00  }
0x117: {  	_ =	swait.ge [sflag:s18], $0x28  }
0x118: {  	[sflag:s18] =	ssyncset.done $0x0;
	s21 =	rddreg [dreg:$0x13]  }
0x119: {  	s19 =	sadd.s32 s2, s19;
	[sflag:s18] =	ssyncadd.s32 $0xFFFFFFD8;
	s23 =	sadd.s32 s14, s21  }
0x11a: {  	[tilespmem:s0], [sflag:$0x7] =	stream.linear.gather [hbm4b:s19+s4], $0x28, $0x38;
	[tilespmem:$0x1DC80] =	vst v63  }
0x11b: {  	s19 =	sshrl.u32 s23, $0x3  }
0x11c: {  	s20 =	sshll.u32 s23, $0x4;
	s21 =	sadd.s32 s5, s19  }
0x11d: {  	[tilespmem:s30], [sflag:$0x2] =	stream.linear.gather [hbm4b:s21+s4], $0x28, $0x38;
	[tilespmem:$0x1DC80] =	vst v63  }
0x11e: {  	s23 =	simm.s32 $0x1800;
	s20 =	sadd.s32 s6, s20  }
0x11f: {  	[tilespmem:s23], [sflag:$0x2] =	stream.linear.gather [hbm4b:s20+s4], $0x1400, $0x38;
	[tilespmem:$0x1DC80] =	vst v63  }
0x120: {  	_ =	swait.ge [sflag:s10], $0x28  }
0x121: {  	[sflag:s10] =	ssyncset.done $0x0  }
0x122: {  	[sflag:s10] =	ssyncadd.s32 $0xFFFFFFD8  }
0x123: {  	_ =	swait.ge [sflag:s10], $0x1400  }
0x124: {  	[sflag:s10] =	ssyncset.done $0x0  }
0x125: {  	s20 =	simm.s32 $0xF0;
	[sflag:s10] =	ssyncadd.s32 $0xFFFFEC00  }
0x126: {  	[tilespmem:s12], [sflag:$0x3] =	stream.indirect.gather [hbm4b:s1+s11], $0x80, s4, s11, $0xb8;
	[tilespmem:$0x1DC80] =	vst v63  }
0x127: {  	v6 =	vld [tilespmem:s20+$0x2B10]  }
0x128: {  	v7 =	vld [tilespmem:s20+$0x2B20]  }
0x129: {  	v8 =	vld [tilespmem:s20+$0x2B30]  }
0x12a: {  	v9 =	vld [tilespmem:s20+$0x2B40]  }
0x12b: {  	v10 =	vld [tilespmem:s20+$0x2B50]  }
0x12c: {  	v11 =	vld [tilespmem:s20+$0x2B60]  }
0x12d: {  	v12 =	vld [tilespmem:s20+$0x2B70]  }
0x12e: {  	v13 =	vld [tilespmem:s20+$0x2B80]  }
0x12f: {  	v14 =	vld [tilespmem:s20+$0x2B90]  }
0x130: {  	v15 =	vld [tilespmem:s20+$0x2BA0]  }
0x131: {  	v5 =	vld [tilespmem:s20+$0x2BB0]  }
0x132: {  	v4 =	vld [tilespmem:s20+$0x2BC0]  }
0x133: {  	v3 =	vld [tilespmem:s20+$0x2BD0]  }
0x134: {  	v16 =	vld [tilespmem:s20+$0x7B10]  }
0x135: {  	v17 =	vld [tilespmem:s20+$0x7B20]  }
0x136: {  	v2 =	vld [tilespmem:s20+$0x2BE0]  }
0x137: {  	v18 =	vld [tilespmem:s20+$0x7B30]  }
0x138: {  	v19 =	vld [tilespmem:s20+$0x7B40]  }
0x139: {  	v1 =	vld [tilespmem:s20+$0x2BF0];
	v6 =	vadd.f32 v6, v16  }
0x13a: {  	v20 =	vld [tilespmem:s20+$0x7B50];
	v7 =	vadd.f32 v7, v17  }
0x13b: {  	v60 =	vld [tilespmem:s20+$0x7B60];
	v6 =	vmax.f32 v6, $0.0e+00  }
0x13c: {  	v0 =	vld [tilespmem:s20+$0x2C00];
	v7 =	vmax.f32 v7, $0.0e+00;
	[tilespmem:s20+$0x7B10] =	vst v6;
	v6 =	vadd.f32 v8, v18  }
0x13d: {  	v21 =	vld [tilespmem:s20+$0x7B70];
	[tilespmem:s20+$0x7B20] =	vst v7;
	v7 =	vadd.f32 v9, v19  }
0x13e: {  	v61 =	vld [tilespmem:s20+$0x7B80];
	v6 =	vmax.f32 v6, $0.0e+00  }
0x13f: {  	v62 =	vld [tilespmem:s20+$0x7B90];
	v8 =	vmax.f32 v7, $0.0e+00;
	[tilespmem:s20+$0x7B30] =	vst v6;
	v6 =	vadd.f32 v10, v20  }
0x140: {  	v63 =	vld [tilespmem:s20+$0x7BA0];
	[tilespmem:s20+$0x7B40] =	vst v8;
	v8 =	vadd.f32 v11, v60  }
0x141: {  	v7 =	vld [tilespmem:s20+$0x7BB0];
	v9 =	vmax.f32 v6, $0.0e+00  }
0x142: {  	v6 =	vld [tilespmem:s20+$0x7BC0];
	v10 =	vmax.f32 v8, $0.0e+00;
	[tilespmem:s20+$0x7B50] =	vst v9;
	v9 =	vadd.f32 v12, v21  }
0x143: {  	v8 =	vld [tilespmem:s20+$0x7BD0];
	[tilespmem:s20+$0x7B60] =	vst v10;
	v10 =	vadd.f32 v13, v61  }
0x144: {  	v12 =	vadd.f32 v14, v62;
	v11 =	vmax.f32 v9, $0.0e+00;
	v9 =	vld [tilespmem:s20+$0x7BE0]  }
0x145: {  	s21 =	simm.s32 $0x7C0;
	v13 =	vmax.f32 v10, $0.0e+00;
	v10 =	vld [tilespmem:s20+$0x7BF0];
	[tilespmem:s20+$0x7B70] =	vst v11;
	v11 =	vadd.f32 v15, v63  }
.LBB2_7:
0x146: {  	s23 =	sshra.s32 s21, $0x2;
	p1 =	sne.s32 s21, $0x4FC0;
	[tilespmem:s20+$0x7B80] =	vst v13;
	v12 =	vmax.f32 v12, $0.0e+00;
	v5 =	vadd.f32 v5, v7;
	v7 =	vld [tilespmem:s20+$0x7C00]  }
0x147: {  	v13 =	vld [tilespmem:s23+$0x2B10];
	[tilespmem:s20+$0x7B90] =	vst v12;
	v11 =	vmax.f32 v11, $0.0e+00;
	v4 =	vadd.f32 v4, v6  }
0x148: {  	v6 =	vld [tilespmem:s23+$0x2B20];
	[tilespmem:s20+$0x7BA0] =	vst v11;
	v5 =	vmax.f32 v5, $0.0e+00;
	v3 =	vadd.f32 v3, v8  }
0x149: {  	v8 =	vld [tilespmem:s23+$0x2B30];
	[tilespmem:s20+$0x7BB0] =	vst v5;
	v4 =	vmax.f32 v4, $0.0e+00;
	v2 =	vadd.f32 v2, v9  }
0x14a: {  	v9 =	vld [tilespmem:s23+$0x2B40];
	[tilespmem:s20+$0x7BC0] =	vst v4;
	v3 =	vmax.f32 v3, $0.0e+00;
	v1 =	vadd.f32 v1, v10  }
0x14b: {  	v10 =	vld [tilespmem:s23+$0x2B50];
	[tilespmem:s20+$0x7BD0] =	vst v3;
	v2 =	vmax.f32 v2, $0.0e+00;
	v0 =	vadd.f32 v0, v7  }
0x14c: {  	v7 =	vld [tilespmem:s23+$0x2B60];
	[tilespmem:s20+$0x7BE0] =	vst v2;
	v1 =	vmax.f32 v1, $0.0e+00  }
0x14d: {  	v11 =	vld [tilespmem:s23+$0x2B70];
	[tilespmem:s20+$0x7BF0] =	vst v1;
	v0 =	vmax.f32 v0, $0.0e+00  }
0x14e: {  	v12 =	vld [tilespmem:s23+$0x2B80];
	[tilespmem:s20+$0x7C00] =	vst v0;
	s20 =	smov.u32 s23  }
0x14f: {  	v14 =	vld [tilespmem:s20+$0x2B90]  }
0x150: {  	v15 =	vld [tilespmem:s20+$0x2BA0]  }
0x151: {  	v5 =	vld [tilespmem:s20+$0x2BB0]  }
0x152: {  	v4 =	vld [tilespmem:s20+$0x2BC0]  }
0x153: {  	v3 =	vld [tilespmem:s20+$0x2BD0]  }
0x154: {  	v2 =	vld [tilespmem:s20+$0x2BE0]  }
0x155: {  	v1 =	vld [tilespmem:s20+$0x2BF0]  }
0x156: {  	v0 =	vld [tilespmem:s20+$0x2C00]  }
0x157: {  	v16 =	vld [tilespmem:s20+$0x7B10]  }
0x158: {  	v17 =	vld [tilespmem:s20+$0x7B20]  }
0x159: {  	v18 =	vld [tilespmem:s20+$0x7B30]  }
0x15a: {  	v19 =	vld [tilespmem:s20+$0x7B40]  }
0x15b: {  	v20 =	vld [tilespmem:s20+$0x7B50]  }
0x15c: {  	v13 =	vadd.f32 v13, v16;
	v16 =	vld [tilespmem:s20+$0x7B60]  }
0x15d: {  	v6 =	vadd.f32 v6, v17;
	v17 =	vld [tilespmem:s20+$0x7B70]  }
0x15e: {  	v13 =	vmax.f32 v13, $0.0e+00;
	v8 =	vadd.f32 v8, v18;
	v18 =	vld [tilespmem:s20+$0x7B80]  }
0x15f: {  	[tilespmem:s20+$0x7B10] =	vst v13;
	v6 =	vmax.f32 v6, $0.0e+00;
	v9 =	vadd.f32 v9, v19;
	v13 =	vld [tilespmem:s20+$0x7B90]  }
0x160: {  	[tilespmem:s20+$0x7B20] =	vst v6;
	v6 =	vmax.f32 v8, $0.0e+00;
	v8 =	vadd.f32 v10, v20;
	v10 =	vld [tilespmem:s20+$0x7BA0]  }
.Ltmp2:
0x161: {  	[tilespmem:s20+$0x7B30] =	vst v6;
	v6 =	vmax.f32 v9, $0.0e+00;
	v9 =	vadd.f32 v7, v16;
	v7 =	vld [tilespmem:s20+$0x7BB0];
	(pc) =	sbr.rel @p1 .LBB2_7-.Ltmp2, $4  }
0x162: {  	[tilespmem:s20+$0x7B40] =	vst v6;
	v8 =	vmax.f32 v8, $0.0e+00;
	v11 =	vadd.f32 v11, v17;
	v6 =	vld [tilespmem:s20+$0x7BC0]  }
0x163: {  	[tilespmem:s20+$0x7B50] =	vst v8;
	v9 =	vmax.f32 v9, $0.0e+00;
	v16 =	vadd.f32 v12, v18;
	v8 =	vld [tilespmem:s20+$0x7BD0]  }
0x164: {  	[tilespmem:s20+$0x7B60] =	vst v9;
	v11 =	vmax.f32 v11, $0.0e+00;
	v12 =	vadd.f32 v14, v13;
	v9 =	vld [tilespmem:s20+$0x7BE0]  }
0x165: {  	s21 =	sadd.s32 $0x400, s21;
	[tilespmem:s20+$0x7B70] =	vst v11;
	v13 =	vmax.f32 v16, $0.0e+00;
	v11 =	vadd.f32 v15, v10;
	v10 =	vld [tilespmem:s20+$0x7BF0]  }
0x166: {  	[tilespmem:s20+$0x7B80] =	vst v13;
	v12 =	vmax.f32 v12, $0.0e+00;
	v5 =	vadd.f32 v5, v7;
	v7 =	vld [tilespmem:s20+$0x7C00]  }
0x167: {  	[tilespmem:s20+$0x7B90] =	vst v12;
	v11 =	vmax.f32 v11, $0.0e+00;
	v4 =	vadd.f32 v4, v6  }
0x168: {  	[tilespmem:s20+$0x7BA0] =	vst v11;
	v5 =	vmax.f32 v5, $0.0e+00;
	v3 =	vadd.f32 v3, v8  }
0x169: {  	[tilespmem:s20+$0x7BB0] =	vst v5;
	v4 =	vmax.f32 v4, $0.0e+00;
	v2 =	vadd.f32 v2, v9  }
0x16a: {  	[tilespmem:s20+$0x7BC0] =	vst v4;
	v3 =	vmax.f32 v3, $0.0e+00;
	v1 =	vadd.f32 v1, v10  }
0x16b: {  	[tilespmem:s20+$0x7BD0] =	vst v3;
	v2 =	vmax.f32 v2, $0.0e+00;
	v0 =	vadd.f32 v0, v7  }
0x16c: {  	[tilespmem:s20+$0x7BE0] =	vst v2;
	v1 =	vmax.f32 v1, $0.0e+00  }
0x16d: {  	[tilespmem:s20+$0x7BF0] =	vst v1;
	v0 =	vmax.f32 v0, $0.0e+00  }
0x16e: {  	[tilespmem:s20+$0x7C00] =	vst v0  }
0x16f: {  	[spmem:s3] =	stream.indirect.scatter.add.f32 [tilespmem:s22], [sflag:$0x5], $0x80, s24, s11, $0xb8;
	[tilespmem:$0x1DC80] =	vst v63  }
0x170: {  	_ =	swait.ge [sflag:s31], $0x1400  }
0x171: {  	[sflag:s31] =	ssyncset.done $0x0  }
0x172: {  	[sflag:s31] =	ssyncadd.s32 $0xFFFFEC00  }
0x173: {  	_ =	swait.ge [sflag:s7], $0x1400  }
0x174: {  	[sflag:s7] =	ssyncset.done $0x0  }
0x175: {  	[sflag:s7] =	ssyncadd.s32 $0xFFFFEC00  }
0x176: {  	_ =	swait.ge [sflag:s28], $0x28  }
0x177: {  	[sflag:s28] =	ssyncset.done $0x0  }
0x178: {  	s19 =	sadd.s32 s2, s19;
	[sflag:s28] =	ssyncadd.s32 $0xFFFFFFD8  }
0x179: {  	[tilespmem:s8], [sflag:$0x8] =	stream.linear.gather [hbm4b:s19+s4], $0x28, $0x38;
	[tilespmem:$0x1DC80] =	vst v63  }
0x17a: {  	p1 =	seq.s32 s13, $0x3D;
	s19 =	rddreg [dreg:$0x15]  }
0x17b: {  	s14 =	sadd.s32 @!p1 s14, s19  }
0x17c: {  	s21 =	simm.s32 @!p1 $0x100;
	s19 =	sshrl.u32 @!p1 s14, $0x3  }
0x17d: {  	s20 =	simm.s32 @!p1 $0x0;
	s14 =	sshll.u32 @!p1 s14, $0x4;
	s19 =	sadd.s32 @!p1 s5, s19  }
0x17e: {  	[tilespmem:s21], [sflag:$0x1] =	stream.linear.gather @!p1 [hbm4b:s19+s20], $0x28, $0x38;
	[tilespmem:$0x1DC80] =	vst v63  }
0x17f: {  	s14 =	sadd.s32 @!p1 s6, s14;
	s19 =	simm.s32 @!p1 $0x2C00  }
0x180: {  	[tilespmem:s19], [sflag:$0x1] =	stream.linear.gather @!p1 [hbm4b:s14+s20], $0x1400, $0x38;
	[tilespmem:$0x1DC80] =	vst v63  }
0x181: {  	_ =	swait.ge [sflag:s15], $0x28  }
0x182: {  	[sflag:s15] =	ssyncset.done $0x0  }
0x183: {  	[sflag:s15] =	ssyncadd.s32 $0xFFFFFFD8  }
0x184: {  	_ =	swait.ge [sflag:s15], $0x1400  }
0x185: {  	[sflag:s15] =	ssyncset.done $0x0  }
0x186: {  	s14 =	simm.s32 $0xF0;
	[sflag:s15] =	ssyncadd.s32 $0xFFFFEC00  }
0x187: {  	[tilespmem:s16], [sflag:$0x4] =	stream.indirect.gather [hbm4b:s1+s11], $0x80, s30, s11, $0xb8;
	[tilespmem:$0x1DC80] =	vst v63  }
0x188: {  	v6 =	vld [tilespmem:s14+$0x3F10]  }
0x189: {  	v7 =	vld [tilespmem:s14+$0x3F20]  }
0x18a: {  	v8 =	vld [tilespmem:s14+$0x3F30]  }
0x18b: {  	v9 =	vld [tilespmem:s14+$0x3F40]  }
0x18c: {  	v10 =	vld [tilespmem:s14+$0x3F50]  }
0x18d: {  	v11 =	vld [tilespmem:s14+$0x3F60]  }
0x18e: {  	v12 =	vld [tilespmem:s14+$0x3F70]  }
0x18f: {  	v13 =	vld [tilespmem:s14+$0x3F80]  }
0x190: {  	v14 =	vld [tilespmem:s14+$0x3F90]  }
0x191: {  	v15 =	vld [tilespmem:s14+$0x3FA0]  }
0x192: {  	v5 =	vld [tilespmem:s14+$0x3FB0]  }
0x193: {  	v4 =	vld [tilespmem:s14+$0x3FC0]  }
0x194: {  	v3 =	vld [tilespmem:s14+$0x3FD0]  }
0x195: {  	v16 =	vld [tilespmem:s14+$0x8F10]  }
0x196: {  	v17 =	vld [tilespmem:s14+$0x8F20]  }
0x197: {  	v2 =	vld [tilespmem:s14+$0x3FE0]  }
0x198: {  	v18 =	vld [tilespmem:s14+$0x8F30]  }
0x199: {  	v19 =	vld [tilespmem:s14+$0x8F40]  }
0x19a: {  	v1 =	vld [tilespmem:s14+$0x3FF0];
	v6 =	vadd.f32 v6, v16  }
0x19b: {  	v20 =	vld [tilespmem:s14+$0x8F50];
	v7 =	vadd.f32 v7, v17  }
0x19c: {  	v60 =	vld [tilespmem:s14+$0x8F60];
	v6 =	vmax.f32 v6, $0.0e+00  }
0x19d: {  	v0 =	vld [tilespmem:s14+$0x4000];
	v7 =	vmax.f32 v7, $0.0e+00;
	[tilespmem:s14+$0x8F10] =	vst v6;
	v6 =	vadd.f32 v8, v18  }
0x19e: {  	v21 =	vld [tilespmem:s14+$0x8F70];
	[tilespmem:s14+$0x8F20] =	vst v7;
	v7 =	vadd.f32 v9, v19  }
0x19f: {  	v61 =	vld [tilespmem:s14+$0x8F80];
	v6 =	vmax.f32 v6, $0.0e+00  }
0x1a0: {  	v62 =	vld [tilespmem:s14+$0x8F90];
	v8 =	vmax.f32 v7, $0.0e+00;
	[tilespmem:s14+$0x8F30] =	vst v6;
	v6 =	vadd.f32 v10, v20  }
0x1a1: {  	v63 =	vld [tilespmem:s14+$0x8FA0];
	[tilespmem:s14+$0x8F40] =	vst v8;
	v8 =	vadd.f32 v11, v60  }
0x1a2: {  	v7 =	vld [tilespmem:s14+$0x8FB0];
	v9 =	vmax.f32 v6, $0.0e+00  }
0x1a3: {  	v6 =	vld [tilespmem:s14+$0x8FC0];
	v10 =	vmax.f32 v8, $0.0e+00;
	[tilespmem:s14+$0x8F50] =	vst v9;
	v9 =	vadd.f32 v12, v21  }
0x1a4: {  	v8 =	vld [tilespmem:s14+$0x8FD0];
	[tilespmem:s14+$0x8F60] =	vst v10;
	v10 =	vadd.f32 v13, v61  }
0x1a5: {  	v12 =	vadd.f32 v14, v62;
	v11 =	vmax.f32 v9, $0.0e+00;
	v9 =	vld [tilespmem:s14+$0x8FE0]  }
0x1a6: {  	s19 =	simm.s32 $0x7C0;
	v13 =	vmax.f32 v10, $0.0e+00;
	v10 =	vld [tilespmem:s14+$0x8FF0];
	[tilespmem:s14+$0x8F70] =	vst v11;
	v11 =	vadd.f32 v15, v63  }
.LBB2_9:
0x1a7: {  	s20 =	sshra.s32 s19, $0x2;
	p1 =	sne.s32 s19, $0x4FC0;
	[tilespmem:s14+$0x8F80] =	vst v13;
	v12 =	vmax.f32 v12, $0.0e+00;
	v5 =	vadd.f32 v5, v7;
	v7 =	vld [tilespmem:s14+$0x9000]  }
0x1a8: {  	v13 =	vld [tilespmem:s20+$0x3F10];
	[tilespmem:s14+$0x8F90] =	vst v12;
	v11 =	vmax.f32 v11, $0.0e+00;
	v4 =	vadd.f32 v4, v6  }
0x1a9: {  	v6 =	vld [tilespmem:s20+$0x3F20];
	[tilespmem:s14+$0x8FA0] =	vst v11;
	v5 =	vmax.f32 v5, $0.0e+00;
	v3 =	vadd.f32 v3, v8  }
0x1aa: {  	v8 =	vld [tilespmem:s20+$0x3F30];
	[tilespmem:s14+$0x8FB0] =	vst v5;
	v4 =	vmax.f32 v4, $0.0e+00;
	v2 =	vadd.f32 v2, v9  }
0x1ab: {  	v9 =	vld [tilespmem:s20+$0x3F40];
	[tilespmem:s14+$0x8FC0] =	vst v4;
	v3 =	vmax.f32 v3, $0.0e+00;
	v1 =	vadd.f32 v1, v10  }
0x1ac: {  	v10 =	vld [tilespmem:s20+$0x3F50];
	[tilespmem:s14+$0x8FD0] =	vst v3;
	v2 =	vmax.f32 v2, $0.0e+00;
	v0 =	vadd.f32 v0, v7  }
0x1ad: {  	v7 =	vld [tilespmem:s20+$0x3F60];
	[tilespmem:s14+$0x8FE0] =	vst v2;
	v1 =	vmax.f32 v1, $0.0e+00  }
0x1ae: {  	v11 =	vld [tilespmem:s20+$0x3F70];
	[tilespmem:s14+$0x8FF0] =	vst v1;
	v0 =	vmax.f32 v0, $0.0e+00  }
0x1af: {  	v12 =	vld [tilespmem:s20+$0x3F80];
	[tilespmem:s14+$0x9000] =	vst v0;
	s14 =	smov.u32 s20  }
0x1b0: {  	v14 =	vld [tilespmem:s14+$0x3F90]  }
0x1b1: {  	v15 =	vld [tilespmem:s14+$0x3FA0]  }
0x1b2: {  	v5 =	vld [tilespmem:s14+$0x3FB0]  }
0x1b3: {  	v4 =	vld [tilespmem:s14+$0x3FC0]  }
0x1b4: {  	v3 =	vld [tilespmem:s14+$0x3FD0]  }
0x1b5: {  	v2 =	vld [tilespmem:s14+$0x3FE0]  }
0x1b6: {  	v1 =	vld [tilespmem:s14+$0x3FF0]  }
0x1b7: {  	v0 =	vld [tilespmem:s14+$0x4000]  }
0x1b8: {  	v16 =	vld [tilespmem:s14+$0x8F10]  }
0x1b9: {  	v17 =	vld [tilespmem:s14+$0x8F20]  }
0x1ba: {  	v18 =	vld [tilespmem:s14+$0x8F30]  }
0x1bb: {  	v19 =	vld [tilespmem:s14+$0x8F40]  }
0x1bc: {  	v20 =	vld [tilespmem:s14+$0x8F50]  }
0x1bd: {  	v13 =	vadd.f32 v13, v16;
	v16 =	vld [tilespmem:s14+$0x8F60]  }
0x1be: {  	v6 =	vadd.f32 v6, v17;
	v17 =	vld [tilespmem:s14+$0x8F70]  }
0x1bf: {  	v13 =	vmax.f32 v13, $0.0e+00;
	v8 =	vadd.f32 v8, v18;
	v18 =	vld [tilespmem:s14+$0x8F80]  }
0x1c0: {  	[tilespmem:s14+$0x8F10] =	vst v13;
	v6 =	vmax.f32 v6, $0.0e+00;
	v9 =	vadd.f32 v9, v19;
	v13 =	vld [tilespmem:s14+$0x8F90]  }
0x1c1: {  	[tilespmem:s14+$0x8F20] =	vst v6;
	v6 =	vmax.f32 v8, $0.0e+00;
	v8 =	vadd.f32 v10, v20;
	v10 =	vld [tilespmem:s14+$0x8FA0]  }
.Ltmp3:
0x1c2: {  	[tilespmem:s14+$0x8F30] =	vst v6;
	v6 =	vmax.f32 v9, $0.0e+00;
	v9 =	vadd.f32 v7, v16;
	v7 =	vld [tilespmem:s14+$0x8FB0];
	(pc) =	sbr.rel @p1 .LBB2_9-.Ltmp3, $4  }
0x1c3: {  	[tilespmem:s14+$0x8F40] =	vst v6;
	v8 =	vmax.f32 v8, $0.0e+00;
	v11 =	vadd.f32 v11, v17;
	v6 =	vld [tilespmem:s14+$0x8FC0]  }
0x1c4: {  	[tilespmem:s14+$0x8F50] =	vst v8;
	v9 =	vmax.f32 v9, $0.0e+00;
	v16 =	vadd.f32 v12, v18;
	v8 =	vld [tilespmem:s14+$0x8FD0]  }
0x1c5: {  	[tilespmem:s14+$0x8F60] =	vst v9;
	v11 =	vmax.f32 v11, $0.0e+00;
	v12 =	vadd.f32 v14, v13;
	v9 =	vld [tilespmem:s14+$0x8FE0]  }
0x1c6: {  	s19 =	sadd.s32 $0x400, s19;
	[tilespmem:s14+$0x8F70] =	vst v11;
	v13 =	vmax.f32 v16, $0.0e+00;
	v11 =	vadd.f32 v15, v10;
	v10 =	vld [tilespmem:s14+$0x8FF0]  }
0x1c7: {  	[tilespmem:s14+$0x8F80] =	vst v13;
	v12 =	vmax.f32 v12, $0.0e+00;
	v5 =	vadd.f32 v5, v7;
	v63 =	vld [tilespmem:s14+$0x9000]  }
0x1c8: {  	[tilespmem:s14+$0x8F90] =	vst v12;
	v11 =	vmax.f32 v11, $0.0e+00;
	v4 =	vadd.f32 v4, v6  }
0x1c9: {  	[tilespmem:s14+$0x8FA0] =	vst v11;
	v5 =	vmax.f32 v5, $0.0e+00;
	v3 =	vadd.f32 v3, v8  }
0x1ca: {  	s13 =	sadd.s32 $0x1, s13;
	[tilespmem:s14+$0x8FB0] =	vst v5;
	v4 =	vmax.f32 v4, $0.0e+00;
	v2 =	vadd.f32 v2, v9  }
0x1cb: {  	p1 =	sne.s32 s13, $0x3E;
	[tilespmem:s14+$0x8FC0] =	vst v4;
	v3 =	vmax.f32 v3, $0.0e+00;
	v1 =	vadd.f32 v1, v10  }
.Ltmp4:
0x1cc: {  	[tilespmem:s14+$0x8FD0] =	vst v3;
	v2 =	vmax.f32 v2, $0.0e+00;
	v0 =	vadd.f32 v0, v63;
	(pc) =	sbr.rel @p1 .LBB2_2-.Ltmp4, $4  }
0x1cd: {  	[tilespmem:s14+$0x8FE0] =	vst v2;
	v1 =	vmax.f32 v1, $0.0e+00  }
0x1ce: {  	[tilespmem:s14+$0x8FF0] =	vst v1;
	v0 =	vmax.f32 v0, $0.0e+00  }
0x1cf: {  	[tilespmem:s14+$0x9000] =	vst v0  }
0x1d0: {  	[spmem:s3] =	stream.indirect.scatter.add.f32 [tilespmem:s26], [sflag:$0x6], $0x80, s9, s11, $0xb8;
	[tilespmem:$0x1DC80] =	vst v63  }
0x1d1: {  	_ =	swait.ge [sflag:s29], $0x1400  }
0x1d2: {  	[sflag:s29] =	ssyncset.done $0x0  }
0x1d3: {  	[sflag:s29] =	ssyncadd.s32 $0xFFFFEC00  }
0x1d4: {  	_ =	swait.ge [sflag:s17], $0x1400  }
0x1d5: {  	[sflag:s17] =	ssyncset.done $0x0  }
0x1d6: {  	[sflag:s17] =	ssyncadd.s32 $0xFFFFEC00  }
0x1d7: {  	_ =	swait.ge [sflag:s18], $0x28  }
0x1d8: {  	[sflag:s18] =	ssyncset.done $0x0  }
0x1d9: {  	s13 =	simm.s32 $0xF0;
	[sflag:s18] =	ssyncadd.s32 $0xFFFFFFD8  }
0x1da: {  	v6 =	vld [tilespmem:s13+$0x310]  }
0x1db: {  	v7 =	vld [tilespmem:s13+$0x320]  }
0x1dc: {  	v8 =	vld [tilespmem:s13+$0x330]  }
0x1dd: {  	v9 =	vld [tilespmem:s13+$0x340]  }
0x1de: {  	v10 =	vld [tilespmem:s13+$0x350]  }
0x1df: {  	v11 =	vld [tilespmem:s13+$0x360]  }
0x1e0: {  	v12 =	vld [tilespmem:s13+$0x370]  }
0x1e1: {  	v13 =	vld [tilespmem:s13+$0x380]  }
0x1e2: {  	v14 =	vld [tilespmem:s13+$0x390]  }
0x1e3: {  	v15 =	vld [tilespmem:s13+$0x3A0]  }
0x1e4: {  	v5 =	vld [tilespmem:s13+$0x3B0]  }
0x1e5: {  	v4 =	vld [tilespmem:s13+$0x3C0]  }
0x1e6: {  	v3 =	vld [tilespmem:s13+$0x3D0]  }
0x1e7: {  	v16 =	vld [tilespmem:s13+$0x5310]  }
0x1e8: {  	v17 =	vld [tilespmem:s13+$0x5320]  }
0x1e9: {  	v2 =	vld [tilespmem:s13+$0x3E0]  }
0x1ea: {  	v18 =	vld [tilespmem:s13+$0x5330]  }
0x1eb: {  	v19 =	vld [tilespmem:s13+$0x5340]  }
0x1ec: {  	v1 =	vld [tilespmem:s13+$0x3F0];
	v6 =	vadd.f32 v6, v16  }
0x1ed: {  	v20 =	vld [tilespmem:s13+$0x5350];
	v7 =	vadd.f32 v7, v17  }
0x1ee: {  	v60 =	vld [tilespmem:s13+$0x5360];
	v6 =	vmax.f32 v6, $0.0e+00  }
0x1ef: {  	v0 =	vld [tilespmem:s13+$0x400];
	v7 =	vmax.f32 v7, $0.0e+00;
	[tilespmem:s13+$0x5310] =	vst v6;
	v6 =	vadd.f32 v8, v18  }
0x1f0: {  	v21 =	vld [tilespmem:s13+$0x5370];
	[tilespmem:s13+$0x5320] =	vst v7;
	v7 =	vadd.f32 v9, v19  }
0x1f1: {  	v61 =	vld [tilespmem:s13+$0x5380];
	v6 =	vmax.f32 v6, $0.0e+00  }
0x1f2: {  	v62 =	vld [tilespmem:s13+$0x5390];
	v8 =	vmax.f32 v7, $0.0e+00;
	[tilespmem:s13+$0x5330] =	vst v6;
	v6 =	vadd.f32 v10, v20  }
0x1f3: {  	v63 =	vld [tilespmem:s13+$0x53A0];
	[tilespmem:s13+$0x5340] =	vst v8;
	v8 =	vadd.f32 v11, v60  }
0x1f4: {  	v7 =	vld [tilespmem:s13+$0x53B0];
	v9 =	vmax.f32 v6, $0.0e+00  }
0x1f5: {  	v6 =	vld [tilespmem:s13+$0x53C0];
	v10 =	vmax.f32 v8, $0.0e+00;
	[tilespmem:s13+$0x5350] =	vst v9;
	v9 =	vadd.f32 v12, v21  }
0x1f6: {  	v8 =	vld [tilespmem:s13+$0x53D0];
	[tilespmem:s13+$0x5360] =	vst v10;
	v10 =	vadd.f32 v13, v61  }
0x1f7: {  	v12 =	vadd.f32 v14, v62;
	v11 =	vmax.f32 v9, $0.0e+00;
	v9 =	vld [tilespmem:s13+$0x53E0]  }
0x1f8: {  	s14 =	simm.s32 $0x7C0;
	v13 =	vmax.f32 v10, $0.0e+00;
	v10 =	vld [tilespmem:s13+$0x53F0];
	[tilespmem:s13+$0x5370] =	vst v11;
	v11 =	vadd.f32 v15, v63  }
.LBB2_12:
0x1f9: {  	s19 =	sshra.s32 s14, $0x2;
	p1 =	sne.s32 s14, $0x4FC0;
	[tilespmem:s13+$0x5380] =	vst v13;
	v12 =	vmax.f32 v12, $0.0e+00;
	v5 =	vadd.f32 v5, v7;
	v7 =	vld [tilespmem:s13+$0x5400]  }
0x1fa: {  	v13 =	vld [tilespmem:s19+$0x310];
	[tilespmem:s13+$0x5390] =	vst v12;
	v11 =	vmax.f32 v11, $0.0e+00;
	v4 =	vadd.f32 v4, v6  }
0x1fb: {  	v6 =	vld [tilespmem:s19+$0x320];
	[tilespmem:s13+$0x53A0] =	vst v11;
	v5 =	vmax.f32 v5, $0.0e+00;
	v3 =	vadd.f32 v3, v8  }
0x1fc: {  	v8 =	vld [tilespmem:s19+$0x330];
	[tilespmem:s13+$0x53B0] =	vst v5;
	v4 =	vmax.f32 v4, $0.0e+00;
	v2 =	vadd.f32 v2, v9  }
0x1fd: {  	v9 =	vld [tilespmem:s19+$0x340];
	[tilespmem:s13+$0x53C0] =	vst v4;
	v3 =	vmax.f32 v3, $0.0e+00;
	v1 =	vadd.f32 v1, v10  }
0x1fe: {  	v10 =	vld [tilespmem:s19+$0x350];
	[tilespmem:s13+$0x53D0] =	vst v3;
	v2 =	vmax.f32 v2, $0.0e+00;
	v0 =	vadd.f32 v0, v7  }
0x1ff: {  	v7 =	vld [tilespmem:s19+$0x360];
	[tilespmem:s13+$0x53E0] =	vst v2;
	v1 =	vmax.f32 v1, $0.0e+00  }
0x200: {  	v11 =	vld [tilespmem:s19+$0x370];
	[tilespmem:s13+$0x53F0] =	vst v1;
	v0 =	vmax.f32 v0, $0.0e+00  }
0x201: {  	v12 =	vld [tilespmem:s19+$0x380];
	[tilespmem:s13+$0x5400] =	vst v0;
	s13 =	smov.u32 s19  }
0x202: {  	v14 =	vld [tilespmem:s13+$0x390]  }
0x203: {  	v15 =	vld [tilespmem:s13+$0x3A0]  }
0x204: {  	v5 =	vld [tilespmem:s13+$0x3B0]  }
0x205: {  	v4 =	vld [tilespmem:s13+$0x3C0]  }
0x206: {  	v3 =	vld [tilespmem:s13+$0x3D0]  }
0x207: {  	v2 =	vld [tilespmem:s13+$0x3E0]  }
0x208: {  	v1 =	vld [tilespmem:s13+$0x3F0]  }
0x209: {  	v0 =	vld [tilespmem:s13+$0x400]  }
0x20a: {  	v16 =	vld [tilespmem:s13+$0x5310]  }
0x20b: {  	v17 =	vld [tilespmem:s13+$0x5320]  }
0x20c: {  	v18 =	vld [tilespmem:s13+$0x5330]  }
0x20d: {  	v19 =	vld [tilespmem:s13+$0x5340]  }
0x20e: {  	v20 =	vld [tilespmem:s13+$0x5350]  }
0x20f: {  	v13 =	vadd.f32 v13, v16;
	v16 =	vld [tilespmem:s13+$0x5360]  }
0x210: {  	v6 =	vadd.f32 v6, v17;
	v17 =	vld [tilespmem:s13+$0x5370]  }
0x211: {  	v13 =	vmax.f32 v13, $0.0e+00;
	v8 =	vadd.f32 v8, v18;
	v18 =	vld [tilespmem:s13+$0x5380]  }
0x212: {  	[tilespmem:s13+$0x5310] =	vst v13;
	v6 =	vmax.f32 v6, $0.0e+00;
	v9 =	vadd.f32 v9, v19;
	v13 =	vld [tilespmem:s13+$0x5390]  }
0x213: {  	[tilespmem:s13+$0x5320] =	vst v6;
	v6 =	vmax.f32 v8, $0.0e+00;
	v8 =	vadd.f32 v10, v20;
	v10 =	vld [tilespmem:s13+$0x53A0]  }
.Ltmp5:
0x214: {  	[tilespmem:s13+$0x5330] =	vst v6;
	v6 =	vmax.f32 v9, $0.0e+00;
	v9 =	vadd.f32 v7, v16;
	v7 =	vld [tilespmem:s13+$0x53B0];
	(pc) =	sbr.rel @p1 .LBB2_12-.Ltmp5, $4  }
0x215: {  	[tilespmem:s13+$0x5340] =	vst v6;
	v8 =	vmax.f32 v8, $0.0e+00;
	v11 =	vadd.f32 v11, v17;
	v6 =	vld [tilespmem:s13+$0x53C0]  }
0x216: {  	[tilespmem:s13+$0x5350] =	vst v8;
	v9 =	vmax.f32 v9, $0.0e+00;
	v16 =	vadd.f32 v12, v18;
	v8 =	vld [tilespmem:s13+$0x53D0]  }
0x217: {  	[tilespmem:s13+$0x5360] =	vst v9;
	v11 =	vmax.f32 v11, $0.0e+00;
	v12 =	vadd.f32 v14, v13;
	v9 =	vld [tilespmem:s13+$0x53E0]  }
0x218: {  	s14 =	sadd.s32 $0x400, s14;
	[tilespmem:s13+$0x5370] =	vst v11;
	v13 =	vmax.f32 v16, $0.0e+00;
	v11 =	vadd.f32 v15, v10;
	v10 =	vld [tilespmem:s13+$0x53F0]  }
0x219: {  	[tilespmem:s13+$0x5380] =	vst v13;
	v12 =	vmax.f32 v12, $0.0e+00;
	v5 =	vadd.f32 v5, v7;
	v7 =	vld [tilespmem:s13+$0x5400]  }
0x21a: {  	[tilespmem:s13+$0x5390] =	vst v12;
	v11 =	vmax.f32 v11, $0.0e+00;
	v4 =	vadd.f32 v4, v6  }
0x21b: {  	[tilespmem:s13+$0x53A0] =	vst v11;
	v5 =	vmax.f32 v5, $0.0e+00;
	v3 =	vadd.f32 v3, v8  }
0x21c: {  	[tilespmem:s13+$0x53B0] =	vst v5;
	v4 =	vmax.f32 v4, $0.0e+00;
	v2 =	vadd.f32 v2, v9  }
0x21d: {  	[tilespmem:s13+$0x53C0] =	vst v4;
	v3 =	vmax.f32 v3, $0.0e+00;
	v1 =	vadd.f32 v1, v10  }
0x21e: {  	[tilespmem:s13+$0x53D0] =	vst v3;
	v2 =	vmax.f32 v2, $0.0e+00;
	v0 =	vadd.f32 v0, v7  }
0x21f: {  	[tilespmem:s13+$0x53E0] =	vst v2;
	v1 =	vmax.f32 v1, $0.0e+00  }
0x220: {  	[tilespmem:s13+$0x53F0] =	vst v1;
	v0 =	vmax.f32 v0, $0.0e+00  }
0x221: {  	[tilespmem:s13+$0x5400] =	vst v0  }
0x222: {  	[spmem:s3] =	stream.indirect.scatter.add.f32 [tilespmem:s12], [sflag:$0x5], $0x80, s0, s11, $0xb8;
	[tilespmem:$0x1DC80] =	vst v63  }
0x223: {  	_ =	swait.ge [sflag:s31], $0x1400  }
0x224: {  	[sflag:s31] =	ssyncset.done $0x0  }
0x225: {  	[sflag:s31] =	ssyncadd.s32 $0xFFFFEC00  }
0x226: {  	_ =	swait.ge [sflag:s7], $0x1400  }
0x227: {  	[sflag:s7] =	ssyncset.done $0x0  }
0x228: {  	[sflag:s7] =	ssyncadd.s32 $0xFFFFEC00  }
0x229: {  	_ =	swait.ge [sflag:s28], $0x28  }
0x22a: {  	[sflag:s28] =	ssyncset.done $0x0  }
0x22b: {  	s13 =	simm.s32 $0xF0;
	[sflag:s28] =	ssyncadd.s32 $0xFFFFFFD8  }
0x22c: {  	v6 =	vld [tilespmem:s13+$0x1710]  }
0x22d: {  	v7 =	vld [tilespmem:s13+$0x1720]  }
0x22e: {  	v8 =	vld [tilespmem:s13+$0x1730]  }
0x22f: {  	v9 =	vld [tilespmem:s13+$0x1740]  }
0x230: {  	v10 =	vld [tilespmem:s13+$0x1750]  }
0x231: {  	v11 =	vld [tilespmem:s13+$0x1760]  }
0x232: {  	v12 =	vld [tilespmem:s13+$0x1770]  }
0x233: {  	v13 =	vld [tilespmem:s13+$0x1780]  }
0x234: {  	v14 =	vld [tilespmem:s13+$0x1790]  }
0x235: {  	v15 =	vld [tilespmem:s13+$0x17A0]  }
0x236: {  	v5 =	vld [tilespmem:s13+$0x17B0]  }
0x237: {  	v4 =	vld [tilespmem:s13+$0x17C0]  }
0x238: {  	v3 =	vld [tilespmem:s13+$0x17D0]  }
0x239: {  	v16 =	vld [tilespmem:s13+$0x6710]  }
0x23a: {  	v17 =	vld [tilespmem:s13+$0x6720]  }
0x23b: {  	v2 =	vld [tilespmem:s13+$0x17E0]  }
0x23c: {  	v18 =	vld [tilespmem:s13+$0x6730]  }
0x23d: {  	v19 =	vld [tilespmem:s13+$0x6740]  }
0x23e: {  	v1 =	vld [tilespmem:s13+$0x17F0];
	v6 =	vadd.f32 v6, v16  }
0x23f: {  	v20 =	vld [tilespmem:s13+$0x6750];
	v7 =	vadd.f32 v7, v17  }
0x240: {  	v60 =	vld [tilespmem:s13+$0x6760];
	v6 =	vmax.f32 v6, $0.0e+00  }
0x241: {  	v0 =	vld [tilespmem:s13+$0x1800];
	v7 =	vmax.f32 v7, $0.0e+00;
	[tilespmem:s13+$0x6710] =	vst v6;
	v6 =	vadd.f32 v8, v18  }
0x242: {  	v21 =	vld [tilespmem:s13+$0x6770];
	[tilespmem:s13+$0x6720] =	vst v7;
	v7 =	vadd.f32 v9, v19  }
0x243: {  	v61 =	vld [tilespmem:s13+$0x6780];
	v6 =	vmax.f32 v6, $0.0e+00  }
0x244: {  	v62 =	vld [tilespmem:s13+$0x6790];
	v8 =	vmax.f32 v7, $0.0e+00;
	[tilespmem:s13+$0x6730] =	vst v6;
	v6 =	vadd.f32 v10, v20  }
0x245: {  	v63 =	vld [tilespmem:s13+$0x67A0];
	[tilespmem:s13+$0x6740] =	vst v8;
	v8 =	vadd.f32 v11, v60  }
0x246: {  	v7 =	vld [tilespmem:s13+$0x67B0];
	v9 =	vmax.f32 v6, $0.0e+00  }
0x247: {  	v6 =	vld [tilespmem:s13+$0x67C0];
	v10 =	vmax.f32 v8, $0.0e+00;
	[tilespmem:s13+$0x6750] =	vst v9;
	v9 =	vadd.f32 v12, v21  }
0x248: {  	v8 =	vld [tilespmem:s13+$0x67D0];
	[tilespmem:s13+$0x6760] =	vst v10;
	v10 =	vadd.f32 v13, v61  }
0x249: {  	v12 =	vadd.f32 v14, v62;
	v11 =	vmax.f32 v9, $0.0e+00;
	v9 =	vld [tilespmem:s13+$0x67E0]  }
0x24a: {  	s14 =	simm.s32 $0x7C0;
	s20 =	simm.s32 $0x9;
	s21 =	rddreg [dreg:$0x19];
	v13 =	vmax.f32 v10, $0.0e+00;
	v10 =	vld [tilespmem:s13+$0x67F0];
	[tilespmem:s13+$0x6770] =	vst v11;
	v11 =	vadd.f32 v15, v63  }
.LBB2_14:
0x24b: {  	s19 =	sshra.s32 s14, $0x2;
	p1 =	sne.s32 s14, $0x4FC0;
	[tilespmem:s13+$0x6780] =	vst v13;
	v12 =	vmax.f32 v12, $0.0e+00;
	v5 =	vadd.f32 v5, v7;
	v7 =	vld [tilespmem:s13+$0x6800]  }
0x24c: {  	v13 =	vld [tilespmem:s19+$0x1710];
	[tilespmem:s13+$0x6790] =	vst v12;
	v11 =	vmax.f32 v11, $0.0e+00;
	v4 =	vadd.f32 v4, v6  }
0x24d: {  	v6 =	vld [tilespmem:s19+$0x1720];
	[tilespmem:s13+$0x67A0] =	vst v11;
	v5 =	vmax.f32 v5, $0.0e+00;
	v3 =	vadd.f32 v3, v8  }
0x24e: {  	v8 =	vld [tilespmem:s19+$0x1730];
	[tilespmem:s13+$0x67B0] =	vst v5;
	v4 =	vmax.f32 v4, $0.0e+00;
	v2 =	vadd.f32 v2, v9  }
0x24f: {  	v9 =	vld [tilespmem:s19+$0x1740];
	[tilespmem:s13+$0x67C0] =	vst v4;
	v3 =	vmax.f32 v3, $0.0e+00;
	v1 =	vadd.f32 v1, v10  }
0x250: {  	v10 =	vld [tilespmem:s19+$0x1750];
	[tilespmem:s13+$0x67D0] =	vst v3;
	v2 =	vmax.f32 v2, $0.0e+00;
	v0 =	vadd.f32 v0, v7  }
0x251: {  	v7 =	vld [tilespmem:s19+$0x1760];
	[tilespmem:s13+$0x67E0] =	vst v2;
	v1 =	vmax.f32 v1, $0.0e+00  }
0x252: {  	v11 =	vld [tilespmem:s19+$0x1770];
	[tilespmem:s13+$0x67F0] =	vst v1;
	v0 =	vmax.f32 v0, $0.0e+00  }
0x253: {  	v12 =	vld [tilespmem:s19+$0x1780];
	[tilespmem:s13+$0x6800] =	vst v0;
	s13 =	smov.u32 s19  }
0x254: {  	v14 =	vld [tilespmem:s13+$0x1790]  }
0x255: {  	v15 =	vld [tilespmem:s13+$0x17A0]  }
0x256: {  	v5 =	vld [tilespmem:s13+$0x17B0]  }
0x257: {  	v4 =	vld [tilespmem:s13+$0x17C0]  }
0x258: {  	v3 =	vld [tilespmem:s13+$0x17D0]  }
0x259: {  	v2 =	vld [tilespmem:s13+$0x17E0]  }
0x25a: {  	v1 =	vld [tilespmem:s13+$0x17F0]  }
0x25b: {  	v0 =	vld [tilespmem:s13+$0x1800]  }
0x25c: {  	v16 =	vld [tilespmem:s13+$0x6710]  }
0x25d: {  	v17 =	vld [tilespmem:s13+$0x6720]  }
0x25e: {  	v18 =	vld [tilespmem:s13+$0x6730]  }
0x25f: {  	v19 =	vld [tilespmem:s13+$0x6740]  }
0x260: {  	v20 =	vld [tilespmem:s13+$0x6750]  }
0x261: {  	v13 =	vadd.f32 v13, v16;
	v16 =	vld [tilespmem:s13+$0x6760]  }
0x262: {  	v6 =	vadd.f32 v6, v17;
	v17 =	vld [tilespmem:s13+$0x6770]  }
0x263: {  	v13 =	vmax.f32 v13, $0.0e+00;
	v8 =	vadd.f32 v8, v18;
	v18 =	vld [tilespmem:s13+$0x6780]  }
0x264: {  	[tilespmem:s13+$0x6710] =	vst v13;
	v6 =	vmax.f32 v6, $0.0e+00;
	v9 =	vadd.f32 v9, v19;
	v13 =	vld [tilespmem:s13+$0x6790]  }
0x265: {  	[tilespmem:s13+$0x6720] =	vst v6;
	v6 =	vmax.f32 v8, $0.0e+00;
	v8 =	vadd.f32 v10, v20;
	v10 =	vld [tilespmem:s13+$0x67A0]  }
.Ltmp6:
0x266: {  	[tilespmem:s13+$0x6730] =	vst v6;
	v6 =	vmax.f32 v9, $0.0e+00;
	v9 =	vadd.f32 v7, v16;
	v7 =	vld [tilespmem:s13+$0x67B0];
	(pc) =	sbr.rel @p1 .LBB2_14-.Ltmp6, $4  }
0x267: {  	[tilespmem:s13+$0x6740] =	vst v6;
	v8 =	vmax.f32 v8, $0.0e+00;
	v11 =	vadd.f32 v11, v17;
	v6 =	vld [tilespmem:s13+$0x67C0]  }
0x268: {  	[tilespmem:s13+$0x6750] =	vst v8;
	v9 =	vmax.f32 v9, $0.0e+00;
	v16 =	vadd.f32 v12, v18;
	v8 =	vld [tilespmem:s13+$0x67D0]  }
0x269: {  	[tilespmem:s13+$0x6760] =	vst v9;
	v11 =	vmax.f32 v11, $0.0e+00;
	v12 =	vadd.f32 v14, v13;
	v9 =	vld [tilespmem:s13+$0x67E0]  }
0x26a: {  	s14 =	sadd.s32 $0x400, s14;
	[tilespmem:s13+$0x6770] =	vst v11;
	v13 =	vmax.f32 v16, $0.0e+00;
	v11 =	vadd.f32 v15, v10;
	v10 =	vld [tilespmem:s13+$0x67F0]  }
0x26b: {  	[tilespmem:s13+$0x6780] =	vst v13;
	v12 =	vmax.f32 v12, $0.0e+00;
	v5 =	vadd.f32 v5, v7;
	v63 =	vld [tilespmem:s13+$0x6800]  }
0x26c: {  	[tilespmem:s13+$0x6790] =	vst v12;
	v11 =	vmax.f32 v11, $0.0e+00;
	v4 =	vadd.f32 v4, v6  }
0x26d: {  	[tilespmem:s13+$0x67A0] =	vst v11;
	v5 =	vmax.f32 v5, $0.0e+00;
	v3 =	vadd.f32 v3, v8  }
0x26e: {  	[tilespmem:s13+$0x67B0] =	vst v5;
	v4 =	vmax.f32 v4, $0.0e+00;
	v2 =	vadd.f32 v2, v9  }
0x26f: {  	[tilespmem:s13+$0x67C0] =	vst v4;
	v3 =	vmax.f32 v3, $0.0e+00;
	v1 =	vadd.f32 v1, v10  }
0x270: {  	[tilespmem:s13+$0x67D0] =	vst v3;
	v2 =	vmax.f32 v2, $0.0e+00;
	v0 =	vadd.f32 v0, v63  }
0x271: {  	[tilespmem:s13+$0x67E0] =	vst v2;
	v1 =	vmax.f32 v1, $0.0e+00  }
0x272: {  	[tilespmem:s13+$0x67F0] =	vst v1;
	v0 =	vmax.f32 v0, $0.0e+00  }
0x273: {  	[tilespmem:s13+$0x6800] =	vst v0  }
0x274: {  	[spmem:s3] =	stream.indirect.scatter.add.f32 [tilespmem:s16], [sflag:$0x6], $0x80, s8, s11, $0xb8;
	[tilespmem:$0x1DC80] =	vst v63  }
0x275: {  	_ =	swait.ge [sflag:s29], $0x1400  }
0x276: {  	[sflag:s29] =	ssyncset.done $0x0  }
0x277: {  	[sflag:s29] =	ssyncadd.s32 $0xFFFFEC00  }
0x278: {  	_ =	swait.ge [sflag:s31], $0x1400  }
0x279: {  	[sflag:s31] =	ssyncset.done $0x0  }
0x27a: {  	[sflag:s31] =	ssyncadd.s32 $0xFFFFEC00  }
0x27b: {  	[bflag:$0x0] =	sbarrier.arrive $0xFFFF  }
0x27c: {  	s14 =	rddreg [dreg:$0x7]  }
0x27d: {  	s23 =	rddreg [dreg:$0x17]  }
0x27e: {  	s19 =	rddreg [dreg:$0x1a]  }
0x27f: {  	[hbm:s23], [sflag:s14] =	dma.local [spmem:s19], $0x2700  }
0x280: {  	_ =	swait.ge [sflag:s20], $0x2700  }
0x281: {  	[sflag:s20] =	ssyncset.done $0x0;
	s13 =	rddreg [dreg:$0x14]  }
0x282: {  	s19 =	rddreg [dreg:$0x1b];
	[sflag:s20] =	ssyncadd.s32 $0xFFFFD900;
	s13 =	sadd.s32 @!p0 $0x27000, s13  }
0x283: {  	[hbm:s13], [sflag:s14] =	dma.local @!p0 [spmem:s19], $0x100  }
0x284: {  	s13 =	simm.s32 @!p0 $0x9  }
0x285: {  	_ =	swait.ge @!p0 [sflag:s13], $0x100  }
0x286: {  	s21 =	sadd.s32 $0x1, s21;
	s23 =	rddreg [dreg:$0x16]  }
0x287: {  	p1 =	sne.s32 s21, s23  }
.Ltmp7:
0x288: {  	_ = 	snop;
	(pc) =	sbr.rel @p1 .LBB2_1-.Ltmp7, $3  }
0x289: {  	_ =	sdelay $0x1  }
0x28a: {  	[sflag:s13] =	ssyncset.done @!p0 $0x0  }
0x28b: {  	[sflag:s13] =	ssyncadd.s32 @!p0 $0xFFFFFF00  }
0x28c: {  	_ =	sfence.sel $0x180000  }
0x28d: {  	[bflag:$0x0] =	sbarrier.arrive $0xFFFF  }
0x28e: {  	_ =	strace $0x90000047  }
0x28f: {  	[bflag:$0x2] =	sbarrier.arrive $0xFFFF  }
0x290: {  	s0 =	rddreg [dreg:$0x4]  }
0x291: {  	s0 =	sadd.s32 @!p0 $0x100000, s0  }
0x292: {  	[sflag:s0] =	ssyncadd.tile.s32 @!p0 $0x1;
	_ =	shalt  }
.Lfunc_end2:
_tile_overlayer_lowered:
.L_overlay_start_2:
0x293: {  	(tag) =	ssettag $0x2  }
0x294: {  	s0 =	rddreg [dreg:$0x0];
	s2 =	stileid.u32  }
0x295: {  	s1 =	rddreg [dreg:$0x1];
	p0 =	sne.s32 s2, $0x0  }
0x296: {  	s3 =	rddreg [dreg:$0x2];
	[bflag:$0x3] =	sbarrier.arrive $0xFFFF;
	s2 =	simm.s32 @!p0 $0x1C09  }
0x297: {  	[timem:s3], [sflag:s2] =	dma.local @!p0 [hbm:s0], s1  }
0x298: {  	s0 =	simm.s32 @!p0 $0x9  }
0x299: {  	_ =	swait.ge @!p0 [sflag:s0], s1  }
0x29a: {  	s1 =	ssub.s32 @!p0 $0x0, s1;
	[sflag:s0] =	ssyncset.done @!p0 $0x0  }
0x29b: {  	[sflag:s0] =	ssyncadd.s32 @!p0 s1  }
0x29c: {  	[bflag:$0x3] =	sbarrier.arrive $0xFFFF  }
0x29d: {  	_ =	shalt  }

</sc_bundles>
